<compile_context>
chip_gen: v7x
topology: tpu7x:2x2x1
jax: 0.10.2.dev20260603
libtpu: 0.0.44.dev20260713+nightly
codegen_flags: <defaults>
</compile_context>

<pallas_src>
import functools

import jax
import jax.numpy as jnp
from jax import lax
from jax.experimental import pallas as pl
from jax.experimental.pallas import tpu as pltpu
from jax.experimental.pallas import tpu_sc as plsc

NUM_ROWS = 1000000
NUM_FACTORS = 32
BATCH = 16384
NC = 2
NS = 16
NW = NC * NS
BPW = BATCH // NW
NSLOT = 8
GRP = 16
NGRP = BPW // GRP

_mesh = plsc.VectorSubcoreMesh(
    core_axis_name="c", subcore_axis_name="s", num_cores=NC, num_subcores=NS
)


@functools.partial(
    pl.kernel,
    out_type=jax.ShapeDtypeStruct((BATCH,), jnp.float32),
    mesh=_mesh,
    compiler_params=pltpu.CompilerParams(needs_layout_passes=False),
    scratch_types=[
        pltpu.VMEM((BPW,), jnp.int32),
        pltpu.VMEM((BPW,), jnp.int32),
        pltpu.VMEM((NSLOT * NUM_FACTORS, 128), jnp.float32),
        pltpu.VMEM((NSLOT * NUM_FACTORS, 128), jnp.float32),
        pltpu.VMEM((GRP, 16), jnp.float32),
        pltpu.VMEM((BPW,), jnp.float32),
    ]
    + [pltpu.SemaphoreType.DMA] * (2 * NSLOT),
)
def _mf_dot(uf_t, if_t, user_hbm, item_hbm, out_hbm,
            us_s, is_s, ubuf, ibuf, part_v, out_v, *sems):
    usem, isem = sems[:NSLOT], sems[NSLOT:]
    wid = lax.axis_index("s") * NC + lax.axis_index("c")
    base = wid * BPW

    pltpu.sync_copy(user_hbm.at[pl.ds(base, BPW)], us_s)
    pltpu.sync_copy(item_hbm.at[pl.ds(base, BPW)], is_s)

    iota16 = lax.iota(jnp.int32, 16)

    def fire(ru, ri, slot):
        uc0 = pl.multiple_of((ru >> 7) << 7, 128)
        ic0 = pl.multiple_of((ri >> 7) << 7, 128)
        pltpu.async_copy(
            uf_t.at[:, pl.ds(uc0, 128)],
            ubuf.at[pl.ds(slot * NUM_FACTORS, NUM_FACTORS)], usem[slot])
        pltpu.async_copy(
            if_t.at[:, pl.ds(ic0, 128)],
            ibuf.at[pl.ds(slot * NUM_FACTORS, NUM_FACTORS)], isem[slot])

    def drain(slot):
        pltpu.make_async_copy(
            uf_t.at[:, pl.ds(0, 128)],
            ubuf.at[pl.ds(slot * NUM_FACTORS, NUM_FACTORS)], usem[slot]).wait()
        pltpu.make_async_copy(
            if_t.at[:, pl.ds(0, 128)],
            ibuf.at[pl.ds(slot * NUM_FACTORS, NUM_FACTORS)], isem[slot]).wait()

    def item(uvec, ivec, j, slot, prow):
        drain(slot)
        ulane = jnp.full((16,), uvec[j] & 127, jnp.int32)
        ilane = jnp.full((16,), ivec[j] & 127, jnp.int32)
        rbase = slot * NUM_FACTORS
        u_lo = plsc.load_gather(ubuf, [rbase + iota16, ulane])
        u_hi = plsc.load_gather(ubuf, [rbase + 16 + iota16, ulane])
        i_lo = plsc.load_gather(ibuf, [rbase + iota16, ilane])
        i_hi = plsc.load_gather(ibuf, [rbase + 16 + iota16, ilane])
        part_v[prow] = u_lo * i_lo + u_hi * i_hi

    uvec0 = us_s[pl.ds(0, 16)]
    ivec0 = is_s[pl.ds(0, 16)]
    for j in range(NSLOT):
        fire(uvec0[j], ivec0[j], j)

    def group(g, _):
        uvec = us_s[pl.ds(pl.multiple_of(g * GRP, 16), 16)]
        ivec = is_s[pl.ds(pl.multiple_of(g * GRP, 16), 16)]
        nxt = pl.multiple_of((g + 1) * GRP, 16)
        nxt = pl.multiple_of(jnp.minimum(nxt, BPW - 16), 16)
        uvecn = us_s[pl.ds(nxt, 16)]
        ivecn = is_s[pl.ds(nxt, 16)]

        for j in range(NSLOT):
            item(uvec, ivec, j, j, j)
            fire(uvec[NSLOT + j], ivec[NSLOT + j], j)
        for j in range(NSLOT):
            item(uvec, ivec, NSLOT + j, j, NSLOT + j)

            @pl.when(g + 1 < NGRP)
            def _(j=j):
                fire(uvecn[j], ivecn[j], j)

        acc = jnp.zeros((16,), jnp.float32)
        for f in range(16):
            acc = acc + plsc.load_gather(
                part_v, [iota16, jnp.full((16,), f, jnp.int32)])
        out_v[pl.ds(pl.multiple_of(g * GRP, 16), GRP)] = acc
        return 0

    lax.fori_loop(0, NGRP, group, 0)
    pltpu.sync_copy(out_v, out_hbm.at[pl.ds(base, BPW)])


def kernel(user_factors, item_factors, user, item):
    return _mf_dot(user_factors.T, item_factors.T,
                   user.astype(jnp.int32), item.astype(jnp.int32))

# --- scband reference (transcript-rebuilt; emitter-appended) ---
"""Pipeline reference for scband-matrix-factorization-79242146611433 (READ-ONLY COPY).

The authoritative reference and input builder live on the scoring server;
editing this copy changes nothing except your own understanding.
"""

import jax, jax.numpy as jnp
import numpy as np

NUM_USERS = 1000000
NUM_ITEMS = 1000000
NUM_FACTORS = 32
BATCH = 16384

def setup_inputs(seed: int = 0) -> dict:
    key = jax.random.key(seed)
    k_user, k_item, k_uf, k_if = jax.random.split(key, 4)
    user = jax.random.randint(k_user, (BATCH,), 0, NUM_USERS, dtype=jnp.int64 if jax.config.jax_enable_x64 else jnp.int32)
    item = jax.random.randint(k_item, (BATCH,), 0, NUM_ITEMS, dtype=jnp.int64 if jax.config.jax_enable_x64 else jnp.int32)
    user_factors = jax.random.normal(k_uf, (NUM_USERS, NUM_FACTORS), dtype=jnp.float32)
    item_factors = jax.random.normal(k_if, (NUM_ITEMS, NUM_FACTORS), dtype=jnp.float32)
    return {"user_factors": user_factors, "item_factors": item_factors, "user": user, "item": item}

def reference(user_factors, item_factors, user, item):
    # Faithful translation of MatrixFactorization.forward
    user_embedding = jnp.take(user_factors, user, axis=0)  # gather -> SparseCore
    item_embedding = jnp.take(item_factors, item, axis=0)  # gather -> SparseCore
    return (user_embedding * item_embedding).sum(axis=1)

if __name__ == "__main__":
    import jax
    _d = setup_inputs()
    print(jax.jit(kernel)(*tuple(_d.values())))

</pallas_src>

<mosaic_0001>
#map = affine_map<(d0, d1) -> (0, 0)>
#map1 = affine_map<(d0, d1) -> (0)>
module attributes {stable_mosaic.version = 14 : i64} {
  func.func @_mf_dot(%arg0: i32, %arg1: i32, %arg2: memref<32x1000000xf32, #tpu.memory_space<hbm>>, %arg3: memref<32x1000000xf32, #tpu.memory_space<hbm>>, %arg4: memref<16384xi32, #tpu.memory_space<hbm>>, %arg5: memref<16384xi32, #tpu.memory_space<hbm>>, %arg6: memref<16384xf32, #tpu.memory_space<hbm>>, %arg7: memref<512xi32, #tpu.memory_space<vmem>>, %arg8: memref<512xi32, #tpu.memory_space<vmem>>, %arg9: memref<256x128xf32, #tpu.memory_space<vmem>>, %arg10: memref<256x128xf32, #tpu.memory_space<vmem>>, %arg11: memref<16x16xf32, #tpu.memory_space<vmem>>, %arg12: memref<512xf32, #tpu.memory_space<vmem>>, %arg13: memref<!tpu.dma_semaphore, #tpu.memory_space<semaphore_mem>>, %arg14: memref<!tpu.dma_semaphore, #tpu.memory_space<semaphore_mem>>, %arg15: memref<!tpu.dma_semaphore, #tpu.memory_space<semaphore_mem>>, %arg16: memref<!tpu.dma_semaphore, #tpu.memory_space<semaphore_mem>>, %arg17: memref<!tpu.dma_semaphore, #tpu.memory_space<semaphore_mem>>, %arg18: memref<!tpu.dma_semaphore, #tpu.memory_space<semaphore_mem>>, %arg19: memref<!tpu.dma_semaphore, #tpu.memory_space<semaphore_mem>>, %arg20: memref<!tpu.dma_semaphore, #tpu.memory_space<semaphore_mem>>, %arg21: memref<!tpu.dma_semaphore, #tpu.memory_space<semaphore_mem>>, %arg22: memref<!tpu.dma_semaphore, #tpu.memory_space<semaphore_mem>>, %arg23: memref<!tpu.dma_semaphore, #tpu.memory_space<semaphore_mem>>, %arg24: memref<!tpu.dma_semaphore, #tpu.memory_space<semaphore_mem>>, %arg25: memref<!tpu.dma_semaphore, #tpu.memory_space<semaphore_mem>>, %arg26: memref<!tpu.dma_semaphore, #tpu.memory_space<semaphore_mem>>, %arg27: memref<!tpu.dma_semaphore, #tpu.memory_space<semaphore_mem>>, %arg28: memref<!tpu.dma_semaphore, #tpu.memory_space<semaphore_mem>>) attributes {dimension_semantics = [#tpu.dimension_semantics<core_parallel>, #tpu.dimension_semantics<subcore_parallel>], iteration_bounds = array<i64: 2, 16>, scalar_prefetch = 0 : i64, scratch_operands = 22 : i64, tpu.core_type = #tpu.core_type<sc_vector_subcore>, window_params = [{transform_indices = #map}, {transform_indices = #map}, {transform_indices = #map1}, {transform_indices = #map1}, {transform_indices = #map1}]} {
    %mul3A = arith.constant 2 : i32
    %mul3A_0 = arith.muli %arg1, %mul3A : i32
    %add3A = arith.addi %mul3A_0, %arg0 : i32
    %mul3A_1 = arith.constant 512 : i32
    %mul3A_2 = arith.muli %add3A, %mul3A_1 : i32
    "tpu.region"() ({
      %run_scoped3A = tpu.sem_alloc : memref<!tpu.dma_semaphore, #tpu.memory_space<semaphore_mem>>
      %dma_start3A_278 = tpu.memref_slice %arg4[%mul3A_2] : memref<16384xi32, #tpu.memory_space<hbm>> -> memref<512xi32, #tpu.memory_space<hbm>>
      %dma_start3A_279 = tpu.memref_slice %arg4[%mul3A_2] : memref<16384xi32, #tpu.memory_space<hbm>> -> memref<512xi32, #tpu.memory_space<hbm>>
      tpu.enqueue_dma source(%dma_start3A_279 : memref<512xi32, #tpu.memory_space<hbm>>) target(%arg7 : memref<512xi32, #tpu.memory_space<vmem>>) target_semaphore(%run_scoped3A : memref<!tpu.dma_semaphore, #tpu.memory_space<semaphore_mem>>)
      %dma_wait3A = tpu.memref_slice %arg4[%mul3A_2] : memref<16384xi32, #tpu.memory_space<hbm>> -> memref<512xi32, #tpu.memory_space<hbm>>
      %dma_wait3A_280 = tpu.memref_slice %arg4[%mul3A_2] : memref<16384xi32, #tpu.memory_space<hbm>> -> memref<512xi32, #tpu.memory_space<hbm>>
      tpu.wait_dma2 semaphore(%run_scoped3A : memref<!tpu.dma_semaphore, #tpu.memory_space<semaphore_mem>>) src(%dma_wait3A_280 : memref<512xi32, #tpu.memory_space<hbm>>) dst(%arg7 : memref<512xi32, #tpu.memory_space<vmem>>)
      tpu.yield
    }) : () -> ()
    "tpu.region"() ({
      %run_scoped3A = tpu.sem_alloc : memref<!tpu.dma_semaphore, #tpu.memory_space<semaphore_mem>>
      %dma_start3A_278 = tpu.memref_slice %arg5[%mul3A_2] : memref<16384xi32, #tpu.memory_space<hbm>> -> memref<512xi32, #tpu.memory_space<hbm>>
      %dma_start3A_279 = tpu.memref_slice %arg5[%mul3A_2] : memref<16384xi32, #tpu.memory_space<hbm>> -> memref<512xi32, #tpu.memory_space<hbm>>
      tpu.enqueue_dma source(%dma_start3A_279 : memref<512xi32, #tpu.memory_space<hbm>>) target(%arg8 : memref<512xi32, #tpu.memory_space<vmem>>) target_semaphore(%run_scoped3A : memref<!tpu.dma_semaphore, #tpu.memory_space<semaphore_mem>>)
      %dma_wait3A = tpu.memref_slice %arg5[%mul3A_2] : memref<16384xi32, #tpu.memory_space<hbm>> -> memref<512xi32, #tpu.memory_space<hbm>>
      %dma_wait3A_280 = tpu.memref_slice %arg5[%mul3A_2] : memref<16384xi32, #tpu.memory_space<hbm>> -> memref<512xi32, #tpu.memory_space<hbm>>
      tpu.wait_dma2 semaphore(%run_scoped3A : memref<!tpu.dma_semaphore, #tpu.memory_space<semaphore_mem>>) src(%dma_wait3A_280 : memref<512xi32, #tpu.memory_space<hbm>>) dst(%arg8 : memref<512xi32, #tpu.memory_space<vmem>>)
      tpu.yield
    }) : () -> ()
    %iota3A = tpu.iota {dimensions = array<i32: 0>} : vector<16xi32>
    %get3A = arith.constant 0 : index
    %get3A_3 = tpu.vector_load %arg7[%get3A] {strides = array<i32>} : memref<512xi32, #tpu.memory_space<vmem>>, vector<16xi32>,
    %get3A_4 = arith.constant 0 : index
    %get3A_5 = tpu.vector_load %arg8[%get3A_4] {strides = array<i32>} : memref<512xi32, #tpu.memory_space<vmem>>, vector<16xi32>,
    %slice3A = vector.extract_strided_slice %get3A_3 {offsets = [0], sizes = [1], strides = [1]} : vector<16xi32> to vector<1xi32>
    %squeeze3A = vector.extract %slice3A[0] : i32 from vector<1xi32>
    %slice3A_6 = vector.extract_strided_slice %get3A_5 {offsets = [0], sizes = [1], strides = [1]} : vector<16xi32> to vector<1xi32>
    %squeeze3A_7 = vector.extract %slice3A_6[0] : i32 from vector<1xi32>
    %shift_right_arithmetic3A = arith.constant 7 : i32
    %shift_right_arithmetic3A_8 = arith.shrsi %squeeze3A, %shift_right_arithmetic3A : i32
    %shift_left3A = arith.constant 7 : i32
    %shift_left3A_9 = arith.shli %shift_right_arithmetic3A_8, %shift_left3A : i32
    %multiple_of3A = tpu.assume_multiple %shift_left3A_9, 128 : i32
    %shift_right_arithmetic3A_10 = arith.constant 7 : i32
    %shift_right_arithmetic3A_11 = arith.shrsi %squeeze3A_7, %shift_right_arithmetic3A_10 : i32
    %shift_left3A_12 = arith.constant 7 : i32
    %shift_left3A_13 = arith.shli %shift_right_arithmetic3A_11, %shift_left3A_12 : i32
    %multiple_of3A_14 = tpu.assume_multiple %shift_left3A_13, 128 : i32
    %dma_start3A = arith.constant 0 : i32
    %dma_start3A_15 = arith.constant 0 : i32
    %dma_start3A_16 = tpu.memref_slice %arg9[%dma_start3A, %dma_start3A_15] : memref<256x128xf32, #tpu.memory_space<vmem>> -> memref<32x128xf32, #tpu.memory_space<vmem>>
    %dma_start3A_17 = arith.constant 0 : i32
    %dma_start3A_18 = tpu.memref_slice %arg2[%dma_start3A_17, %multiple_of3A] : memref<32x1000000xf32, #tpu.memory_space<hbm>> -> memref<32x128xf32, #tpu.memory_space<hbm>>
    %dma_start3A_19 = arith.constant 0 : i32
    %dma_start3A_20 = arith.constant 0 : i32
    %dma_start3A_21 = tpu.memref_slice %arg9[%dma_start3A_19, %dma_start3A_20] : memref<256x128xf32, #tpu.memory_space<vmem>> -> memref<32x128xf32, #tpu.memory_space<vmem>>
    %dma_start3A_22 = arith.constant 0 : i32
    %dma_start3A_23 = tpu.memref_slice %arg2[%dma_start3A_22, %multiple_of3A] : memref<32x1000000xf32, #tpu.memory_space<hbm>> -> memref<32x128xf32, #tpu.memory_space<hbm>>
    tpu.enqueue_dma source(%dma_start3A_23 : memref<32x128xf32, #tpu.memory_space<hbm>>) target(%dma_start3A_21 : memref<32x128xf32, #tpu.memory_space<vmem>>) target_semaphore(%arg13 : memref<!tpu.dma_semaphore, #tpu.memory_space<semaphore_mem>>)
    %dma_start3A_24 = arith.constant 0 : i32
    %dma_start3A_25 = arith.constant 0 : i32
    %dma_start3A_26 = tpu.memref_slice %arg10[%dma_start3A_24, %dma_start3A_25] : memref<256x128xf32, #tpu.memory_space<vmem>> -> memref<32x128xf32, #tpu.memory_space<vmem>>
    %dma_start3A_27 = arith.constant 0 : i32
    %dma_start3A_28 = tpu.memref_slice %arg3[%dma_start3A_27, %multiple_of3A_14] : memref<32x1000000xf32, #tpu.memory_space<hbm>> -> memref<32x128xf32, #tpu.memory_space<hbm>>
    %dma_start3A_29 = arith.constant 0 : i32
    %dma_start3A_30 = arith.constant 0 : i32
    %dma_start3A_31 = tpu.memref_slice %arg10[%dma_start3A_29, %dma_start3A_30] : memref<256x128xf32, #tpu.memory_space<vmem>> -> memref<32x128xf32, #tpu.memory_space<vmem>>
    %dma_start3A_32 = arith.constant 0 : i32
    %dma_start3A_33 = tpu.memref_slice %arg3[%dma_start3A_32, %multiple_of3A_14] : memref<32x1000000xf32, #tpu.memory_space<hbm>> -> memref<32x128xf32, #tpu.memory_space<hbm>>
    tpu.enqueue_dma source(%dma_start3A_33 : memref<32x128xf32, #tpu.memory_space<hbm>>) target(%dma_start3A_31 : memref<32x128xf32, #tpu.memory_space<vmem>>) target_semaphore(%arg21 : memref<!tpu.dma_semaphore, #tpu.memory_space<semaphore_mem>>)
    %slice3A_34 = vector.extract_strided_slice %get3A_3 {offsets = [1], sizes = [1], strides = [1]} : vector<16xi32> to vector<1xi32>
    %squeeze3A_35 = vector.extract %slice3A_34[0] : i32 from vector<1xi32>
    %slice3A_36 = vector.extract_strided_slice %get3A_5 {offsets = [1], sizes = [1], strides = [1]} : vector<16xi32> to vector<1xi32>
    %squeeze3A_37 = vector.extract %slice3A_36[0] : i32 from vector<1xi32>
    %shift_right_arithmetic3A_38 = arith.constant 7 : i32
    %shift_right_arithmetic3A_39 = arith.shrsi %squeeze3A_35, %shift_right_arithmetic3A_38 : i32
    %shift_left3A_40 = arith.constant 7 : i32
    %shift_left3A_41 = arith.shli %shift_right_arithmetic3A_39, %shift_left3A_40 : i32
    %multiple_of3A_42 = tpu.assume_multiple %shift_left3A_41, 128 : i32
    %shift_right_arithmetic3A_43 = arith.constant 7 : i32
    %shift_right_arithmetic3A_44 = arith.shrsi %squeeze3A_37, %shift_right_arithmetic3A_43 : i32
    %shift_left3A_45 = arith.constant 7 : i32
    %shift_left3A_46 = arith.shli %shift_right_arithmetic3A_44, %shift_left3A_45 : i32
    %multiple_of3A_47 = tpu.assume_multiple %shift_left3A_46, 128 : i32
    %dma_start3A_48 = arith.constant 32 : i32
    %dma_start3A_49 = arith.constant 0 : i32
    %dma_start3A_50 = tpu.memref_slice %arg9[%dma_start3A_48, %dma_start3A_49] : memref<256x128xf32, #tpu.memory_space<vmem>> -> memref<32x128xf32, #tpu.memory_space<vmem>>
    %dma_start3A_51 = arith.constant 0 : i32
    %dma_start3A_52 = tpu.memref_slice %arg2[%dma_start3A_51, %multiple_of3A_42] : memref<32x1000000xf32, #tpu.memory_space<hbm>> -> memref<32x128xf32, #tpu.memory_space<hbm>>
    %dma_start3A_53 = arith.constant 32 : i32
    %dma_start3A_54 = arith.constant 0 : i32
    %dma_start3A_55 = tpu.memref_slice %arg9[%dma_start3A_53, %dma_start3A_54] : memref<256x128xf32, #tpu.memory_space<vmem>> -> memref<32x128xf32, #tpu.memory_space<vmem>>
    %dma_start3A_56 = arith.constant 0 : i32
    %dma_start3A_57 = tpu.memref_slice %arg2[%dma_start3A_56, %multiple_of3A_42] : memref<32x1000000xf32, #tpu.memory_space<hbm>> -> memref<32x128xf32, #tpu.memory_space<hbm>>
    tpu.enqueue_dma source(%dma_start3A_57 : memref<32x128xf32, #tpu.memory_space<hbm>>) target(%dma_start3A_55 : memref<32x128xf32, #tpu.memory_space<vmem>>) target_semaphore(%arg14 : memref<!tpu.dma_semaphore, #tpu.memory_space<semaphore_mem>>)
    %dma_start3A_58 = arith.constant 32 : i32
    %dma_start3A_59 = arith.constant 0 : i32
    %dma_start3A_60 = tpu.memref_slice %arg10[%dma_start3A_58, %dma_start3A_59] : memref<256x128xf32, #tpu.memory_space<vmem>> -> memref<32x128xf32, #tpu.memory_space<vmem>>
    %dma_start3A_61 = arith.constant 0 : i32
    %dma_start3A_62 = tpu.memref_slice %arg3[%dma_start3A_61, %multiple_of3A_47] : memref<32x1000000xf32, #tpu.memory_space<hbm>> -> memref<32x128xf32, #tpu.memory_space<hbm>>
    %dma_start3A_63 = arith.constant 32 : i32
    %dma_start3A_64 = arith.constant 0 : i32
    %dma_start3A_65 = tpu.memref_slice %arg10[%dma_start3A_63, %dma_start3A_64] : memref<256x128xf32, #tpu.memory_space<vmem>> -> memref<32x128xf32, #tpu.memory_space<vmem>>
    %dma_start3A_66 = arith.constant 0 : i32
    %dma_start3A_67 = tpu.memref_slice %arg3[%dma_start3A_66, %multiple_of3A_47] : memref<32x1000000xf32, #tpu.memory_space<hbm>> -> memref<32x128xf32, #tpu.memory_space<hbm>>
    tpu.enqueue_dma source(%dma_start3A_67 : memref<32x128xf32, #tpu.memory_space<hbm>>) target(%dma_start3A_65 : memref<32x128xf32, #tpu.memory_space<vmem>>) target_semaphore(%arg22 : memref<!tpu.dma_semaphore, #tpu.memory_space<semaphore_mem>>)
    %slice3A_68 = vector.extract_strided_slice %get3A_3 {offsets = [2], sizes = [1], strides = [1]} : vector<16xi32> to vector<1xi32>
    %squeeze3A_69 = vector.extract %slice3A_68[0] : i32 from vector<1xi32>
    %slice3A_70 = vector.extract_strided_slice %get3A_5 {offsets = [2], sizes = [1], strides = [1]} : vector<16xi32> to vector<1xi32>
    %squeeze3A_71 = vector.extract %slice3A_70[0] : i32 from vector<1xi32>
    %shift_right_arithmetic3A_72 = arith.constant 7 : i32
    %shift_right_arithmetic3A_73 = arith.shrsi %squeeze3A_69, %shift_right_arithmetic3A_72 : i32
    %shift_left3A_74 = arith.constant 7 : i32
    %shift_left3A_75 = arith.shli %shift_right_arithmetic3A_73, %shift_left3A_74 : i32
    %multiple_of3A_76 = tpu.assume_multiple %shift_left3A_75, 128 : i32
    %shift_right_arithmetic3A_77 = arith.constant 7 : i32
    %shift_right_arithmetic3A_78 = arith.shrsi %squeeze3A_71, %shift_right_arithmetic3A_77 : i32
    %shift_left3A_79 = arith.constant 7 : i32
    %shift_left3A_80 = arith.shli %shift_right_arithmetic3A_78, %shift_left3A_79 : i32
    %multiple_of3A_81 = tpu.assume_multiple %shift_left3A_80, 128 : i32
    %dma_start3A_82 = arith.constant 64 : i32
    %dma_start3A_83 = arith.constant 0 : i32
    %dma_start3A_84 = tpu.memref_slice %arg9[%dma_start3A_82, %dma_start3A_83] : memref<256x128xf32, #tpu.memory_space<vmem>> -> memref<32x128xf32, #tpu.memory_space<vmem>>
    %dma_start3A_85 = arith.constant 0 : i32
    %dma_start3A_86 = tpu.memref_slice %arg2[%dma_start3A_85, %multiple_of3A_76] : memref<32x1000000xf32, #tpu.memory_space<hbm>> -> memref<32x128xf32, #tpu.memory_space<hbm>>
    %dma_start3A_87 = arith.constant 64 : i32
    %dma_start3A_88 = arith.constant 0 : i32
    %dma_start3A_89 = tpu.memref_slice %arg9[%dma_start3A_87, %dma_start3A_88] : memref<256x128xf32, #tpu.memory_space<vmem>> -> memref<32x128xf32, #tpu.memory_space<vmem>>
    %dma_start3A_90 = arith.constant 0 : i32
    %dma_start3A_91 = tpu.memref_slice %arg2[%dma_start3A_90, %multiple_of3A_76] : memref<32x1000000xf32, #tpu.memory_space<hbm>> -> memref<32x128xf32, #tpu.memory_space<hbm>>
    tpu.enqueue_dma source(%dma_start3A_91 : memref<32x128xf32, #tpu.memory_space<hbm>>) target(%dma_start3A_89 : memref<32x128xf32, #tpu.memory_space<vmem>>) target_semaphore(%arg15 : memref<!tpu.dma_semaphore, #tpu.memory_space<semaphore_mem>>)
    %dma_start3A_92 = arith.constant 64 : i32
    %dma_start3A_93 = arith.constant 0 : i32
    %dma_start3A_94 = tpu.memref_slice %arg10[%dma_start3A_92, %dma_start3A_93] : memref<256x128xf32, #tpu.memory_space<vmem>> -> memref<32x128xf32, #tpu.memory_space<vmem>>
    %dma_start3A_95 = arith.constant 0 : i32
    %dma_start3A_96 = tpu.memref_slice %arg3[%dma_start3A_95, %multiple_of3A_81] : memref<32x1000000xf32, #tpu.memory_space<hbm>> -> memref<32x128xf32, #tpu.memory_space<hbm>>
    %dma_start3A_97 = arith.constant 64 : i32
    %dma_start3A_98 = arith.constant 0 : i32
    %dma_start3A_99 = tpu.memref_slice %arg10[%dma_start3A_97, %dma_start3A_98] : memref<256x128xf32, #tpu.memory_space<vmem>> -> memref<32x128xf32, #tpu.memory_space<vmem>>
    %dma_start3A_100 = arith.constant 0 : i32
    %dma_start3A_101 = tpu.memref_slice %arg3[%dma_start3A_100, %multiple_of3A_81] : memref<32x1000000xf32, #tpu.memory_space<hbm>> -> memref<32x128xf32, #tpu.memory_space<hbm>>
    tpu.enqueue_dma source(%dma_start3A_101 : memref<32x128xf32, #tpu.memory_space<hbm>>) target(%dma_start3A_99 : memref<32x128xf32, #tpu.memory_space<vmem>>) target_semaphore(%arg23 : memref<!tpu.dma_semaphore, #tpu.memory_space<semaphore_mem>>)
    %slice3A_102 = vector.extract_strided_slice %get3A_3 {offsets = [3], sizes = [1], strides = [1]} : vector<16xi32> to vector<1xi32>
    %squeeze3A_103 = vector.extract %slice3A_102[0] : i32 from vector<1xi32>
    %slice3A_104 = vector.extract_strided_slice %get3A_5 {offsets = [3], sizes = [1], strides = [1]} : vector<16xi32> to vector<1xi32>
    %squeeze3A_105 = vector.extract %slice3A_104[0] : i32 from vector<1xi32>
    %shift_right_arithmetic3A_106 = arith.constant 7 : i32
    %shift_right_arithmetic3A_107 = arith.shrsi %squeeze3A_103, %shift_right_arithmetic3A_106 : i32
    %shift_left3A_108 = arith.constant 7 : i32
    %shift_left3A_109 = arith.shli %shift_right_arithmetic3A_107, %shift_left3A_108 : i32
    %multiple_of3A_110 = tpu.assume_multiple %shift_left3A_109, 128 : i32
    %shift_right_arithmetic3A_111 = arith.constant 7 : i32
    %shift_right_arithmetic3A_112 = arith.shrsi %squeeze3A_105, %shift_right_arithmetic3A_111 : i32
    %shift_left3A_113 = arith.constant 7 : i32
    %shift_left3A_114 = arith.shli %shift_right_arithmetic3A_112, %shift_left3A_113 : i32
    %multiple_of3A_115 = tpu.assume_multiple %shift_left3A_114, 128 : i32
    %dma_start3A_116 = arith.constant 96 : i32
    %dma_start3A_117 = arith.constant 0 : i32
    %dma_start3A_118 = tpu.memref_slice %arg9[%dma_start3A_116, %dma_start3A_117] : memref<256x128xf32, #tpu.memory_space<vmem>> -> memref<32x128xf32, #tpu.memory_space<vmem>>
    %dma_start3A_119 = arith.constant 0 : i32
    %dma_start3A_120 = tpu.memref_slice %arg2[%dma_start3A_119, %multiple_of3A_110] : memref<32x1000000xf32, #tpu.memory_space<hbm>> -> memref<32x128xf32, #tpu.memory_space<hbm>>
    %dma_start3A_121 = arith.constant 96 : i32
    %dma_start3A_122 = arith.constant 0 : i32
    %dma_start3A_123 = tpu.memref_slice %arg9[%dma_start3A_121, %dma_start3A_122] : memref<256x128xf32, #tpu.memory_space<vmem>> -> memref<32x128xf32, #tpu.memory_space<vmem>>
    %dma_start3A_124 = arith.constant 0 : i32
    %dma_start3A_125 = tpu.memref_slice %arg2[%dma_start3A_124, %multiple_of3A_110] : memref<32x1000000xf32, #tpu.memory_space<hbm>> -> memref<32x128xf32, #tpu.memory_space<hbm>>
    tpu.enqueue_dma source(%dma_start3A_125 : memref<32x128xf32, #tpu.memory_space<hbm>>) target(%dma_start3A_123 : memref<32x128xf32, #tpu.memory_space<vmem>>) target_semaphore(%arg16 : memref<!tpu.dma_semaphore, #tpu.memory_space<semaphore_mem>>)
    %dma_start3A_126 = arith.constant 96 : i32
    %dma_start3A_127 = arith.constant 0 : i32
    %dma_start3A_128 = tpu.memref_slice %arg10[%dma_start3A_126, %dma_start3A_127] : memref<256x128xf32, #tpu.memory_space<vmem>> -> memref<32x128xf32, #tpu.memory_space<vmem>>
    %dma_start3A_129 = arith.constant 0 : i32
    %dma_start3A_130 = tpu.memref_slice %arg3[%dma_start3A_129, %multiple_of3A_115] : memref<32x1000000xf32, #tpu.memory_space<hbm>> -> memref<32x128xf32, #tpu.memory_space<hbm>>
    %dma_start3A_131 = arith.constant 96 : i32
    %dma_start3A_132 = arith.constant 0 : i32
    %dma_start3A_133 = tpu.memref_slice %arg10[%dma_start3A_131, %dma_start3A_132] : memref<256x128xf32, #tpu.memory_space<vmem>> -> memref<32x128xf32, #tpu.memory_space<vmem>>
    %dma_start3A_134 = arith.constant 0 : i32
    %dma_start3A_135 = tpu.memref_slice %arg3[%dma_start3A_134, %multiple_of3A_115] : memref<32x1000000xf32, #tpu.memory_space<hbm>> -> memref<32x128xf32, #tpu.memory_space<hbm>>
    tpu.enqueue_dma source(%dma_start3A_135 : memref<32x128xf32, #tpu.memory_space<hbm>>) target(%dma_start3A_133 : memref<32x128xf32, #tpu.memory_space<vmem>>) target_semaphore(%arg24 : memref<!tpu.dma_semaphore, #tpu.memory_space<semaphore_mem>>)
    %slice3A_136 = vector.extract_strided_slice %get3A_3 {offsets = [4], sizes = [1], strides = [1]} : vector<16xi32> to vector<1xi32>
    %squeeze3A_137 = vector.extract %slice3A_136[0] : i32 from vector<1xi32>
    %slice3A_138 = vector.extract_strided_slice %get3A_5 {offsets = [4], sizes = [1], strides = [1]} : vector<16xi32> to vector<1xi32>
    %squeeze3A_139 = vector.extract %slice3A_138[0] : i32 from vector<1xi32>
    %shift_right_arithmetic3A_140 = arith.constant 7 : i32
    %shift_right_arithmetic3A_141 = arith.shrsi %squeeze3A_137, %shift_right_arithmetic3A_140 : i32
    %shift_left3A_142 = arith.constant 7 : i32
    %shift_left3A_143 = arith.shli %shift_right_arithmetic3A_141, %shift_left3A_142 : i32
    %multiple_of3A_144 = tpu.assume_multiple %shift_left3A_143, 128 : i32
    %shift_right_arithmetic3A_145 = arith.constant 7 : i32
    %shift_right_arithmetic3A_146 = arith.shrsi %squeeze3A_139, %shift_right_arithmetic3A_145 : i32
    %shift_left3A_147 = arith.constant 7 : i32
    %shift_left3A_148 = arith.shli %shift_right_arithmetic3A_146, %shift_left3A_147 : i32
    %multiple_of3A_149 = tpu.assume_multiple %shift_left3A_148, 128 : i32
    %dma_start3A_150 = arith.constant 128 : i32
    %dma_start3A_151 = arith.constant 0 : i32
    %dma_start3A_152 = tpu.memref_slice %arg9[%dma_start3A_150, %dma_start3A_151] : memref<256x128xf32, #tpu.memory_space<vmem>> -> memref<32x128xf32, #tpu.memory_space<vmem>>
    %dma_start3A_153 = arith.constant 0 : i32
    %dma_start3A_154 = tpu.memref_slice %arg2[%dma_start3A_153, %multiple_of3A_144] : memref<32x1000000xf32, #tpu.memory_space<hbm>> -> memref<32x128xf32, #tpu.memory_space<hbm>>
    %dma_start3A_155 = arith.constant 128 : i32
    %dma_start3A_156 = arith.constant 0 : i32
    %dma_start3A_157 = tpu.memref_slice %arg9[%dma_start3A_155, %dma_start3A_156] : memref<256x128xf32, #tpu.memory_space<vmem>> -> memref<32x128xf32, #tpu.memory_space<vmem>>
    %dma_start3A_158 = arith.constant 0 : i32
    %dma_start3A_159 = tpu.memref_slice %arg2[%dma_start3A_158, %multiple_of3A_144] : memref<32x1000000xf32, #tpu.memory_space<hbm>> -> memref<32x128xf32, #tpu.memory_space<hbm>>
    tpu.enqueue_dma source(%dma_start3A_159 : memref<32x128xf32, #tpu.memory_space<hbm>>) target(%dma_start3A_157 : memref<32x128xf32, #tpu.memory_space<vmem>>) target_semaphore(%arg17 : memref<!tpu.dma_semaphore, #tpu.memory_space<semaphore_mem>>)
    %dma_start3A_160 = arith.constant 128 : i32
    %dma_start3A_161 = arith.constant 0 : i32
    %dma_start3A_162 = tpu.memref_slice %arg10[%dma_start3A_160, %dma_start3A_161] : memref<256x128xf32, #tpu.memory_space<vmem>> -> memref<32x128xf32, #tpu.memory_space<vmem>>
    %dma_start3A_163 = arith.constant 0 : i32
    %dma_start3A_164 = tpu.memref_slice %arg3[%dma_start3A_163, %multiple_of3A_149] : memref<32x1000000xf32, #tpu.memory_space<hbm>> -> memref<32x128xf32, #tpu.memory_space<hbm>>
    %dma_start3A_165 = arith.constant 128 : i32
    %dma_start3A_166 = arith.constant 0 : i32
    %dma_start3A_167 = tpu.memref_slice %arg10[%dma_start3A_165, %dma_start3A_166] : memref<256x128xf32, #tpu.memory_space<vmem>> -> memref<32x128xf32, #tpu.memory_space<vmem>>
    %dma_start3A_168 = arith.constant 0 : i32
    %dma_start3A_169 = tpu.memref_slice %arg3[%dma_start3A_168, %multiple_of3A_149] : memref<32x1000000xf32, #tpu.memory_space<hbm>> -> memref<32x128xf32, #tpu.memory_space<hbm>>
    tpu.enqueue_dma source(%dma_start3A_169 : memref<32x128xf32, #tpu.memory_space<hbm>>) target(%dma_start3A_167 : memref<32x128xf32, #tpu.memory_space<vmem>>) target_semaphore(%arg25 : memref<!tpu.dma_semaphore, #tpu.memory_space<semaphore_mem>>)
    %slice3A_170 = vector.extract_strided_slice %get3A_3 {offsets = [5], sizes = [1], strides = [1]} : vector<16xi32> to vector<1xi32>
    %squeeze3A_171 = vector.extract %slice3A_170[0] : i32 from vector<1xi32>
    %slice3A_172 = vector.extract_strided_slice %get3A_5 {offsets = [5], sizes = [1], strides = [1]} : vector<16xi32> to vector<1xi32>
    %squeeze3A_173 = vector.extract %slice3A_172[0] : i32 from vector<1xi32>
    %shift_right_arithmetic3A_174 = arith.constant 7 : i32
    %shift_right_arithmetic3A_175 = arith.shrsi %squeeze3A_171, %shift_right_arithmetic3A_174 : i32
    %shift_left3A_176 = arith.constant 7 : i32
    %shift_left3A_177 = arith.shli %shift_right_arithmetic3A_175, %shift_left3A_176 : i32
    %multiple_of3A_178 = tpu.assume_multiple %shift_left3A_177, 128 : i32
    %shift_right_arithmetic3A_179 = arith.constant 7 : i32
    %shift_right_arithmetic3A_180 = arith.shrsi %squeeze3A_173, %shift_right_arithmetic3A_179 : i32
    %shift_left3A_181 = arith.constant 7 : i32
    %shift_left3A_182 = arith.shli %shift_right_arithmetic3A_180, %shift_left3A_181 : i32
    %multiple_of3A_183 = tpu.assume_multiple %shift_left3A_182, 128 : i32
    %dma_start3A_184 = arith.constant 160 : i32
    %dma_start3A_185 = arith.constant 0 : i32
    %dma_start3A_186 = tpu.memref_slice %arg9[%dma_start3A_184, %dma_start3A_185] : memref<256x128xf32, #tpu.memory_space<vmem>> -> memref<32x128xf32, #tpu.memory_space<vmem>>
    %dma_start3A_187 = arith.constant 0 : i32
    %dma_start3A_188 = tpu.memref_slice %arg2[%dma_start3A_187, %multiple_of3A_178] : memref<32x1000000xf32, #tpu.memory_space<hbm>> -> memref<32x128xf32, #tpu.memory_space<hbm>>
    %dma_start3A_189 = arith.constant 160 : i32
    %dma_start3A_190 = arith.constant 0 : i32
    %dma_start3A_191 = tpu.memref_slice %arg9[%dma_start3A_189, %dma_start3A_190] : memref<256x128xf32, #tpu.memory_space<vmem>> -> memref<32x128xf32, #tpu.memory_space<vmem>>
    %dma_start3A_192 = arith.constant 0 : i32
    %dma_start3A_193 = tpu.memref_slice %arg2[%dma_start3A_192, %multiple_of3A_178] : memref<32x1000000xf32, #tpu.memory_space<hbm>> -> memref<32x128xf32, #tpu.memory_space<hbm>>
    tpu.enqueue_dma source(%dma_start3A_193 : memref<32x128xf32, #tpu.memory_space<hbm>>) target(%dma_start3A_191 : memref<32x128xf32, #tpu.memory_space<vmem>>) target_semaphore(%arg18 : memref<!tpu.dma_semaphore, #tpu.memory_space<semaphore_mem>>)
    %dma_start3A_194 = arith.constant 160 : i32
    %dma_start3A_195 = arith.constant 0 : i32
    %dma_start3A_196 = tpu.memref_slice %arg10[%dma_start3A_194, %dma_start3A_195] : memref<256x128xf32, #tpu.memory_space<vmem>> -> memref<32x128xf32, #tpu.memory_space<vmem>>
    %dma_start3A_197 = arith.constant 0 : i32
    %dma_start3A_198 = tpu.memref_slice %arg3[%dma_start3A_197, %multiple_of3A_183] : memref<32x1000000xf32, #tpu.memory_space<hbm>> -> memref<32x128xf32, #tpu.memory_space<hbm>>
    %dma_start3A_199 = arith.constant 160 : i32
    %dma_start3A_200 = arith.constant 0 : i32
    %dma_start3A_201 = tpu.memref_slice %arg10[%dma_start3A_199, %dma_start3A_200] : memref<256x128xf32, #tpu.memory_space<vmem>> -> memref<32x128xf32, #tpu.memory_space<vmem>>
    %dma_start3A_202 = arith.constant 0 : i32
    %dma_start3A_203 = tpu.memref_slice %arg3[%dma_start3A_202, %multiple_of3A_183] : memref<32x1000000xf32, #tpu.memory_space<hbm>> -> memref<32x128xf32, #tpu.memory_space<hbm>>
    tpu.enqueue_dma source(%dma_start3A_203 : memref<32x128xf32, #tpu.memory_space<hbm>>) target(%dma_start3A_201 : memref<32x128xf32, #tpu.memory_space<vmem>>) target_semaphore(%arg26 : memref<!tpu.dma_semaphore, #tpu.memory_space<semaphore_mem>>)
    %slice3A_204 = vector.extract_strided_slice %get3A_3 {offsets = [6], sizes = [1], strides = [1]} : vector<16xi32> to vector<1xi32>
    %squeeze3A_205 = vector.extract %slice3A_204[0] : i32 from vector<1xi32>
    %slice3A_206 = vector.extract_strided_slice %get3A_5 {offsets = [6], sizes = [1], strides = [1]} : vector<16xi32> to vector<1xi32>
    %squeeze3A_207 = vector.extract %slice3A_206[0] : i32 from vector<1xi32>
    %shift_right_arithmetic3A_208 = arith.constant 7 : i32
    %shift_right_arithmetic3A_209 = arith.shrsi %squeeze3A_205, %shift_right_arithmetic3A_208 : i32
    %shift_left3A_210 = arith.constant 7 : i32
    %shift_left3A_211 = arith.shli %shift_right_arithmetic3A_209, %shift_left3A_210 : i32
    %multiple_of3A_212 = tpu.assume_multiple %shift_left3A_211, 128 : i32
    %shift_right_arithmetic3A_213 = arith.constant 7 : i32
    %shift_right_arithmetic3A_214 = arith.shrsi %squeeze3A_207, %shift_right_arithmetic3A_213 : i32
    %shift_left3A_215 = arith.constant 7 : i32
    %shift_left3A_216 = arith.shli %shift_right_arithmetic3A_214, %shift_left3A_215 : i32
    %multiple_of3A_217 = tpu.assume_multiple %shift_left3A_216, 128 : i32
    %dma_start3A_218 = arith.constant 192 : i32
    %dma_start3A_219 = arith.constant 0 : i32
    %dma_start3A_220 = tpu.memref_slice %arg9[%dma_start3A_218, %dma_start3A_219] : memref<256x128xf32, #tpu.memory_space<vmem>> -> memref<32x128xf32, #tpu.memory_space<vmem>>
    %dma_start3A_221 = arith.constant 0 : i32
    %dma_start3A_222 = tpu.memref_slice %arg2[%dma_start3A_221, %multiple_of3A_212] : memref<32x1000000xf32, #tpu.memory_space<hbm>> -> memref<32x128xf32, #tpu.memory_space<hbm>>
    %dma_start3A_223 = arith.constant 192 : i32
    %dma_start3A_224 = arith.constant 0 : i32
    %dma_start3A_225 = tpu.memref_slice %arg9[%dma_start3A_223, %dma_start3A_224] : memref<256x128xf32, #tpu.memory_space<vmem>> -> memref<32x128xf32, #tpu.memory_space<vmem>>
    %dma_start3A_226 = arith.constant 0 : i32
    %dma_start3A_227 = tpu.memref_slice %arg2[%dma_start3A_226, %multiple_of3A_212] : memref<32x1000000xf32, #tpu.memory_space<hbm>> -> memref<32x128xf32, #tpu.memory_space<hbm>>
    tpu.enqueue_dma source(%dma_start3A_227 : memref<32x128xf32, #tpu.memory_space<hbm>>) target(%dma_start3A_225 : memref<32x128xf32, #tpu.memory_space<vmem>>) target_semaphore(%arg19 : memref<!tpu.dma_semaphore, #tpu.memory_space<semaphore_mem>>)
    %dma_start3A_228 = arith.constant 192 : i32
    %dma_start3A_229 = arith.constant 0 : i32
    %dma_start3A_230 = tpu.memref_slice %arg10[%dma_start3A_228, %dma_start3A_229] : memref<256x128xf32, #tpu.memory_space<vmem>> -> memref<32x128xf32, #tpu.memory_space<vmem>>
    %dma_start3A_231 = arith.constant 0 : i32
    %dma_start3A_232 = tpu.memref_slice %arg3[%dma_start3A_231, %multiple_of3A_217] : memref<32x1000000xf32, #tpu.memory_space<hbm>> -> memref<32x128xf32, #tpu.memory_space<hbm>>
    %dma_start3A_233 = arith.constant 192 : i32
    %dma_start3A_234 = arith.constant 0 : i32
    %dma_start3A_235 = tpu.memref_slice %arg10[%dma_start3A_233, %dma_start3A_234] : memref<256x128xf32, #tpu.memory_space<vmem>> -> memref<32x128xf32, #tpu.memory_space<vmem>>
    %dma_start3A_236 = arith.constant 0 : i32
    %dma_start3A_237 = tpu.memref_slice %arg3[%dma_start3A_236, %multiple_of3A_217] : memref<32x1000000xf32, #tpu.memory_space<hbm>> -> memref<32x128xf32, #tpu.memory_space<hbm>>
    tpu.enqueue_dma source(%dma_start3A_237 : memref<32x128xf32, #tpu.memory_space<hbm>>) target(%dma_start3A_235 : memref<32x128xf32, #tpu.memory_space<vmem>>) target_semaphore(%arg27 : memref<!tpu.dma_semaphore, #tpu.memory_space<semaphore_mem>>)
    %slice3A_238 = vector.extract_strided_slice %get3A_3 {offsets = [7], sizes = [1], strides = [1]} : vector<16xi32> to vector<1xi32>
    %squeeze3A_239 = vector.extract %slice3A_238[0] : i32 from vector<1xi32>
    %slice3A_240 = vector.extract_strided_slice %get3A_5 {offsets = [7], sizes = [1], strides = [1]} : vector<16xi32> to vector<1xi32>
    %squeeze3A_241 = vector.extract %slice3A_240[0] : i32 from vector<1xi32>
    %shift_right_arithmetic3A_242 = arith.constant 7 : i32
    %shift_right_arithmetic3A_243 = arith.shrsi %squeeze3A_239, %shift_right_arithmetic3A_242 : i32
    %shift_left3A_244 = arith.constant 7 : i32
    %shift_left3A_245 = arith.shli %shift_right_arithmetic3A_243, %shift_left3A_244 : i32
    %multiple_of3A_246 = tpu.assume_multiple %shift_left3A_245, 128 : i32
    %shift_right_arithmetic3A_247 = arith.constant 7 : i32
    %shift_right_arithmetic3A_248 = arith.shrsi %squeeze3A_241, %shift_right_arithmetic3A_247 : i32
    %shift_left3A_249 = arith.constant 7 : i32
    %shift_left3A_250 = arith.shli %shift_right_arithmetic3A_248, %shift_left3A_249 : i32
    %multiple_of3A_251 = tpu.assume_multiple %shift_left3A_250, 128 : i32
    %dma_start3A_252 = arith.constant 224 : i32
    %dma_start3A_253 = arith.constant 0 : i32
    %dma_start3A_254 = tpu.memref_slice %arg9[%dma_start3A_252, %dma_start3A_253] : memref<256x128xf32, #tpu.memory_space<vmem>> -> memref<32x128xf32, #tpu.memory_space<vmem>>
    %dma_start3A_255 = arith.constant 0 : i32
    %dma_start3A_256 = tpu.memref_slice %arg2[%dma_start3A_255, %multiple_of3A_246] : memref<32x1000000xf32, #tpu.memory_space<hbm>> -> memref<32x128xf32, #tpu.memory_space<hbm>>
    %dma_start3A_257 = arith.constant 224 : i32
    %dma_start3A_258 = arith.constant 0 : i32
    %dma_start3A_259 = tpu.memref_slice %arg9[%dma_start3A_257, %dma_start3A_258] : memref<256x128xf32, #tpu.memory_space<vmem>> -> memref<32x128xf32, #tpu.memory_space<vmem>>
    %dma_start3A_260 = arith.constant 0 : i32
    %dma_start3A_261 = tpu.memref_slice %arg2[%dma_start3A_260, %multiple_of3A_246] : memref<32x1000000xf32, #tpu.memory_space<hbm>> -> memref<32x128xf32, #tpu.memory_space<hbm>>
    tpu.enqueue_dma source(%dma_start3A_261 : memref<32x128xf32, #tpu.memory_space<hbm>>) target(%dma_start3A_259 : memref<32x128xf32, #tpu.memory_space<vmem>>) target_semaphore(%arg20 : memref<!tpu.dma_semaphore, #tpu.memory_space<semaphore_mem>>)
    %dma_start3A_262 = arith.constant 224 : i32
    %dma_start3A_263 = arith.constant 0 : i32
    %dma_start3A_264 = tpu.memref_slice %arg10[%dma_start3A_262, %dma_start3A_263] : memref<256x128xf32, #tpu.memory_space<vmem>> -> memref<32x128xf32, #tpu.memory_space<vmem>>
    %dma_start3A_265 = arith.constant 0 : i32
    %dma_start3A_266 = tpu.memref_slice %arg3[%dma_start3A_265, %multiple_of3A_251] : memref<32x1000000xf32, #tpu.memory_space<hbm>> -> memref<32x128xf32, #tpu.memory_space<hbm>>
    %dma_start3A_267 = arith.constant 224 : i32
    %dma_start3A_268 = arith.constant 0 : i32
    %dma_start3A_269 = tpu.memref_slice %arg10[%dma_start3A_267, %dma_start3A_268] : memref<256x128xf32, #tpu.memory_space<vmem>> -> memref<32x128xf32, #tpu.memory_space<vmem>>
    %dma_start3A_270 = arith.constant 0 : i32
    %dma_start3A_271 = tpu.memref_slice %arg3[%dma_start3A_270, %multiple_of3A_251] : memref<32x1000000xf32, #tpu.memory_space<hbm>> -> memref<32x128xf32, #tpu.memory_space<hbm>>
    tpu.enqueue_dma source(%dma_start3A_271 : memref<32x128xf32, #tpu.memory_space<hbm>>) target(%dma_start3A_269 : memref<32x128xf32, #tpu.memory_space<vmem>>) target_semaphore(%arg28 : memref<!tpu.dma_semaphore, #tpu.memory_space<semaphore_mem>>)
    %scan3A = arith.constant 0 : i32
    %scan3A_272 = arith.constant 0 : i32
    %scan3A_273 = arith.constant 32 : i32
    %scan3A_274 = arith.addi %scan3A_272, %scan3A_273 : i32
    %scan3A_275 = arith.constant 1 : i32
    %scan3A_276 = scf.for %scan3A_278 = %scan3A_272 to %scan3A_274 step %scan3A_275 iter_args(%scan3A_279 = %scan3A) -> (i32)  : i32 {
      %mul3A_280 = arith.constant 16 : i32
      %mul3A_281 = arith.muli %scan3A_278, %mul3A_280 : i32
      %multiple_of3A_282 = tpu.assume_multiple %mul3A_281, 16 : i32
      %get3A_283 = arith.index_cast %multiple_of3A_282 : i32 to index
      %get3A_284 = tpu.vector_load %arg7[%get3A_283] {strides = array<i32>} : memref<512xi32, #tpu.memory_space<vmem>>, vector<16xi32>,
      %mul3A_285 = arith.constant 16 : i32
      %mul3A_286 = arith.muli %scan3A_278, %mul3A_285 : i32
      %multiple_of3A_287 = tpu.assume_multiple %mul3A_286, 16 : i32
      %get3A_288 = arith.index_cast %multiple_of3A_287 : i32 to index
      %get3A_289 = tpu.vector_load %arg8[%get3A_288] {strides = array<i32>} : memref<512xi32, #tpu.memory_space<vmem>>, vector<16xi32>,
      %add3A_290 = arith.constant 1 : i32
      %add3A_291 = arith.addi %scan3A_278, %add3A_290 : i32
      %mul3A_292 = arith.constant 16 : i32
      %mul3A_293 = arith.muli %add3A_291, %mul3A_292 : i32
      %multiple_of3A_294 = tpu.assume_multiple %mul3A_293, 16 : i32
      %min3A = arith.constant 496 : i32
      %min3A_295 = arith.minsi %multiple_of3A_294, %min3A : i32
      %multiple_of3A_296 = tpu.assume_multiple %min3A_295, 16 : i32
      %get3A_297 = arith.index_cast %multiple_of3A_296 : i32 to index
      %get3A_298 = tpu.vector_load %arg7[%get3A_297] {strides = array<i32>} : memref<512xi32, #tpu.memory_space<vmem>>, vector<16xi32>,
      %get3A_299 = arith.index_cast %multiple_of3A_296 : i32 to index
      %get3A_300 = tpu.vector_load %arg8[%get3A_299] {strides = array<i32>} : memref<512xi32, #tpu.memory_space<vmem>>, vector<16xi32>,
      %dma_wait3A = arith.constant 0 : i32
      %dma_wait3A_301 = arith.constant 0 : i32
      %dma_wait3A_302 = tpu.memref_slice %arg9[%dma_wait3A, %dma_wait3A_301] : memref<256x128xf32, #tpu.memory_space<vmem>> -> memref<32x128xf32, #tpu.memory_space<vmem>>
      %dma_wait3A_303 = arith.constant 0 : i32
      %dma_wait3A_304 = arith.constant 0 : i32
      %dma_wait3A_305 = tpu.memref_slice %arg2[%dma_wait3A_303, %dma_wait3A_304] : memref<32x1000000xf32, #tpu.memory_space<hbm>> -> memref<32x128xf32, #tpu.memory_space<hbm>>
      %dma_wait3A_306 = arith.constant 0 : i32
      %dma_wait3A_307 = arith.constant 0 : i32
      %dma_wait3A_308 = tpu.memref_slice %arg9[%dma_wait3A_306, %dma_wait3A_307] : memref<256x128xf32, #tpu.memory_space<vmem>> -> memref<32x128xf32, #tpu.memory_space<vmem>>
      %dma_wait3A_309 = arith.constant 0 : i32
      %dma_wait3A_310 = arith.constant 0 : i32
      %dma_wait3A_311 = tpu.memref_slice %arg2[%dma_wait3A_309, %dma_wait3A_310] : memref<32x1000000xf32, #tpu.memory_space<hbm>> -> memref<32x128xf32, #tpu.memory_space<hbm>>
      tpu.wait_dma2 semaphore(%arg13 : memref<!tpu.dma_semaphore, #tpu.memory_space<semaphore_mem>>) src(%dma_wait3A_311 : memref<32x128xf32, #tpu.memory_space<hbm>>) dst(%dma_wait3A_308 : memref<32x128xf32, #tpu.memory_space<vmem>>)
      %dma_wait3A_312 = arith.constant 0 : i32
      %dma_wait3A_313 = arith.constant 0 : i32
      %dma_wait3A_314 = tpu.memref_slice %arg10[%dma_wait3A_312, %dma_wait3A_313] : memref<256x128xf32, #tpu.memory_space<vmem>> -> memref<32x128xf32, #tpu.memory_space<vmem>>
      %dma_wait3A_315 = arith.constant 0 : i32
      %dma_wait3A_316 = arith.constant 0 : i32
      %dma_wait3A_317 = tpu.memref_slice %arg3[%dma_wait3A_315, %dma_wait3A_316] : memref<32x1000000xf32, #tpu.memory_space<hbm>> -> memref<32x128xf32, #tpu.memory_space<hbm>>
      %dma_wait3A_318 = arith.constant 0 : i32
      %dma_wait3A_319 = arith.constant 0 : i32
      %dma_wait3A_320 = tpu.memref_slice %arg10[%dma_wait3A_318, %dma_wait3A_319] : memref<256x128xf32, #tpu.memory_space<vmem>> -> memref<32x128xf32, #tpu.memory_space<vmem>>
      %dma_wait3A_321 = arith.constant 0 : i32
      %dma_wait3A_322 = arith.constant 0 : i32
      %dma_wait3A_323 = tpu.memref_slice %arg3[%dma_wait3A_321, %dma_wait3A_322] : memref<32x1000000xf32, #tpu.memory_space<hbm>> -> memref<32x128xf32, #tpu.memory_space<hbm>>
      tpu.wait_dma2 semaphore(%arg21 : memref<!tpu.dma_semaphore, #tpu.memory_space<semaphore_mem>>) src(%dma_wait3A_323 : memref<32x128xf32, #tpu.memory_space<hbm>>) dst(%dma_wait3A_320 : memref<32x128xf32, #tpu.memory_space<vmem>>)
      %slice3A_324 = vector.extract_strided_slice %get3A_284 {offsets = [0], sizes = [1], strides = [1]} : vector<16xi32> to vector<1xi32>
      %squeeze3A_325 = vector.extract %slice3A_324[0] : i32 from vector<1xi32>
      %and3A = arith.constant 127 : i32
      %and3A_326 = arith.andi %squeeze3A_325, %and3A : i32
      %broadcast_in_dim3A = vector.broadcast %and3A_326 : i32 to vector<16xi32>
      %slice3A_327 = vector.extract_strided_slice %get3A_289 {offsets = [0], sizes = [1], strides = [1]} : vector<16xi32> to vector<1xi32>
      %squeeze3A_328 = vector.extract %slice3A_327[0] : i32 from vector<1xi32>
      %and3A_329 = arith.constant 127 : i32
      %and3A_330 = arith.andi %squeeze3A_328, %and3A_329 : i32
      %broadcast_in_dim3A_331 = vector.broadcast %and3A_330 : i32 to vector<16xi32>
      %add3A_332 = arith.constant 0 : i32
      %add3A_333 = vector.broadcast %add3A_332 : i32 to vector<16xi32>
      %add3A_334 = arith.addi %add3A_333, %iota3A : vector<16xi32>
      %gather3A = tpu.vector_load_idx %arg9[%add3A_334, %broadcast_in_dim3A] : memref<256x128xf32, #tpu.memory_space<vmem>>[vector<16xi32>, vector<16xi32>], vector<16xf32>,
      %add3A_335 = arith.constant 16 : i32
      %add3A_336 = vector.broadcast %add3A_335 : i32 to vector<16xi32>
      %add3A_337 = arith.addi %add3A_336, %iota3A : vector<16xi32>
      %gather3A_338 = tpu.vector_load_idx %arg9[%add3A_337, %broadcast_in_dim3A] : memref<256x128xf32, #tpu.memory_space<vmem>>[vector<16xi32>, vector<16xi32>], vector<16xf32>,
      %add3A_339 = arith.constant 0 : i32
      %add3A_340 = vector.broadcast %add3A_339 : i32 to vector<16xi32>
      %add3A_341 = arith.addi %add3A_340, %iota3A : vector<16xi32>
      %gather3A_342 = tpu.vector_load_idx %arg10[%add3A_341, %broadcast_in_dim3A_331] : memref<256x128xf32, #tpu.memory_space<vmem>>[vector<16xi32>, vector<16xi32>], vector<16xf32>,
      %add3A_343 = arith.constant 16 : i32
      %add3A_344 = vector.broadcast %add3A_343 : i32 to vector<16xi32>
      %add3A_345 = arith.addi %add3A_344, %iota3A : vector<16xi32>
      %gather3A_346 = tpu.vector_load_idx %arg10[%add3A_345, %broadcast_in_dim3A_331] : memref<256x128xf32, #tpu.memory_space<vmem>>[vector<16xi32>, vector<16xi32>], vector<16xf32>,
      %mul3A_347 = arith.mulf %gather3A, %gather3A_342 : vector<16xf32>
      %mul3A_348 = arith.mulf %gather3A_338, %gather3A_346 : vector<16xf32>
      %add3A_349 = arith.addf %mul3A_347, %mul3A_348 : vector<16xf32>
      %swap3A = arith.constant 0 : i32
      %swap3A_350 = arith.index_cast %swap3A : i32 to index
      %swap3A_351 = arith.constant 0 : index
      %swap3A_352 = tpu.vector_load %arg11[%swap3A_350, %swap3A_351] {strides = array<i32>} : memref<16x16xf32, #tpu.memory_space<vmem>>, vector<16xf32>,
      tpu.vector_store %arg11[%swap3A_350, %swap3A_351], %add3A_349 {strides = array<i32>} : memref<16x16xf32, #tpu.memory_space<vmem>>, vector<16xf32>,
      %slice3A_353 = vector.extract_strided_slice %get3A_284 {offsets = [8], sizes = [1], strides = [1]} : vector<16xi32> to vector<1xi32>
      %squeeze3A_354 = vector.extract %slice3A_353[0] : i32 from vector<1xi32>
      %slice3A_355 = vector.extract_strided_slice %get3A_289 {offsets = [8], sizes = [1], strides = [1]} : vector<16xi32> to vector<1xi32>
      %squeeze3A_356 = vector.extract %slice3A_355[0] : i32 from vector<1xi32>
      %shift_right_arithmetic3A_357 = arith.constant 7 : i32
      %shift_right_arithmetic3A_358 = arith.shrsi %squeeze3A_354, %shift_right_arithmetic3A_357 : i32
      %shift_left3A_359 = arith.constant 7 : i32
      %shift_left3A_360 = arith.shli %shift_right_arithmetic3A_358, %shift_left3A_359 : i32
      %multiple_of3A_361 = tpu.assume_multiple %shift_left3A_360, 128 : i32
      %shift_right_arithmetic3A_362 = arith.constant 7 : i32
      %shift_right_arithmetic3A_363 = arith.shrsi %squeeze3A_356, %shift_right_arithmetic3A_362 : i32
      %shift_left3A_364 = arith.constant 7 : i32
      %shift_left3A_365 = arith.shli %shift_right_arithmetic3A_363, %shift_left3A_364 : i32
      %multiple_of3A_366 = tpu.assume_multiple %shift_left3A_365, 128 : i32
      %dma_start3A_367 = arith.constant 0 : i32
      %dma_start3A_368 = arith.constant 0 : i32
      %dma_start3A_369 = tpu.memref_slice %arg9[%dma_start3A_367, %dma_start3A_368] : memref<256x128xf32, #tpu.memory_space<vmem>> -> memref<32x128xf32, #tpu.memory_space<vmem>>
      %dma_start3A_370 = arith.constant 0 : i32
      %dma_start3A_371 = tpu.memref_slice %arg2[%dma_start3A_370, %multiple_of3A_361] : memref<32x1000000xf32, #tpu.memory_space<hbm>> -> memref<32x128xf32, #tpu.memory_space<hbm>>
      %dma_start3A_372 = arith.constant 0 : i32
      %dma_start3A_373 = arith.constant 0 : i32
      %dma_start3A_374 = tpu.memref_slice %arg9[%dma_start3A_372, %dma_start3A_373] : memref<256x128xf32, #tpu.memory_space<vmem>> -> memref<32x128xf32, #tpu.memory_space<vmem>>
      %dma_start3A_375 = arith.constant 0 : i32
      %dma_start3A_376 = tpu.memref_slice %arg2[%dma_start3A_375, %multiple_of3A_361] : memref<32x1000000xf32, #tpu.memory_space<hbm>> -> memref<32x128xf32, #tpu.memory_space<hbm>>
      tpu.enqueue_dma source(%dma_start3A_376 : memref<32x128xf32, #tpu.memory_space<hbm>>) target(%dma_start3A_374 : memref<32x128xf32, #tpu.memory_space<vmem>>) target_semaphore(%arg13 : memref<!tpu.dma_semaphore, #tpu.memory_space<semaphore_mem>>)
      %dma_start3A_377 = arith.constant 0 : i32
      %dma_start3A_378 = arith.constant 0 : i32
      %dma_start3A_379 = tpu.memref_slice %arg10[%dma_start3A_377, %dma_start3A_378] : memref<256x128xf32, #tpu.memory_space<vmem>> -> memref<32x128xf32, #tpu.memory_space<vmem>>
      %dma_start3A_380 = arith.constant 0 : i32
      %dma_start3A_381 = tpu.memref_slice %arg3[%dma_start3A_380, %multiple_of3A_366] : memref<32x1000000xf32, #tpu.memory_space<hbm>> -> memref<32x128xf32, #tpu.memory_space<hbm>>
      %dma_start3A_382 = arith.constant 0 : i32
      %dma_start3A_383 = arith.constant 0 : i32
      %dma_start3A_384 = tpu.memref_slice %arg10[%dma_start3A_382, %dma_start3A_383] : memref<256x128xf32, #tpu.memory_space<vmem>> -> memref<32x128xf32, #tpu.memory_space<vmem>>
      %dma_start3A_385 = arith.constant 0 : i32
      %dma_start3A_386 = tpu.memref_slice %arg3[%dma_start3A_385, %multiple_of3A_366] : memref<32x1000000xf32, #tpu.memory_space<hbm>> -> memref<32x128xf32, #tpu.memory_space<hbm>>
      tpu.enqueue_dma source(%dma_start3A_386 : memref<32x128xf32, #tpu.memory_space<hbm>>) target(%dma_start3A_384 : memref<32x128xf32, #tpu.memory_space<vmem>>) target_semaphore(%arg21 : memref<!tpu.dma_semaphore, #tpu.memory_space<semaphore_mem>>)
      %dma_wait3A_387 = arith.constant 32 : i32
      %dma_wait3A_388 = arith.constant 0 : i32
      %dma_wait3A_389 = tpu.memref_slice %arg9[%dma_wait3A_387, %dma_wait3A_388] : memref<256x128xf32, #tpu.memory_space<vmem>> -> memref<32x128xf32, #tpu.memory_space<vmem>>
      %dma_wait3A_390 = arith.constant 0 : i32
      %dma_wait3A_391 = arith.constant 0 : i32
      %dma_wait3A_392 = tpu.memref_slice %arg2[%dma_wait3A_390, %dma_wait3A_391] : memref<32x1000000xf32, #tpu.memory_space<hbm>> -> memref<32x128xf32, #tpu.memory_space<hbm>>
      %dma_wait3A_393 = arith.constant 32 : i32
      %dma_wait3A_394 = arith.constant 0 : i32
      %dma_wait3A_395 = tpu.memref_slice %arg9[%dma_wait3A_393, %dma_wait3A_394] : memref<256x128xf32, #tpu.memory_space<vmem>> -> memref<32x128xf32, #tpu.memory_space<vmem>>
      %dma_wait3A_396 = arith.constant 0 : i32
      %dma_wait3A_397 = arith.constant 0 : i32
      %dma_wait3A_398 = tpu.memref_slice %arg2[%dma_wait3A_396, %dma_wait3A_397] : memref<32x1000000xf32, #tpu.memory_space<hbm>> -> memref<32x128xf32, #tpu.memory_space<hbm>>
      tpu.wait_dma2 semaphore(%arg14 : memref<!tpu.dma_semaphore, #tpu.memory_space<semaphore_mem>>) src(%dma_wait3A_398 : memref<32x128xf32, #tpu.memory_space<hbm>>) dst(%dma_wait3A_395 : memref<32x128xf32, #tpu.memory_space<vmem>>)
      %dma_wait3A_399 = arith.constant 32 : i32
      %dma_wait3A_400 = arith.constant 0 : i32
      %dma_wait3A_401 = tpu.memref_slice %arg10[%dma_wait3A_399, %dma_wait3A_400] : memref<256x128xf32, #tpu.memory_space<vmem>> -> memref<32x128xf32, #tpu.memory_space<vmem>>
      %dma_wait3A_402 = arith.constant 0 : i32
      %dma_wait3A_403 = arith.constant 0 : i32
      %dma_wait3A_404 = tpu.memref_slice %arg3[%dma_wait3A_402, %dma_wait3A_403] : memref<32x1000000xf32, #tpu.memory_space<hbm>> -> memref<32x128xf32, #tpu.memory_space<hbm>>
      %dma_wait3A_405 = arith.constant 32 : i32
      %dma_wait3A_406 = arith.constant 0 : i32
      %dma_wait3A_407 = tpu.memref_slice %arg10[%dma_wait3A_405, %dma_wait3A_406] : memref<256x128xf32, #tpu.memory_space<vmem>> -> memref<32x128xf32, #tpu.memory_space<vmem>>
      %dma_wait3A_408 = arith.constant 0 : i32
      %dma_wait3A_409 = arith.constant 0 : i32
      %dma_wait3A_410 = tpu.memref_slice %arg3[%dma_wait3A_408, %dma_wait3A_409] : memref<32x1000000xf32, #tpu.memory_space<hbm>> -> memref<32x128xf32, #tpu.memory_space<hbm>>
      tpu.wait_dma2 semaphore(%arg22 : memref<!tpu.dma_semaphore, #tpu.memory_space<semaphore_mem>>) src(%dma_wait3A_410 : memref<32x128xf32, #tpu.memory_space<hbm>>) dst(%dma_wait3A_407 : memref<32x128xf32, #tpu.memory_space<vmem>>)
      %slice3A_411 = vector.extract_strided_slice %get3A_284 {offsets = [1], sizes = [1], strides = [1]} : vector<16xi32> to vector<1xi32>
      %squeeze3A_412 = vector.extract %slice3A_411[0] : i32 from vector<1xi32>
      %and3A_413 = arith.constant 127 : i32
      %and3A_414 = arith.andi %squeeze3A_412, %and3A_413 : i32
      %broadcast_in_dim3A_415 = vector.broadcast %and3A_414 : i32 to vector<16xi32>
      %slice3A_416 = vector.extract_strided_slice %get3A_289 {offsets = [1], sizes = [1], strides = [1]} : vector<16xi32> to vector<1xi32>
      %squeeze3A_417 = vector.extract %slice3A_416[0] : i32 from vector<1xi32>
      %and3A_418 = arith.constant 127 : i32
      %and3A_419 = arith.andi %squeeze3A_417, %and3A_418 : i32
      %broadcast_in_dim3A_420 = vector.broadcast %and3A_419 : i32 to vector<16xi32>
      %add3A_421 = arith.constant 32 : i32
      %add3A_422 = vector.broadcast %add3A_421 : i32 to vector<16xi32>
      %add3A_423 = arith.addi %add3A_422, %iota3A : vector<16xi32>
      %gather3A_424 = tpu.vector_load_idx %arg9[%add3A_423, %broadcast_in_dim3A_415] : memref<256x128xf32, #tpu.memory_space<vmem>>[vector<16xi32>, vector<16xi32>], vector<16xf32>,
      %add3A_425 = arith.constant 48 : i32
      %add3A_426 = vector.broadcast %add3A_425 : i32 to vector<16xi32>
      %add3A_427 = arith.addi %add3A_426, %iota3A : vector<16xi32>
      %gather3A_428 = tpu.vector_load_idx %arg9[%add3A_427, %broadcast_in_dim3A_415] : memref<256x128xf32, #tpu.memory_space<vmem>>[vector<16xi32>, vector<16xi32>], vector<16xf32>,
      %add3A_429 = arith.constant 32 : i32
      %add3A_430 = vector.broadcast %add3A_429 : i32 to vector<16xi32>
      %add3A_431 = arith.addi %add3A_430, %iota3A : vector<16xi32>
      %gather3A_432 = tpu.vector_load_idx %arg10[%add3A_431, %broadcast_in_dim3A_420] : memref<256x128xf32, #tpu.memory_space<vmem>>[vector<16xi32>, vector<16xi32>], vector<16xf32>,
      %add3A_433 = arith.constant 48 : i32
      %add3A_434 = vector.broadcast %add3A_433 : i32 to vector<16xi32>
      %add3A_435 = arith.addi %add3A_434, %iota3A : vector<16xi32>
      %gather3A_436 = tpu.vector_load_idx %arg10[%add3A_435, %broadcast_in_dim3A_420] : memref<256x128xf32, #tpu.memory_space<vmem>>[vector<16xi32>, vector<16xi32>], vector<16xf32>,
      %mul3A_437 = arith.mulf %gather3A_424, %gather3A_432 : vector<16xf32>
      %mul3A_438 = arith.mulf %gather3A_428, %gather3A_436 : vector<16xf32>
      %add3A_439 = arith.addf %mul3A_437, %mul3A_438 : vector<16xf32>
      %swap3A_440 = arith.constant 1 : i32
      %swap3A_441 = arith.index_cast %swap3A_440 : i32 to index
      %swap3A_442 = arith.constant 0 : index
      %swap3A_443 = tpu.vector_load %arg11[%swap3A_441, %swap3A_442] {strides = array<i32>} : memref<16x16xf32, #tpu.memory_space<vmem>>, vector<16xf32>,
      tpu.vector_store %arg11[%swap3A_441, %swap3A_442], %add3A_439 {strides = array<i32>} : memref<16x16xf32, #tpu.memory_space<vmem>>, vector<16xf32>,
      %slice3A_444 = vector.extract_strided_slice %get3A_284 {offsets = [9], sizes = [1], strides = [1]} : vector<16xi32> to vector<1xi32>
      %squeeze3A_445 = vector.extract %slice3A_444[0] : i32 from vector<1xi32>
      %slice3A_446 = vector.extract_strided_slice %get3A_289 {offsets = [9], sizes = [1], strides = [1]} : vector<16xi32> to vector<1xi32>
      %squeeze3A_447 = vector.extract %slice3A_446[0] : i32 from vector<1xi32>
      %shift_right_arithmetic3A_448 = arith.constant 7 : i32
      %shift_right_arithmetic3A_449 = arith.shrsi %squeeze3A_445, %shift_right_arithmetic3A_448 : i32
      %shift_left3A_450 = arith.constant 7 : i32
      %shift_left3A_451 = arith.shli %shift_right_arithmetic3A_449, %shift_left3A_450 : i32
      %multiple_of3A_452 = tpu.assume_multiple %shift_left3A_451, 128 : i32
      %shift_right_arithmetic3A_453 = arith.constant 7 : i32
      %shift_right_arithmetic3A_454 = arith.shrsi %squeeze3A_447, %shift_right_arithmetic3A_453 : i32
      %shift_left3A_455 = arith.constant 7 : i32
      %shift_left3A_456 = arith.shli %shift_right_arithmetic3A_454, %shift_left3A_455 : i32
      %multiple_of3A_457 = tpu.assume_multiple %shift_left3A_456, 128 : i32
      %dma_start3A_458 = arith.constant 32 : i32
      %dma_start3A_459 = arith.constant 0 : i32
      %dma_start3A_460 = tpu.memref_slice %arg9[%dma_start3A_458, %dma_start3A_459] : memref<256x128xf32, #tpu.memory_space<vmem>> -> memref<32x128xf32, #tpu.memory_space<vmem>>
      %dma_start3A_461 = arith.constant 0 : i32
      %dma_start3A_462 = tpu.memref_slice %arg2[%dma_start3A_461, %multiple_of3A_452] : memref<32x1000000xf32, #tpu.memory_space<hbm>> -> memref<32x128xf32, #tpu.memory_space<hbm>>
      %dma_start3A_463 = arith.constant 32 : i32
      %dma_start3A_464 = arith.constant 0 : i32
      %dma_start3A_465 = tpu.memref_slice %arg9[%dma_start3A_463, %dma_start3A_464] : memref<256x128xf32, #tpu.memory_space<vmem>> -> memref<32x128xf32, #tpu.memory_space<vmem>>
      %dma_start3A_466 = arith.constant 0 : i32
      %dma_start3A_467 = tpu.memref_slice %arg2[%dma_start3A_466, %multiple_of3A_452] : memref<32x1000000xf32, #tpu.memory_space<hbm>> -> memref<32x128xf32, #tpu.memory_space<hbm>>
      tpu.enqueue_dma source(%dma_start3A_467 : memref<32x128xf32, #tpu.memory_space<hbm>>) target(%dma_start3A_465 : memref<32x128xf32, #tpu.memory_space<vmem>>) target_semaphore(%arg14 : memref<!tpu.dma_semaphore, #tpu.memory_space<semaphore_mem>>)
      %dma_start3A_468 = arith.constant 32 : i32
      %dma_start3A_469 = arith.constant 0 : i32
      %dma_start3A_470 = tpu.memref_slice %arg10[%dma_start3A_468, %dma_start3A_469] : memref<256x128xf32, #tpu.memory_space<vmem>> -> memref<32x128xf32, #tpu.memory_space<vmem>>
      %dma_start3A_471 = arith.constant 0 : i32
      %dma_start3A_472 = tpu.memref_slice %arg3[%dma_start3A_471, %multiple_of3A_457] : memref<32x1000000xf32, #tpu.memory_space<hbm>> -> memref<32x128xf32, #tpu.memory_space<hbm>>
      %dma_start3A_473 = arith.constant 32 : i32
      %dma_start3A_474 = arith.constant 0 : i32
      %dma_start3A_475 = tpu.memref_slice %arg10[%dma_start3A_473, %dma_start3A_474] : memref<256x128xf32, #tpu.memory_space<vmem>> -> memref<32x128xf32, #tpu.memory_space<vmem>>
      %dma_start3A_476 = arith.constant 0 : i32
      %dma_start3A_477 = tpu.memref_slice %arg3[%dma_start3A_476, %multiple_of3A_457] : memref<32x1000000xf32, #tpu.memory_space<hbm>> -> memref<32x128xf32, #tpu.memory_space<hbm>>
      tpu.enqueue_dma source(%dma_start3A_477 : memref<32x128xf32, #tpu.memory_space<hbm>>) target(%dma_start3A_475 : memref<32x128xf32, #tpu.memory_space<vmem>>) target_semaphore(%arg22 : memref<!tpu.dma_semaphore, #tpu.memory_space<semaphore_mem>>)
      %dma_wait3A_478 = arith.constant 64 : i32
      %dma_wait3A_479 = arith.constant 0 : i32
      %dma_wait3A_480 = tpu.memref_slice %arg9[%dma_wait3A_478, %dma_wait3A_479] : memref<256x128xf32, #tpu.memory_space<vmem>> -> memref<32x128xf32, #tpu.memory_space<vmem>>
      %dma_wait3A_481 = arith.constant 0 : i32
      %dma_wait3A_482 = arith.constant 0 : i32
      %dma_wait3A_483 = tpu.memref_slice %arg2[%dma_wait3A_481, %dma_wait3A_482] : memref<32x1000000xf32, #tpu.memory_space<hbm>> -> memref<32x128xf32, #tpu.memory_space<hbm>>
      %dma_wait3A_484 = arith.constant 64 : i32
      %dma_wait3A_485 = arith.constant 0 : i32
      %dma_wait3A_486 = tpu.memref_slice %arg9[%dma_wait3A_484, %dma_wait3A_485] : memref<256x128xf32, #tpu.memory_space<vmem>> -> memref<32x128xf32, #tpu.memory_space<vmem>>
      %dma_wait3A_487 = arith.constant 0 : i32
      %dma_wait3A_488 = arith.constant 0 : i32
      %dma_wait3A_489 = tpu.memref_slice %arg2[%dma_wait3A_487, %dma_wait3A_488] : memref<32x1000000xf32, #tpu.memory_space<hbm>> -> memref<32x128xf32, #tpu.memory_space<hbm>>
      tpu.wait_dma2 semaphore(%arg15 : memref<!tpu.dma_semaphore, #tpu.memory_space<semaphore_mem>>) src(%dma_wait3A_489 : memref<32x128xf32, #tpu.memory_space<hbm>>) dst(%dma_wait3A_486 : memref<32x128xf32, #tpu.memory_space<vmem>>)
      %dma_wait3A_490 = arith.constant 64 : i32
      %dma_wait3A_491 = arith.constant 0 : i32
      %dma_wait3A_492 = tpu.memref_slice %arg10[%dma_wait3A_490, %dma_wait3A_491] : memref<256x128xf32, #tpu.memory_space<vmem>> -> memref<32x128xf32, #tpu.memory_space<vmem>>
      %dma_wait3A_493 = arith.constant 0 : i32
      %dma_wait3A_494 = arith.constant 0 : i32
      %dma_wait3A_495 = tpu.memref_slice %arg3[%dma_wait3A_493, %dma_wait3A_494] : memref<32x1000000xf32, #tpu.memory_space<hbm>> -> memref<32x128xf32, #tpu.memory_space<hbm>>
      %dma_wait3A_496 = arith.constant 64 : i32
      %dma_wait3A_497 = arith.constant 0 : i32
      %dma_wait3A_498 = tpu.memref_slice %arg10[%dma_wait3A_496, %dma_wait3A_497] : memref<256x128xf32, #tpu.memory_space<vmem>> -> memref<32x128xf32, #tpu.memory_space<vmem>>
      %dma_wait3A_499 = arith.constant 0 : i32
      %dma_wait3A_500 = arith.constant 0 : i32
      %dma_wait3A_501 = tpu.memref_slice %arg3[%dma_wait3A_499, %dma_wait3A_500] : memref<32x1000000xf32, #tpu.memory_space<hbm>> -> memref<32x128xf32, #tpu.memory_space<hbm>>
      tpu.wait_dma2 semaphore(%arg23 : memref<!tpu.dma_semaphore, #tpu.memory_space<semaphore_mem>>) src(%dma_wait3A_501 : memref<32x128xf32, #tpu.memory_space<hbm>>) dst(%dma_wait3A_498 : memref<32x128xf32, #tpu.memory_space<vmem>>)
      %slice3A_502 = vector.extract_strided_slice %get3A_284 {offsets = [2], sizes = [1], strides = [1]} : vector<16xi32> to vector<1xi32>
      %squeeze3A_503 = vector.extract %slice3A_502[0] : i32 from vector<1xi32>
      %and3A_504 = arith.constant 127 : i32
      %and3A_505 = arith.andi %squeeze3A_503, %and3A_504 : i32
      %broadcast_in_dim3A_506 = vector.broadcast %and3A_505 : i32 to vector<16xi32>
      %slice3A_507 = vector.extract_strided_slice %get3A_289 {offsets = [2], sizes = [1], strides = [1]} : vector<16xi32> to vector<1xi32>
      %squeeze3A_508 = vector.extract %slice3A_507[0] : i32 from vector<1xi32>
      %and3A_509 = arith.constant 127 : i32
      %and3A_510 = arith.andi %squeeze3A_508, %and3A_509 : i32
      %broadcast_in_dim3A_511 = vector.broadcast %and3A_510 : i32 to vector<16xi32>
      %add3A_512 = arith.constant 64 : i32
      %add3A_513 = vector.broadcast %add3A_512 : i32 to vector<16xi32>
      %add3A_514 = arith.addi %add3A_513, %iota3A : vector<16xi32>
      %gather3A_515 = tpu.vector_load_idx %arg9[%add3A_514, %broadcast_in_dim3A_506] : memref<256x128xf32, #tpu.memory_space<vmem>>[vector<16xi32>, vector<16xi32>], vector<16xf32>,
      %add3A_516 = arith.constant 80 : i32
      %add3A_517 = vector.broadcast %add3A_516 : i32 to vector<16xi32>
      %add3A_518 = arith.addi %add3A_517, %iota3A : vector<16xi32>
      %gather3A_519 = tpu.vector_load_idx %arg9[%add3A_518, %broadcast_in_dim3A_506] : memref<256x128xf32, #tpu.memory_space<vmem>>[vector<16xi32>, vector<16xi32>], vector<16xf32>,
      %add3A_520 = arith.constant 64 : i32
      %add3A_521 = vector.broadcast %add3A_520 : i32 to vector<16xi32>
      %add3A_522 = arith.addi %add3A_521, %iota3A : vector<16xi32>
      %gather3A_523 = tpu.vector_load_idx %arg10[%add3A_522, %broadcast_in_dim3A_511] : memref<256x128xf32, #tpu.memory_space<vmem>>[vector<16xi32>, vector<16xi32>], vector<16xf32>,
      %add3A_524 = arith.constant 80 : i32
      %add3A_525 = vector.broadcast %add3A_524 : i32 to vector<16xi32>
      %add3A_526 = arith.addi %add3A_525, %iota3A : vector<16xi32>
      %gather3A_527 = tpu.vector_load_idx %arg10[%add3A_526, %broadcast_in_dim3A_511] : memref<256x128xf32, #tpu.memory_space<vmem>>[vector<16xi32>, vector<16xi32>], vector<16xf32>,
      %mul3A_528 = arith.mulf %gather3A_515, %gather3A_523 : vector<16xf32>
      %mul3A_529 = arith.mulf %gather3A_519, %gather3A_527 : vector<16xf32>
      %add3A_530 = arith.addf %mul3A_528, %mul3A_529 : vector<16xf32>
      %swap3A_531 = arith.constant 2 : i32
      %swap3A_532 = arith.index_cast %swap3A_531 : i32 to index
      %swap3A_533 = arith.constant 0 : index
      %swap3A_534 = tpu.vector_load %arg11[%swap3A_532, %swap3A_533] {strides = array<i32>} : memref<16x16xf32, #tpu.memory_space<vmem>>, vector<16xf32>,
      tpu.vector_store %arg11[%swap3A_532, %swap3A_533], %add3A_530 {strides = array<i32>} : memref<16x16xf32, #tpu.memory_space<vmem>>, vector<16xf32>,
      %slice3A_535 = vector.extract_strided_slice %get3A_284 {offsets = [10], sizes = [1], strides = [1]} : vector<16xi32> to vector<1xi32>
      %squeeze3A_536 = vector.extract %slice3A_535[0] : i32 from vector<1xi32>
      %slice3A_537 = vector.extract_strided_slice %get3A_289 {offsets = [10], sizes = [1], strides = [1]} : vector<16xi32> to vector<1xi32>
      %squeeze3A_538 = vector.extract %slice3A_537[0] : i32 from vector<1xi32>
      %shift_right_arithmetic3A_539 = arith.constant 7 : i32
      %shift_right_arithmetic3A_540 = arith.shrsi %squeeze3A_536, %shift_right_arithmetic3A_539 : i32
      %shift_left3A_541 = arith.constant 7 : i32
      %shift_left3A_542 = arith.shli %shift_right_arithmetic3A_540, %shift_left3A_541 : i32
      %multiple_of3A_543 = tpu.assume_multiple %shift_left3A_542, 128 : i32
      %shift_right_arithmetic3A_544 = arith.constant 7 : i32
      %shift_right_arithmetic3A_545 = arith.shrsi %squeeze3A_538, %shift_right_arithmetic3A_544 : i32
      %shift_left3A_546 = arith.constant 7 : i32
      %shift_left3A_547 = arith.shli %shift_right_arithmetic3A_545, %shift_left3A_546 : i32
      %multiple_of3A_548 = tpu.assume_multiple %shift_left3A_547, 128 : i32
      %dma_start3A_549 = arith.constant 64 : i32
      %dma_start3A_550 = arith.constant 0 : i32
      %dma_start3A_551 = tpu.memref_slice %arg9[%dma_start3A_549, %dma_start3A_550] : memref<256x128xf32, #tpu.memory_space<vmem>> -> memref<32x128xf32, #tpu.memory_space<vmem>>
      %dma_start3A_552 = arith.constant 0 : i32
      %dma_start3A_553 = tpu.memref_slice %arg2[%dma_start3A_552, %multiple_of3A_543] : memref<32x1000000xf32, #tpu.memory_space<hbm>> -> memref<32x128xf32, #tpu.memory_space<hbm>>
      %dma_start3A_554 = arith.constant 64 : i32
      %dma_start3A_555 = arith.constant 0 : i32
      %dma_start3A_556 = tpu.memref_slice %arg9[%dma_start3A_554, %dma_start3A_555] : memref<256x128xf32, #tpu.memory_space<vmem>> -> memref<32x128xf32, #tpu.memory_space<vmem>>
      %dma_start3A_557 = arith.constant 0 : i32
      %dma_start3A_558 = tpu.memref_slice %arg2[%dma_start3A_557, %multiple_of3A_543] : memref<32x1000000xf32, #tpu.memory_space<hbm>> -> memref<32x128xf32, #tpu.memory_space<hbm>>
      tpu.enqueue_dma source(%dma_start3A_558 : memref<32x128xf32, #tpu.memory_space<hbm>>) target(%dma_start3A_556 : memref<32x128xf32, #tpu.memory_space<vmem>>) target_semaphore(%arg15 : memref<!tpu.dma_semaphore, #tpu.memory_space<semaphore_mem>>)
      %dma_start3A_559 = arith.constant 64 : i32
      %dma_start3A_560 = arith.constant 0 : i32
      %dma_start3A_561 = tpu.memref_slice %arg10[%dma_start3A_559, %dma_start3A_560] : memref<256x128xf32, #tpu.memory_space<vmem>> -> memref<32x128xf32, #tpu.memory_space<vmem>>
      %dma_start3A_562 = arith.constant 0 : i32
      %dma_start3A_563 = tpu.memref_slice %arg3[%dma_start3A_562, %multiple_of3A_548] : memref<32x1000000xf32, #tpu.memory_space<hbm>> -> memref<32x128xf32, #tpu.memory_space<hbm>>
      %dma_start3A_564 = arith.constant 64 : i32
      %dma_start3A_565 = arith.constant 0 : i32
      %dma_start3A_566 = tpu.memref_slice %arg10[%dma_start3A_564, %dma_start3A_565] : memref<256x128xf32, #tpu.memory_space<vmem>> -> memref<32x128xf32, #tpu.memory_space<vmem>>
      %dma_start3A_567 = arith.constant 0 : i32
      %dma_start3A_568 = tpu.memref_slice %arg3[%dma_start3A_567, %multiple_of3A_548] : memref<32x1000000xf32, #tpu.memory_space<hbm>> -> memref<32x128xf32, #tpu.memory_space<hbm>>
      tpu.enqueue_dma source(%dma_start3A_568 : memref<32x128xf32, #tpu.memory_space<hbm>>) target(%dma_start3A_566 : memref<32x128xf32, #tpu.memory_space<vmem>>) target_semaphore(%arg23 : memref<!tpu.dma_semaphore, #tpu.memory_space<semaphore_mem>>)
      %dma_wait3A_569 = arith.constant 96 : i32
      %dma_wait3A_570 = arith.constant 0 : i32
      %dma_wait3A_571 = tpu.memref_slice %arg9[%dma_wait3A_569, %dma_wait3A_570] : memref<256x128xf32, #tpu.memory_space<vmem>> -> memref<32x128xf32, #tpu.memory_space<vmem>>
      %dma_wait3A_572 = arith.constant 0 : i32
      %dma_wait3A_573 = arith.constant 0 : i32
      %dma_wait3A_574 = tpu.memref_slice %arg2[%dma_wait3A_572, %dma_wait3A_573] : memref<32x1000000xf32, #tpu.memory_space<hbm>> -> memref<32x128xf32, #tpu.memory_space<hbm>>
      %dma_wait3A_575 = arith.constant 96 : i32
      %dma_wait3A_576 = arith.constant 0 : i32
      %dma_wait3A_577 = tpu.memref_slice %arg9[%dma_wait3A_575, %dma_wait3A_576] : memref<256x128xf32, #tpu.memory_space<vmem>> -> memref<32x128xf32, #tpu.memory_space<vmem>>
      %dma_wait3A_578 = arith.constant 0 : i32
      %dma_wait3A_579 = arith.constant 0 : i32
      %dma_wait3A_580 = tpu.memref_slice %arg2[%dma_wait3A_578, %dma_wait3A_579] : memref<32x1000000xf32, #tpu.memory_space<hbm>> -> memref<32x128xf32, #tpu.memory_space<hbm>>
      tpu.wait_dma2 semaphore(%arg16 : memref<!tpu.dma_semaphore, #tpu.memory_space<semaphore_mem>>) src(%dma_wait3A_580 : memref<32x128xf32, #tpu.memory_space<hbm>>) dst(%dma_wait3A_577 : memref<32x128xf32, #tpu.memory_space<vmem>>)
      %dma_wait3A_581 = arith.constant 96 : i32
      %dma_wait3A_582 = arith.constant 0 : i32
      %dma_wait3A_583 = tpu.memref_slice %arg10[%dma_wait3A_581, %dma_wait3A_582] : memref<256x128xf32, #tpu.memory_space<vmem>> -> memref<32x128xf32, #tpu.memory_space<vmem>>
      %dma_wait3A_584 = arith.constant 0 : i32
      %dma_wait3A_585 = arith.constant 0 : i32
      %dma_wait3A_586 = tpu.memref_slice %arg3[%dma_wait3A_584, %dma_wait3A_585] : memref<32x1000000xf32, #tpu.memory_space<hbm>> -> memref<32x128xf32, #tpu.memory_space<hbm>>
      %dma_wait3A_587 = arith.constant 96 : i32
      %dma_wait3A_588 = arith.constant 0 : i32
      %dma_wait3A_589 = tpu.memref_slice %arg10[%dma_wait3A_587, %dma_wait3A_588] : memref<256x128xf32, #tpu.memory_space<vmem>> -> memref<32x128xf32, #tpu.memory_space<vmem>>
      %dma_wait3A_590 = arith.constant 0 : i32
      %dma_wait3A_591 = arith.constant 0 : i32
      %dma_wait3A_592 = tpu.memref_slice %arg3[%dma_wait3A_590, %dma_wait3A_591] : memref<32x1000000xf32, #tpu.memory_space<hbm>> -> memref<32x128xf32, #tpu.memory_space<hbm>>
      tpu.wait_dma2 semaphore(%arg24 : memref<!tpu.dma_semaphore, #tpu.memory_space<semaphore_mem>>) src(%dma_wait3A_592 : memref<32x128xf32, #tpu.memory_space<hbm>>) dst(%dma_wait3A_589 : memref<32x128xf32, #tpu.memory_space<vmem>>)
      %slice3A_593 = vector.extract_strided_slice %get3A_284 {offsets = [3], sizes = [1], strides = [1]} : vector<16xi32> to vector<1xi32>
      %squeeze3A_594 = vector.extract %slice3A_593[0] : i32 from vector<1xi32>
      %and3A_595 = arith.constant 127 : i32
      %and3A_596 = arith.andi %squeeze3A_594, %and3A_595 : i32
      %broadcast_in_dim3A_597 = vector.broadcast %and3A_596 : i32 to vector<16xi32>
      %slice3A_598 = vector.extract_strided_slice %get3A_289 {offsets = [3], sizes = [1], strides = [1]} : vector<16xi32> to vector<1xi32>
      %squeeze3A_599 = vector.extract %slice3A_598[0] : i32 from vector<1xi32>
      %and3A_600 = arith.constant 127 : i32
      %and3A_601 = arith.andi %squeeze3A_599, %and3A_600 : i32
      %broadcast_in_dim3A_602 = vector.broadcast %and3A_601 : i32 to vector<16xi32>
      %add3A_603 = arith.constant 96 : i32
      %add3A_604 = vector.broadcast %add3A_603 : i32 to vector<16xi32>
      %add3A_605 = arith.addi %add3A_604, %iota3A : vector<16xi32>
      %gather3A_606 = tpu.vector_load_idx %arg9[%add3A_605, %broadcast_in_dim3A_597] : memref<256x128xf32, #tpu.memory_space<vmem>>[vector<16xi32>, vector<16xi32>], vector<16xf32>,
      %add3A_607 = arith.constant 112 : i32
      %add3A_608 = vector.broadcast %add3A_607 : i32 to vector<16xi32>
      %add3A_609 = arith.addi %add3A_608, %iota3A : vector<16xi32>
      %gather3A_610 = tpu.vector_load_idx %arg9[%add3A_609, %broadcast_in_dim3A_597] : memref<256x128xf32, #tpu.memory_space<vmem>>[vector<16xi32>, vector<16xi32>], vector<16xf32>,
      %add3A_611 = arith.constant 96 : i32
      %add3A_612 = vector.broadcast %add3A_611 : i32 to vector<16xi32>
      %add3A_613 = arith.addi %add3A_612, %iota3A : vector<16xi32>
      %gather3A_614 = tpu.vector_load_idx %arg10[%add3A_613, %broadcast_in_dim3A_602] : memref<256x128xf32, #tpu.memory_space<vmem>>[vector<16xi32>, vector<16xi32>], vector<16xf32>,
      %add3A_615 = arith.constant 112 : i32
      %add3A_616 = vector.broadcast %add3A_615 : i32 to vector<16xi32>
      %add3A_617 = arith.addi %add3A_616, %iota3A : vector<16xi32>
      %gather3A_618 = tpu.vector_load_idx %arg10[%add3A_617, %broadcast_in_dim3A_602] : memref<256x128xf32, #tpu.memory_space<vmem>>[vector<16xi32>, vector<16xi32>], vector<16xf32>,
      %mul3A_619 = arith.mulf %gather3A_606, %gather3A_614 : vector<16xf32>
      %mul3A_620 = arith.mulf %gather3A_610, %gather3A_618 : vector<16xf32>
      %add3A_621 = arith.addf %mul3A_619, %mul3A_620 : vector<16xf32>
      %swap3A_622 = arith.constant 3 : i32
      %swap3A_623 = arith.index_cast %swap3A_622 : i32 to index
      %swap3A_624 = arith.constant 0 : index
      %swap3A_625 = tpu.vector_load %arg11[%swap3A_623, %swap3A_624] {strides = array<i32>} : memref<16x16xf32, #tpu.memory_space<vmem>>, vector<16xf32>,
      tpu.vector_store %arg11[%swap3A_623, %swap3A_624], %add3A_621 {strides = array<i32>} : memref<16x16xf32, #tpu.memory_space<vmem>>, vector<16xf32>,
      %slice3A_626 = vector.extract_strided_slice %get3A_284 {offsets = [11], sizes = [1], strides = [1]} : vector<16xi32> to vector<1xi32>
      %squeeze3A_627 = vector.extract %slice3A_626[0] : i32 from vector<1xi32>
      %slice3A_628 = vector.extract_strided_slice %get3A_289 {offsets = [11], sizes = [1], strides = [1]} : vector<16xi32> to vector<1xi32>
      %squeeze3A_629 = vector.extract %slice3A_628[0] : i32 from vector<1xi32>
      %shift_right_arithmetic3A_630 = arith.constant 7 : i32
      %shift_right_arithmetic3A_631 = arith.shrsi %squeeze3A_627, %shift_right_arithmetic3A_630 : i32
      %shift_left3A_632 = arith.constant 7 : i32
      %shift_left3A_633 = arith.shli %shift_right_arithmetic3A_631, %shift_left3A_632 : i32
      %multiple_of3A_634 = tpu.assume_multiple %shift_left3A_633, 128 : i32
      %shift_right_arithmetic3A_635 = arith.constant 7 : i32
      %shift_right_arithmetic3A_636 = arith.shrsi %squeeze3A_629, %shift_right_arithmetic3A_635 : i32
      %shift_left3A_637 = arith.constant 7 : i32
      %shift_left3A_638 = arith.shli %shift_right_arithmetic3A_636, %shift_left3A_637 : i32
      %multiple_of3A_639 = tpu.assume_multiple %shift_left3A_638, 128 : i32
      %dma_start3A_640 = arith.constant 96 : i32
      %dma_start3A_641 = arith.constant 0 : i32
      %dma_start3A_642 = tpu.memref_slice %arg9[%dma_start3A_640, %dma_start3A_641] : memref<256x128xf32, #tpu.memory_space<vmem>> -> memref<32x128xf32, #tpu.memory_space<vmem>>
      %dma_start3A_643 = arith.constant 0 : i32
      %dma_start3A_644 = tpu.memref_slice %arg2[%dma_start3A_643, %multiple_of3A_634] : memref<32x1000000xf32, #tpu.memory_space<hbm>> -> memref<32x128xf32, #tpu.memory_space<hbm>>
      %dma_start3A_645 = arith.constant 96 : i32
      %dma_start3A_646 = arith.constant 0 : i32
      %dma_start3A_647 = tpu.memref_slice %arg9[%dma_start3A_645, %dma_start3A_646] : memref<256x128xf32, #tpu.memory_space<vmem>> -> memref<32x128xf32, #tpu.memory_space<vmem>>
      %dma_start3A_648 = arith.constant 0 : i32
      %dma_start3A_649 = tpu.memref_slice %arg2[%dma_start3A_648, %multiple_of3A_634] : memref<32x1000000xf32, #tpu.memory_space<hbm>> -> memref<32x128xf32, #tpu.memory_space<hbm>>
      tpu.enqueue_dma source(%dma_start3A_649 : memref<32x128xf32, #tpu.memory_space<hbm>>) target(%dma_start3A_647 : memref<32x128xf32, #tpu.memory_space<vmem>>) target_semaphore(%arg16 : memref<!tpu.dma_semaphore, #tpu.memory_space<semaphore_mem>>)
      %dma_start3A_650 = arith.constant 96 : i32
      %dma_start3A_651 = arith.constant 0 : i32
      %dma_start3A_652 = tpu.memref_slice %arg10[%dma_start3A_650, %dma_start3A_651] : memref<256x128xf32, #tpu.memory_space<vmem>> -> memref<32x128xf32, #tpu.memory_space<vmem>>
      %dma_start3A_653 = arith.constant 0 : i32
      %dma_start3A_654 = tpu.memref_slice %arg3[%dma_start3A_653, %multiple_of3A_639] : memref<32x1000000xf32, #tpu.memory_space<hbm>> -> memref<32x128xf32, #tpu.memory_space<hbm>>
      %dma_start3A_655 = arith.constant 96 : i32
      %dma_start3A_656 = arith.constant 0 : i32
      %dma_start3A_657 = tpu.memref_slice %arg10[%dma_start3A_655, %dma_start3A_656] : memref<256x128xf32, #tpu.memory_space<vmem>> -> memref<32x128xf32, #tpu.memory_space<vmem>>
      %dma_start3A_658 = arith.constant 0 : i32
      %dma_start3A_659 = tpu.memref_slice %arg3[%dma_start3A_658, %multiple_of3A_639] : memref<32x1000000xf32, #tpu.memory_space<hbm>> -> memref<32x128xf32, #tpu.memory_space<hbm>>
      tpu.enqueue_dma source(%dma_start3A_659 : memref<32x128xf32, #tpu.memory_space<hbm>>) target(%dma_start3A_657 : memref<32x128xf32, #tpu.memory_space<vmem>>) target_semaphore(%arg24 : memref<!tpu.dma_semaphore, #tpu.memory_space<semaphore_mem>>)
      %dma_wait3A_660 = arith.constant 128 : i32
      %dma_wait3A_661 = arith.constant 0 : i32
      %dma_wait3A_662 = tpu.memref_slice %arg9[%dma_wait3A_660, %dma_wait3A_661] : memref<256x128xf32, #tpu.memory_space<vmem>> -> memref<32x128xf32, #tpu.memory_space<vmem>>
      %dma_wait3A_663 = arith.constant 0 : i32
      %dma_wait3A_664 = arith.constant 0 : i32
      %dma_wait3A_665 = tpu.memref_slice %arg2[%dma_wait3A_663, %dma_wait3A_664] : memref<32x1000000xf32, #tpu.memory_space<hbm>> -> memref<32x128xf32, #tpu.memory_space<hbm>>
      %dma_wait3A_666 = arith.constant 128 : i32
      %dma_wait3A_667 = arith.constant 0 : i32
      %dma_wait3A_668 = tpu.memref_slice %arg9[%dma_wait3A_666, %dma_wait3A_667] : memref<256x128xf32, #tpu.memory_space<vmem>> -> memref<32x128xf32, #tpu.memory_space<vmem>>
      %dma_wait3A_669 = arith.constant 0 : i32
      %dma_wait3A_670 = arith.constant 0 : i32
      %dma_wait3A_671 = tpu.memref_slice %arg2[%dma_wait3A_669, %dma_wait3A_670] : memref<32x1000000xf32, #tpu.memory_space<hbm>> -> memref<32x128xf32, #tpu.memory_space<hbm>>
      tpu.wait_dma2 semaphore(%arg17 : memref<!tpu.dma_semaphore, #tpu.memory_space<semaphore_mem>>) src(%dma_wait3A_671 : memref<32x128xf32, #tpu.memory_space<hbm>>) dst(%dma_wait3A_668 : memref<32x128xf32, #tpu.memory_space<vmem>>)
      %dma_wait3A_672 = arith.constant 128 : i32
      %dma_wait3A_673 = arith.constant 0 : i32
      %dma_wait3A_674 = tpu.memref_slice %arg10[%dma_wait3A_672, %dma_wait3A_673] : memref<256x128xf32, #tpu.memory_space<vmem>> -> memref<32x128xf32, #tpu.memory_space<vmem>>
      %dma_wait3A_675 = arith.constant 0 : i32
      %dma_wait3A_676 = arith.constant 0 : i32
      %dma_wait3A_677 = tpu.memref_slice %arg3[%dma_wait3A_675, %dma_wait3A_676] : memref<32x1000000xf32, #tpu.memory_space<hbm>> -> memref<32x128xf32, #tpu.memory_space<hbm>>
      %dma_wait3A_678 = arith.constant 128 : i32
      %dma_wait3A_679 = arith.constant 0 : i32
      %dma_wait3A_680 = tpu.memref_slice %arg10[%dma_wait3A_678, %dma_wait3A_679] : memref<256x128xf32, #tpu.memory_space<vmem>> -> memref<32x128xf32, #tpu.memory_space<vmem>>
      %dma_wait3A_681 = arith.constant 0 : i32
      %dma_wait3A_682 = arith.constant 0 : i32
      %dma_wait3A_683 = tpu.memref_slice %arg3[%dma_wait3A_681, %dma_wait3A_682] : memref<32x1000000xf32, #tpu.memory_space<hbm>> -> memref<32x128xf32, #tpu.memory_space<hbm>>
      tpu.wait_dma2 semaphore(%arg25 : memref<!tpu.dma_semaphore, #tpu.memory_space<semaphore_mem>>) src(%dma_wait3A_683 : memref<32x128xf32, #tpu.memory_space<hbm>>) dst(%dma_wait3A_680 : memref<32x128xf32, #tpu.memory_space<vmem>>)
      %slice3A_684 = vector.extract_strided_slice %get3A_284 {offsets = [4], sizes = [1], strides = [1]} : vector<16xi32> to vector<1xi32>
      %squeeze3A_685 = vector.extract %slice3A_684[0] : i32 from vector<1xi32>
      %and3A_686 = arith.constant 127 : i32
      %and3A_687 = arith.andi %squeeze3A_685, %and3A_686 : i32
      %broadcast_in_dim3A_688 = vector.broadcast %and3A_687 : i32 to vector<16xi32>
      %slice3A_689 = vector.extract_strided_slice %get3A_289 {offsets = [4], sizes = [1], strides = [1]} : vector<16xi32> to vector<1xi32>
      %squeeze3A_690 = vector.extract %slice3A_689[0] : i32 from vector<1xi32>
      %and3A_691 = arith.constant 127 : i32
      %and3A_692 = arith.andi %squeeze3A_690, %and3A_691 : i32
      %broadcast_in_dim3A_693 = vector.broadcast %and3A_692 : i32 to vector<16xi32>
      %add3A_694 = arith.constant 128 : i32
      %add3A_695 = vector.broadcast %add3A_694 : i32 to vector<16xi32>
      %add3A_696 = arith.addi %add3A_695, %iota3A : vector<16xi32>
      %gather3A_697 = tpu.vector_load_idx %arg9[%add3A_696, %broadcast_in_dim3A_688] : memref<256x128xf32, #tpu.memory_space<vmem>>[vector<16xi32>, vector<16xi32>], vector<16xf32>,
      %add3A_698 = arith.constant 144 : i32
      %add3A_699 = vector.broadcast %add3A_698 : i32 to vector<16xi32>
      %add3A_700 = arith.addi %add3A_699, %iota3A : vector<16xi32>
      %gather3A_701 = tpu.vector_load_idx %arg9[%add3A_700, %broadcast_in_dim3A_688] : memref<256x128xf32, #tpu.memory_space<vmem>>[vector<16xi32>, vector<16xi32>], vector<16xf32>,
      %add3A_702 = arith.constant 128 : i32
      %add3A_703 = vector.broadcast %add3A_702 : i32 to vector<16xi32>
      %add3A_704 = arith.addi %add3A_703, %iota3A : vector<16xi32>
      %gather3A_705 = tpu.vector_load_idx %arg10[%add3A_704, %broadcast_in_dim3A_693] : memref<256x128xf32, #tpu.memory_space<vmem>>[vector<16xi32>, vector<16xi32>], vector<16xf32>,
      %add3A_706 = arith.constant 144 : i32
      %add3A_707 = vector.broadcast %add3A_706 : i32 to vector<16xi32>
      %add3A_708 = arith.addi %add3A_707, %iota3A : vector<16xi32>
      %gather3A_709 = tpu.vector_load_idx %arg10[%add3A_708, %broadcast_in_dim3A_693] : memref<256x128xf32, #tpu.memory_space<vmem>>[vector<16xi32>, vector<16xi32>], vector<16xf32>,
      %mul3A_710 = arith.mulf %gather3A_697, %gather3A_705 : vector<16xf32>
      %mul3A_711 = arith.mulf %gather3A_701, %gather3A_709 : vector<16xf32>
      %add3A_712 = arith.addf %mul3A_710, %mul3A_711 : vector<16xf32>
      %swap3A_713 = arith.constant 4 : i32
      %swap3A_714 = arith.index_cast %swap3A_713 : i32 to index
      %swap3A_715 = arith.constant 0 : index
      %swap3A_716 = tpu.vector_load %arg11[%swap3A_714, %swap3A_715] {strides = array<i32>} : memref<16x16xf32, #tpu.memory_space<vmem>>, vector<16xf32>,
      tpu.vector_store %arg11[%swap3A_714, %swap3A_715], %add3A_712 {strides = array<i32>} : memref<16x16xf32, #tpu.memory_space<vmem>>, vector<16xf32>,
      %slice3A_717 = vector.extract_strided_slice %get3A_284 {offsets = [12], sizes = [1], strides = [1]} : vector<16xi32> to vector<1xi32>
      %squeeze3A_718 = vector.extract %slice3A_717[0] : i32 from vector<1xi32>
      %slice3A_719 = vector.extract_strided_slice %get3A_289 {offsets = [12], sizes = [1], strides = [1]} : vector<16xi32> to vector<1xi32>
      %squeeze3A_720 = vector.extract %slice3A_719[0] : i32 from vector<1xi32>
      %shift_right_arithmetic3A_721 = arith.constant 7 : i32
      %shift_right_arithmetic3A_722 = arith.shrsi %squeeze3A_718, %shift_right_arithmetic3A_721 : i32
      %shift_left3A_723 = arith.constant 7 : i32
      %shift_left3A_724 = arith.shli %shift_right_arithmetic3A_722, %shift_left3A_723 : i32
      %multiple_of3A_725 = tpu.assume_multiple %shift_left3A_724, 128 : i32
      %shift_right_arithmetic3A_726 = arith.constant 7 : i32
      %shift_right_arithmetic3A_727 = arith.shrsi %squeeze3A_720, %shift_right_arithmetic3A_726 : i32
      %shift_left3A_728 = arith.constant 7 : i32
      %shift_left3A_729 = arith.shli %shift_right_arithmetic3A_727, %shift_left3A_728 : i32
      %multiple_of3A_730 = tpu.assume_multiple %shift_left3A_729, 128 : i32
      %dma_start3A_731 = arith.constant 128 : i32
      %dma_start3A_732 = arith.constant 0 : i32
      %dma_start3A_733 = tpu.memref_slice %arg9[%dma_start3A_731, %dma_start3A_732] : memref<256x128xf32, #tpu.memory_space<vmem>> -> memref<32x128xf32, #tpu.memory_space<vmem>>
      %dma_start3A_734 = arith.constant 0 : i32
      %dma_start3A_735 = tpu.memref_slice %arg2[%dma_start3A_734, %multiple_of3A_725] : memref<32x1000000xf32, #tpu.memory_space<hbm>> -> memref<32x128xf32, #tpu.memory_space<hbm>>
      %dma_start3A_736 = arith.constant 128 : i32
      %dma_start3A_737 = arith.constant 0 : i32
      %dma_start3A_738 = tpu.memref_slice %arg9[%dma_start3A_736, %dma_start3A_737] : memref<256x128xf32, #tpu.memory_space<vmem>> -> memref<32x128xf32, #tpu.memory_space<vmem>>
      %dma_start3A_739 = arith.constant 0 : i32
      %dma_start3A_740 = tpu.memref_slice %arg2[%dma_start3A_739, %multiple_of3A_725] : memref<32x1000000xf32, #tpu.memory_space<hbm>> -> memref<32x128xf32, #tpu.memory_space<hbm>>
      tpu.enqueue_dma source(%dma_start3A_740 : memref<32x128xf32, #tpu.memory_space<hbm>>) target(%dma_start3A_738 : memref<32x128xf32, #tpu.memory_space<vmem>>) target_semaphore(%arg17 : memref<!tpu.dma_semaphore, #tpu.memory_space<semaphore_mem>>)
      %dma_start3A_741 = arith.constant 128 : i32
      %dma_start3A_742 = arith.constant 0 : i32
      %dma_start3A_743 = tpu.memref_slice %arg10[%dma_start3A_741, %dma_start3A_742] : memref<256x128xf32, #tpu.memory_space<vmem>> -> memref<32x128xf32, #tpu.memory_space<vmem>>
      %dma_start3A_744 = arith.constant 0 : i32
      %dma_start3A_745 = tpu.memref_slice %arg3[%dma_start3A_744, %multiple_of3A_730] : memref<32x1000000xf32, #tpu.memory_space<hbm>> -> memref<32x128xf32, #tpu.memory_space<hbm>>
      %dma_start3A_746 = arith.constant 128 : i32
      %dma_start3A_747 = arith.constant 0 : i32
      %dma_start3A_748 = tpu.memref_slice %arg10[%dma_start3A_746, %dma_start3A_747] : memref<256x128xf32, #tpu.memory_space<vmem>> -> memref<32x128xf32, #tpu.memory_space<vmem>>
      %dma_start3A_749 = arith.constant 0 : i32
      %dma_start3A_750 = tpu.memref_slice %arg3[%dma_start3A_749, %multiple_of3A_730] : memref<32x1000000xf32, #tpu.memory_space<hbm>> -> memref<32x128xf32, #tpu.memory_space<hbm>>
      tpu.enqueue_dma source(%dma_start3A_750 : memref<32x128xf32, #tpu.memory_space<hbm>>) target(%dma_start3A_748 : memref<32x128xf32, #tpu.memory_space<vmem>>) target_semaphore(%arg25 : memref<!tpu.dma_semaphore, #tpu.memory_space<semaphore_mem>>)
      %dma_wait3A_751 = arith.constant 160 : i32
      %dma_wait3A_752 = arith.constant 0 : i32
      %dma_wait3A_753 = tpu.memref_slice %arg9[%dma_wait3A_751, %dma_wait3A_752] : memref<256x128xf32, #tpu.memory_space<vmem>> -> memref<32x128xf32, #tpu.memory_space<vmem>>
      %dma_wait3A_754 = arith.constant 0 : i32
      %dma_wait3A_755 = arith.constant 0 : i32
      %dma_wait3A_756 = tpu.memref_slice %arg2[%dma_wait3A_754, %dma_wait3A_755] : memref<32x1000000xf32, #tpu.memory_space<hbm>> -> memref<32x128xf32, #tpu.memory_space<hbm>>
      %dma_wait3A_757 = arith.constant 160 : i32
      %dma_wait3A_758 = arith.constant 0 : i32
      %dma_wait3A_759 = tpu.memref_slice %arg9[%dma_wait3A_757, %dma_wait3A_758] : memref<256x128xf32, #tpu.memory_space<vmem>> -> memref<32x128xf32, #tpu.memory_space<vmem>>
      %dma_wait3A_760 = arith.constant 0 : i32
      %dma_wait3A_761 = arith.constant 0 : i32
      %dma_wait3A_762 = tpu.memref_slice %arg2[%dma_wait3A_760, %dma_wait3A_761] : memref<32x1000000xf32, #tpu.memory_space<hbm>> -> memref<32x128xf32, #tpu.memory_space<hbm>>
      tpu.wait_dma2 semaphore(%arg18 : memref<!tpu.dma_semaphore, #tpu.memory_space<semaphore_mem>>) src(%dma_wait3A_762 : memref<32x128xf32, #tpu.memory_space<hbm>>) dst(%dma_wait3A_759 : memref<32x128xf32, #tpu.memory_space<vmem>>)
      %dma_wait3A_763 = arith.constant 160 : i32
      %dma_wait3A_764 = arith.constant 0 : i32
      %dma_wait3A_765 = tpu.memref_slice %arg10[%dma_wait3A_763, %dma_wait3A_764] : memref<256x128xf32, #tpu.memory_space<vmem>> -> memref<32x128xf32, #tpu.memory_space<vmem>>
      %dma_wait3A_766 = arith.constant 0 : i32
      %dma_wait3A_767 = arith.constant 0 : i32
      %dma_wait3A_768 = tpu.memref_slice %arg3[%dma_wait3A_766, %dma_wait3A_767] : memref<32x1000000xf32, #tpu.memory_space<hbm>> -> memref<32x128xf32, #tpu.memory_space<hbm>>
      %dma_wait3A_769 = arith.constant 160 : i32
      %dma_wait3A_770 = arith.constant 0 : i32
      %dma_wait3A_771 = tpu.memref_slice %arg10[%dma_wait3A_769, %dma_wait3A_770] : memref<256x128xf32, #tpu.memory_space<vmem>> -> memref<32x128xf32, #tpu.memory_space<vmem>>
      %dma_wait3A_772 = arith.constant 0 : i32
      %dma_wait3A_773 = arith.constant 0 : i32
      %dma_wait3A_774 = tpu.memref_slice %arg3[%dma_wait3A_772, %dma_wait3A_773] : memref<32x1000000xf32, #tpu.memory_space<hbm>> -> memref<32x128xf32, #tpu.memory_space<hbm>>
      tpu.wait_dma2 semaphore(%arg26 : memref<!tpu.dma_semaphore, #tpu.memory_space<semaphore_mem>>) src(%dma_wait3A_774 : memref<32x128xf32, #tpu.memory_space<hbm>>) dst(%dma_wait3A_771 : memref<32x128xf32, #tpu.memory_space<vmem>>)
      %slice3A_775 = vector.extract_strided_slice %get3A_284 {offsets = [5], sizes = [1], strides = [1]} : vector<16xi32> to vector<1xi32>
      %squeeze3A_776 = vector.extract %slice3A_775[0] : i32 from vector<1xi32>
      %and3A_777 = arith.constant 127 : i32
      %and3A_778 = arith.andi %squeeze3A_776, %and3A_777 : i32
      %broadcast_in_dim3A_779 = vector.broadcast %and3A_778 : i32 to vector<16xi32>
      %slice3A_780 = vector.extract_strided_slice %get3A_289 {offsets = [5], sizes = [1], strides = [1]} : vector<16xi32> to vector<1xi32>
      %squeeze3A_781 = vector.extract %slice3A_780[0] : i32 from vector<1xi32>
      %and3A_782 = arith.constant 127 : i32
      %and3A_783 = arith.andi %squeeze3A_781, %and3A_782 : i32
      %broadcast_in_dim3A_784 = vector.broadcast %and3A_783 : i32 to vector<16xi32>
      %add3A_785 = arith.constant 160 : i32
      %add3A_786 = vector.broadcast %add3A_785 : i32 to vector<16xi32>
      %add3A_787 = arith.addi %add3A_786, %iota3A : vector<16xi32>
      %gather3A_788 = tpu.vector_load_idx %arg9[%add3A_787, %broadcast_in_dim3A_779] : memref<256x128xf32, #tpu.memory_space<vmem>>[vector<16xi32>, vector<16xi32>], vector<16xf32>,
      %add3A_789 = arith.constant 176 : i32
      %add3A_790 = vector.broadcast %add3A_789 : i32 to vector<16xi32>
      %add3A_791 = arith.addi %add3A_790, %iota3A : vector<16xi32>
      %gather3A_792 = tpu.vector_load_idx %arg9[%add3A_791, %broadcast_in_dim3A_779] : memref<256x128xf32, #tpu.memory_space<vmem>>[vector<16xi32>, vector<16xi32>], vector<16xf32>,
      %add3A_793 = arith.constant 160 : i32
      %add3A_794 = vector.broadcast %add3A_793 : i32 to vector<16xi32>
      %add3A_795 = arith.addi %add3A_794, %iota3A : vector<16xi32>
      %gather3A_796 = tpu.vector_load_idx %arg10[%add3A_795, %broadcast_in_dim3A_784] : memref<256x128xf32, #tpu.memory_space<vmem>>[vector<16xi32>, vector<16xi32>], vector<16xf32>,
      %add3A_797 = arith.constant 176 : i32
      %add3A_798 = vector.broadcast %add3A_797 : i32 to vector<16xi32>
      %add3A_799 = arith.addi %add3A_798, %iota3A : vector<16xi32>
      %gather3A_800 = tpu.vector_load_idx %arg10[%add3A_799, %broadcast_in_dim3A_784] : memref<256x128xf32, #tpu.memory_space<vmem>>[vector<16xi32>, vector<16xi32>], vector<16xf32>,
      %mul3A_801 = arith.mulf %gather3A_788, %gather3A_796 : vector<16xf32>
      %mul3A_802 = arith.mulf %gather3A_792, %gather3A_800 : vector<16xf32>
      %add3A_803 = arith.addf %mul3A_801, %mul3A_802 : vector<16xf32>
      %swap3A_804 = arith.constant 5 : i32
      %swap3A_805 = arith.index_cast %swap3A_804 : i32 to index
      %swap3A_806 = arith.constant 0 : index
      %swap3A_807 = tpu.vector_load %arg11[%swap3A_805, %swap3A_806] {strides = array<i32>} : memref<16x16xf32, #tpu.memory_space<vmem>>, vector<16xf32>,
      tpu.vector_store %arg11[%swap3A_805, %swap3A_806], %add3A_803 {strides = array<i32>} : memref<16x16xf32, #tpu.memory_space<vmem>>, vector<16xf32>,
      %slice3A_808 = vector.extract_strided_slice %get3A_284 {offsets = [13], sizes = [1], strides = [1]} : vector<16xi32> to vector<1xi32>
      %squeeze3A_809 = vector.extract %slice3A_808[0] : i32 from vector<1xi32>
      %slice3A_810 = vector.extract_strided_slice %get3A_289 {offsets = [13], sizes = [1], strides = [1]} : vector<16xi32> to vector<1xi32>
      %squeeze3A_811 = vector.extract %slice3A_810[0] : i32 from vector<1xi32>
      %shift_right_arithmetic3A_812 = arith.constant 7 : i32
      %shift_right_arithmetic3A_813 = arith.shrsi %squeeze3A_809, %shift_right_arithmetic3A_812 : i32
      %shift_left3A_814 = arith.constant 7 : i32
      %shift_left3A_815 = arith.shli %shift_right_arithmetic3A_813, %shift_left3A_814 : i32
      %multiple_of3A_816 = tpu.assume_multiple %shift_left3A_815, 128 : i32
      %shift_right_arithmetic3A_817 = arith.constant 7 : i32
      %shift_right_arithmetic3A_818 = arith.shrsi %squeeze3A_811, %shift_right_arithmetic3A_817 : i32
      %shift_left3A_819 = arith.constant 7 : i32
      %shift_left3A_820 = arith.shli %shift_right_arithmetic3A_818, %shift_left3A_819 : i32
      %multiple_of3A_821 = tpu.assume_multiple %shift_left3A_820, 128 : i32
      %dma_start3A_822 = arith.constant 160 : i32
      %dma_start3A_823 = arith.constant 0 : i32
      %dma_start3A_824 = tpu.memref_slice %arg9[%dma_start3A_822, %dma_start3A_823] : memref<256x128xf32, #tpu.memory_space<vmem>> -> memref<32x128xf32, #tpu.memory_space<vmem>>
      %dma_start3A_825 = arith.constant 0 : i32
      %dma_start3A_826 = tpu.memref_slice %arg2[%dma_start3A_825, %multiple_of3A_816] : memref<32x1000000xf32, #tpu.memory_space<hbm>> -> memref<32x128xf32, #tpu.memory_space<hbm>>
      %dma_start3A_827 = arith.constant 160 : i32
      %dma_start3A_828 = arith.constant 0 : i32
      %dma_start3A_829 = tpu.memref_slice %arg9[%dma_start3A_827, %dma_start3A_828] : memref<256x128xf32, #tpu.memory_space<vmem>> -> memref<32x128xf32, #tpu.memory_space<vmem>>
      %dma_start3A_830 = arith.constant 0 : i32
      %dma_start3A_831 = tpu.memref_slice %arg2[%dma_start3A_830, %multiple_of3A_816] : memref<32x1000000xf32, #tpu.memory_space<hbm>> -> memref<32x128xf32, #tpu.memory_space<hbm>>
      tpu.enqueue_dma source(%dma_start3A_831 : memref<32x128xf32, #tpu.memory_space<hbm>>) target(%dma_start3A_829 : memref<32x128xf32, #tpu.memory_space<vmem>>) target_semaphore(%arg18 : memref<!tpu.dma_semaphore, #tpu.memory_space<semaphore_mem>>)
      %dma_start3A_832 = arith.constant 160 : i32
      %dma_start3A_833 = arith.constant 0 : i32
      %dma_start3A_834 = tpu.memref_slice %arg10[%dma_start3A_832, %dma_start3A_833] : memref<256x128xf32, #tpu.memory_space<vmem>> -> memref<32x128xf32, #tpu.memory_space<vmem>>
      %dma_start3A_835 = arith.constant 0 : i32
      %dma_start3A_836 = tpu.memref_slice %arg3[%dma_start3A_835, %multiple_of3A_821] : memref<32x1000000xf32, #tpu.memory_space<hbm>> -> memref<32x128xf32, #tpu.memory_space<hbm>>
      %dma_start3A_837 = arith.constant 160 : i32
      %dma_start3A_838 = arith.constant 0 : i32
      %dma_start3A_839 = tpu.memref_slice %arg10[%dma_start3A_837, %dma_start3A_838] : memref<256x128xf32, #tpu.memory_space<vmem>> -> memref<32x128xf32, #tpu.memory_space<vmem>>
      %dma_start3A_840 = arith.constant 0 : i32
      %dma_start3A_841 = tpu.memref_slice %arg3[%dma_start3A_840, %multiple_of3A_821] : memref<32x1000000xf32, #tpu.memory_space<hbm>> -> memref<32x128xf32, #tpu.memory_space<hbm>>
      tpu.enqueue_dma source(%dma_start3A_841 : memref<32x128xf32, #tpu.memory_space<hbm>>) target(%dma_start3A_839 : memref<32x128xf32, #tpu.memory_space<vmem>>) target_semaphore(%arg26 : memref<!tpu.dma_semaphore, #tpu.memory_space<semaphore_mem>>)
      %dma_wait3A_842 = arith.constant 192 : i32
      %dma_wait3A_843 = arith.constant 0 : i32
      %dma_wait3A_844 = tpu.memref_slice %arg9[%dma_wait3A_842, %dma_wait3A_843] : memref<256x128xf32, #tpu.memory_space<vmem>> -> memref<32x128xf32, #tpu.memory_space<vmem>>
      %dma_wait3A_845 = arith.constant 0 : i32
      %dma_wait3A_846 = arith.constant 0 : i32
      %dma_wait3A_847 = tpu.memref_slice %arg2[%dma_wait3A_845, %dma_wait3A_846] : memref<32x1000000xf32, #tpu.memory_space<hbm>> -> memref<32x128xf32, #tpu.memory_space<hbm>>
      %dma_wait3A_848 = arith.constant 192 : i32
      %dma_wait3A_849 = arith.constant 0 : i32
      %dma_wait3A_850 = tpu.memref_slice %arg9[%dma_wait3A_848, %dma_wait3A_849] : memref<256x128xf32, #tpu.memory_space<vmem>> -> memref<32x128xf32, #tpu.memory_space<vmem>>
      %dma_wait3A_851 = arith.constant 0 : i32
      %dma_wait3A_852 = arith.constant 0 : i32
      %dma_wait3A_853 = tpu.memref_slice %arg2[%dma_wait3A_851, %dma_wait3A_852] : memref<32x1000000xf32, #tpu.memory_space<hbm>> -> memref<32x128xf32, #tpu.memory_space<hbm>>
      tpu.wait_dma2 semaphore(%arg19 : memref<!tpu.dma_semaphore, #tpu.memory_space<semaphore_mem>>) src(%dma_wait3A_853 : memref<32x128xf32, #tpu.memory_space<hbm>>) dst(%dma_wait3A_850 : memref<32x128xf32, #tpu.memory_space<vmem>>)
      %dma_wait3A_854 = arith.constant 192 : i32
      %dma_wait3A_855 = arith.constant 0 : i32
      %dma_wait3A_856 = tpu.memref_slice %arg10[%dma_wait3A_854, %dma_wait3A_855] : memref<256x128xf32, #tpu.memory_space<vmem>> -> memref<32x128xf32, #tpu.memory_space<vmem>>
      %dma_wait3A_857 = arith.constant 0 : i32
      %dma_wait3A_858 = arith.constant 0 : i32
      %dma_wait3A_859 = tpu.memref_slice %arg3[%dma_wait3A_857, %dma_wait3A_858] : memref<32x1000000xf32, #tpu.memory_space<hbm>> -> memref<32x128xf32, #tpu.memory_space<hbm>>
      %dma_wait3A_860 = arith.constant 192 : i32
      %dma_wait3A_861 = arith.constant 0 : i32
      %dma_wait3A_862 = tpu.memref_slice %arg10[%dma_wait3A_860, %dma_wait3A_861] : memref<256x128xf32, #tpu.memory_space<vmem>> -> memref<32x128xf32, #tpu.memory_space<vmem>>
      %dma_wait3A_863 = arith.constant 0 : i32
      %dma_wait3A_864 = arith.constant 0 : i32
      %dma_wait3A_865 = tpu.memref_slice %arg3[%dma_wait3A_863, %dma_wait3A_864] : memref<32x1000000xf32, #tpu.memory_space<hbm>> -> memref<32x128xf32, #tpu.memory_space<hbm>>
      tpu.wait_dma2 semaphore(%arg27 : memref<!tpu.dma_semaphore, #tpu.memory_space<semaphore_mem>>) src(%dma_wait3A_865 : memref<32x128xf32, #tpu.memory_space<hbm>>) dst(%dma_wait3A_862 : memref<32x128xf32, #tpu.memory_space<vmem>>)
      %slice3A_866 = vector.extract_strided_slice %get3A_284 {offsets = [6], sizes = [1], strides = [1]} : vector<16xi32> to vector<1xi32>
      %squeeze3A_867 = vector.extract %slice3A_866[0] : i32 from vector<1xi32>
      %and3A_868 = arith.constant 127 : i32
      %and3A_869 = arith.andi %squeeze3A_867, %and3A_868 : i32
      %broadcast_in_dim3A_870 = vector.broadcast %and3A_869 : i32 to vector<16xi32>
      %slice3A_871 = vector.extract_strided_slice %get3A_289 {offsets = [6], sizes = [1], strides = [1]} : vector<16xi32> to vector<1xi32>
      %squeeze3A_872 = vector.extract %slice3A_871[0] : i32 from vector<1xi32>
      %and3A_873 = arith.constant 127 : i32
      %and3A_874 = arith.andi %squeeze3A_872, %and3A_873 : i32
      %broadcast_in_dim3A_875 = vector.broadcast %and3A_874 : i32 to vector<16xi32>
      %add3A_876 = arith.constant 192 : i32
      %add3A_877 = vector.broadcast %add3A_876 : i32 to vector<16xi32>
      %add3A_878 = arith.addi %add3A_877, %iota3A : vector<16xi32>
      %gather3A_879 = tpu.vector_load_idx %arg9[%add3A_878, %broadcast_in_dim3A_870] : memref<256x128xf32, #tpu.memory_space<vmem>>[vector<16xi32>, vector<16xi32>], vector<16xf32>,
      %add3A_880 = arith.constant 208 : i32
      %add3A_881 = vector.broadcast %add3A_880 : i32 to vector<16xi32>
      %add3A_882 = arith.addi %add3A_881, %iota3A : vector<16xi32>
      %gather3A_883 = tpu.vector_load_idx %arg9[%add3A_882, %broadcast_in_dim3A_870] : memref<256x128xf32, #tpu.memory_space<vmem>>[vector<16xi32>, vector<16xi32>], vector<16xf32>,
      %add3A_884 = arith.constant 192 : i32
      %add3A_885 = vector.broadcast %add3A_884 : i32 to vector<16xi32>
      %add3A_886 = arith.addi %add3A_885, %iota3A : vector<16xi32>
      %gather3A_887 = tpu.vector_load_idx %arg10[%add3A_886, %broadcast_in_dim3A_875] : memref<256x128xf32, #tpu.memory_space<vmem>>[vector<16xi32>, vector<16xi32>], vector<16xf32>,
      %add3A_888 = arith.constant 208 : i32
      %add3A_889 = vector.broadcast %add3A_888 : i32 to vector<16xi32>
      %add3A_890 = arith.addi %add3A_889, %iota3A : vector<16xi32>
      %gather3A_891 = tpu.vector_load_idx %arg10[%add3A_890, %broadcast_in_dim3A_875] : memref<256x128xf32, #tpu.memory_space<vmem>>[vector<16xi32>, vector<16xi32>], vector<16xf32>,
      %mul3A_892 = arith.mulf %gather3A_879, %gather3A_887 : vector<16xf32>
      %mul3A_893 = arith.mulf %gather3A_883, %gather3A_891 : vector<16xf32>
      %add3A_894 = arith.addf %mul3A_892, %mul3A_893 : vector<16xf32>
      %swap3A_895 = arith.constant 6 : i32
      %swap3A_896 = arith.index_cast %swap3A_895 : i32 to index
      %swap3A_897 = arith.constant 0 : index
      %swap3A_898 = tpu.vector_load %arg11[%swap3A_896, %swap3A_897] {strides = array<i32>} : memref<16x16xf32, #tpu.memory_space<vmem>>, vector<16xf32>,
      tpu.vector_store %arg11[%swap3A_896, %swap3A_897], %add3A_894 {strides = array<i32>} : memref<16x16xf32, #tpu.memory_space<vmem>>, vector<16xf32>,
      %slice3A_899 = vector.extract_strided_slice %get3A_284 {offsets = [14], sizes = [1], strides = [1]} : vector<16xi32> to vector<1xi32>
      %squeeze3A_900 = vector.extract %slice3A_899[0] : i32 from vector<1xi32>
      %slice3A_901 = vector.extract_strided_slice %get3A_289 {offsets = [14], sizes = [1], strides = [1]} : vector<16xi32> to vector<1xi32>
      %squeeze3A_902 = vector.extract %slice3A_901[0] : i32 from vector<1xi32>
      %shift_right_arithmetic3A_903 = arith.constant 7 : i32
      %shift_right_arithmetic3A_904 = arith.shrsi %squeeze3A_900, %shift_right_arithmetic3A_903 : i32
      %shift_left3A_905 = arith.constant 7 : i32
      %shift_left3A_906 = arith.shli %shift_right_arithmetic3A_904, %shift_left3A_905 : i32
      %multiple_of3A_907 = tpu.assume_multiple %shift_left3A_906, 128 : i32
      %shift_right_arithmetic3A_908 = arith.constant 7 : i32
      %shift_right_arithmetic3A_909 = arith.shrsi %squeeze3A_902, %shift_right_arithmetic3A_908 : i32
      %shift_left3A_910 = arith.constant 7 : i32
      %shift_left3A_911 = arith.shli %shift_right_arithmetic3A_909, %shift_left3A_910 : i32
      %multiple_of3A_912 = tpu.assume_multiple %shift_left3A_911, 128 : i32
      %dma_start3A_913 = arith.constant 192 : i32
      %dma_start3A_914 = arith.constant 0 : i32
      %dma_start3A_915 = tpu.memref_slice %arg9[%dma_start3A_913, %dma_start3A_914] : memref<256x128xf32, #tpu.memory_space<vmem>> -> memref<32x128xf32, #tpu.memory_space<vmem>>
      %dma_start3A_916 = arith.constant 0 : i32
      %dma_start3A_917 = tpu.memref_slice %arg2[%dma_start3A_916, %multiple_of3A_907] : memref<32x1000000xf32, #tpu.memory_space<hbm>> -> memref<32x128xf32, #tpu.memory_space<hbm>>
      %dma_start3A_918 = arith.constant 192 : i32
      %dma_start3A_919 = arith.constant 0 : i32
      %dma_start3A_920 = tpu.memref_slice %arg9[%dma_start3A_918, %dma_start3A_919] : memref<256x128xf32, #tpu.memory_space<vmem>> -> memref<32x128xf32, #tpu.memory_space<vmem>>
      %dma_start3A_921 = arith.constant 0 : i32
      %dma_start3A_922 = tpu.memref_slice %arg2[%dma_start3A_921, %multiple_of3A_907] : memref<32x1000000xf32, #tpu.memory_space<hbm>> -> memref<32x128xf32, #tpu.memory_space<hbm>>
      tpu.enqueue_dma source(%dma_start3A_922 : memref<32x128xf32, #tpu.memory_space<hbm>>) target(%dma_start3A_920 : memref<32x128xf32, #tpu.memory_space<vmem>>) target_semaphore(%arg19 : memref<!tpu.dma_semaphore, #tpu.memory_space<semaphore_mem>>)
      %dma_start3A_923 = arith.constant 192 : i32
      %dma_start3A_924 = arith.constant 0 : i32
      %dma_start3A_925 = tpu.memref_slice %arg10[%dma_start3A_923, %dma_start3A_924] : memref<256x128xf32, #tpu.memory_space<vmem>> -> memref<32x128xf32, #tpu.memory_space<vmem>>
      %dma_start3A_926 = arith.constant 0 : i32
      %dma_start3A_927 = tpu.memref_slice %arg3[%dma_start3A_926, %multiple_of3A_912] : memref<32x1000000xf32, #tpu.memory_space<hbm>> -> memref<32x128xf32, #tpu.memory_space<hbm>>
      %dma_start3A_928 = arith.constant 192 : i32
      %dma_start3A_929 = arith.constant 0 : i32
      %dma_start3A_930 = tpu.memref_slice %arg10[%dma_start3A_928, %dma_start3A_929] : memref<256x128xf32, #tpu.memory_space<vmem>> -> memref<32x128xf32, #tpu.memory_space<vmem>>
      %dma_start3A_931 = arith.constant 0 : i32
      %dma_start3A_932 = tpu.memref_slice %arg3[%dma_start3A_931, %multiple_of3A_912] : memref<32x1000000xf32, #tpu.memory_space<hbm>> -> memref<32x128xf32, #tpu.memory_space<hbm>>
      tpu.enqueue_dma source(%dma_start3A_932 : memref<32x128xf32, #tpu.memory_space<hbm>>) target(%dma_start3A_930 : memref<32x128xf32, #tpu.memory_space<vmem>>) target_semaphore(%arg27 : memref<!tpu.dma_semaphore, #tpu.memory_space<semaphore_mem>>)
      %dma_wait3A_933 = arith.constant 224 : i32
      %dma_wait3A_934 = arith.constant 0 : i32
      %dma_wait3A_935 = tpu.memref_slice %arg9[%dma_wait3A_933, %dma_wait3A_934] : memref<256x128xf32, #tpu.memory_space<vmem>> -> memref<32x128xf32, #tpu.memory_space<vmem>>
      %dma_wait3A_936 = arith.constant 0 : i32
      %dma_wait3A_937 = arith.constant 0 : i32
      %dma_wait3A_938 = tpu.memref_slice %arg2[%dma_wait3A_936, %dma_wait3A_937] : memref<32x1000000xf32, #tpu.memory_space<hbm>> -> memref<32x128xf32, #tpu.memory_space<hbm>>
      %dma_wait3A_939 = arith.constant 224 : i32
      %dma_wait3A_940 = arith.constant 0 : i32
      %dma_wait3A_941 = tpu.memref_slice %arg9[%dma_wait3A_939, %dma_wait3A_940] : memref<256x128xf32, #tpu.memory_space<vmem>> -> memref<32x128xf32, #tpu.memory_space<vmem>>
      %dma_wait3A_942 = arith.constant 0 : i32
      %dma_wait3A_943 = arith.constant 0 : i32
      %dma_wait3A_944 = tpu.memref_slice %arg2[%dma_wait3A_942, %dma_wait3A_943] : memref<32x1000000xf32, #tpu.memory_space<hbm>> -> memref<32x128xf32, #tpu.memory_space<hbm>>
      tpu.wait_dma2 semaphore(%arg20 : memref<!tpu.dma_semaphore, #tpu.memory_space<semaphore_mem>>) src(%dma_wait3A_944 : memref<32x128xf32, #tpu.memory_space<hbm>>) dst(%dma_wait3A_941 : memref<32x128xf32, #tpu.memory_space<vmem>>)
      %dma_wait3A_945 = arith.constant 224 : i32
      %dma_wait3A_946 = arith.constant 0 : i32
      %dma_wait3A_947 = tpu.memref_slice %arg10[%dma_wait3A_945, %dma_wait3A_946] : memref<256x128xf32, #tpu.memory_space<vmem>> -> memref<32x128xf32, #tpu.memory_space<vmem>>
      %dma_wait3A_948 = arith.constant 0 : i32
      %dma_wait3A_949 = arith.constant 0 : i32
      %dma_wait3A_950 = tpu.memref_slice %arg3[%dma_wait3A_948, %dma_wait3A_949] : memref<32x1000000xf32, #tpu.memory_space<hbm>> -> memref<32x128xf32, #tpu.memory_space<hbm>>
      %dma_wait3A_951 = arith.constant 224 : i32
      %dma_wait3A_952 = arith.constant 0 : i32
      %dma_wait3A_953 = tpu.memref_slice %arg10[%dma_wait3A_951, %dma_wait3A_952] : memref<256x128xf32, #tpu.memory_space<vmem>> -> memref<32x128xf32, #tpu.memory_space<vmem>>
      %dma_wait3A_954 = arith.constant 0 : i32
      %dma_wait3A_955 = arith.constant 0 : i32
      %dma_wait3A_956 = tpu.memref_slice %arg3[%dma_wait3A_954, %dma_wait3A_955] : memref<32x1000000xf32, #tpu.memory_space<hbm>> -> memref<32x128xf32, #tpu.memory_space<hbm>>
      tpu.wait_dma2 semaphore(%arg28 : memref<!tpu.dma_semaphore, #tpu.memory_space<semaphore_mem>>) src(%dma_wait3A_956 : memref<32x128xf32, #tpu.memory_space<hbm>>) dst(%dma_wait3A_953 : memref<32x128xf32, #tpu.memory_space<vmem>>)
      %slice3A_957 = vector.extract_strided_slice %get3A_284 {offsets = [7], sizes = [1], strides = [1]} : vector<16xi32> to vector<1xi32>
      %squeeze3A_958 = vector.extract %slice3A_957[0] : i32 from vector<1xi32>
      %and3A_959 = arith.constant 127 : i32
      %and3A_960 = arith.andi %squeeze3A_958, %and3A_959 : i32
      %broadcast_in_dim3A_961 = vector.broadcast %and3A_960 : i32 to vector<16xi32>
      %slice3A_962 = vector.extract_strided_slice %get3A_289 {offsets = [7], sizes = [1], strides = [1]} : vector<16xi32> to vector<1xi32>
      %squeeze3A_963 = vector.extract %slice3A_962[0] : i32 from vector<1xi32>
      %and3A_964 = arith.constant 127 : i32
      %and3A_965 = arith.andi %squeeze3A_963, %and3A_964 : i32
      %broadcast_in_dim3A_966 = vector.broadcast %and3A_965 : i32 to vector<16xi32>
      %add3A_967 = arith.constant 224 : i32
      %add3A_968 = vector.broadcast %add3A_967 : i32 to vector<16xi32>
      %add3A_969 = arith.addi %add3A_968, %iota3A : vector<16xi32>
      %gather3A_970 = tpu.vector_load_idx %arg9[%add3A_969, %broadcast_in_dim3A_961] : memref<256x128xf32, #tpu.memory_space<vmem>>[vector<16xi32>, vector<16xi32>], vector<16xf32>,
      %add3A_971 = arith.constant 240 : i32
      %add3A_972 = vector.broadcast %add3A_971 : i32 to vector<16xi32>
      %add3A_973 = arith.addi %add3A_972, %iota3A : vector<16xi32>
      %gather3A_974 = tpu.vector_load_idx %arg9[%add3A_973, %broadcast_in_dim3A_961] : memref<256x128xf32, #tpu.memory_space<vmem>>[vector<16xi32>, vector<16xi32>], vector<16xf32>,
      %add3A_975 = arith.constant 224 : i32
      %add3A_976 = vector.broadcast %add3A_975 : i32 to vector<16xi32>
      %add3A_977 = arith.addi %add3A_976, %iota3A : vector<16xi32>
      %gather3A_978 = tpu.vector_load_idx %arg10[%add3A_977, %broadcast_in_dim3A_966] : memref<256x128xf32, #tpu.memory_space<vmem>>[vector<16xi32>, vector<16xi32>], vector<16xf32>,
      %add3A_979 = arith.constant 240 : i32
      %add3A_980 = vector.broadcast %add3A_979 : i32 to vector<16xi32>
      %add3A_981 = arith.addi %add3A_980, %iota3A : vector<16xi32>
      %gather3A_982 = tpu.vector_load_idx %arg10[%add3A_981, %broadcast_in_dim3A_966] : memref<256x128xf32, #tpu.memory_space<vmem>>[vector<16xi32>, vector<16xi32>], vector<16xf32>,
      %mul3A_983 = arith.mulf %gather3A_970, %gather3A_978 : vector<16xf32>
      %mul3A_984 = arith.mulf %gather3A_974, %gather3A_982 : vector<16xf32>
      %add3A_985 = arith.addf %mul3A_983, %mul3A_984 : vector<16xf32>
      %swap3A_986 = arith.constant 7 : i32
      %swap3A_987 = arith.index_cast %swap3A_986 : i32 to index
      %swap3A_988 = arith.constant 0 : index
      %swap3A_989 = tpu.vector_load %arg11[%swap3A_987, %swap3A_988] {strides = array<i32>} : memref<16x16xf32, #tpu.memory_space<vmem>>, vector<16xf32>,
      tpu.vector_store %arg11[%swap3A_987, %swap3A_988], %add3A_985 {strides = array<i32>} : memref<16x16xf32, #tpu.memory_space<vmem>>, vector<16xf32>,
      %slice3A_990 = vector.extract_strided_slice %get3A_284 {offsets = [15], sizes = [1], strides = [1]} : vector<16xi32> to vector<1xi32>
      %squeeze3A_991 = vector.extract %slice3A_990[0] : i32 from vector<1xi32>
      %slice3A_992 = vector.extract_strided_slice %get3A_289 {offsets = [15], sizes = [1], strides = [1]} : vector<16xi32> to vector<1xi32>
      %squeeze3A_993 = vector.extract %slice3A_992[0] : i32 from vector<1xi32>
      %shift_right_arithmetic3A_994 = arith.constant 7 : i32
      %shift_right_arithmetic3A_995 = arith.shrsi %squeeze3A_991, %shift_right_arithmetic3A_994 : i32
      %shift_left3A_996 = arith.constant 7 : i32
      %shift_left3A_997 = arith.shli %shift_right_arithmetic3A_995, %shift_left3A_996 : i32
      %multiple_of3A_998 = tpu.assume_multiple %shift_left3A_997, 128 : i32
      %shift_right_arithmetic3A_999 = arith.constant 7 : i32
      %shift_right_arithmetic3A_1000 = arith.shrsi %squeeze3A_993, %shift_right_arithmetic3A_999 : i32
      %shift_left3A_1001 = arith.constant 7 : i32
      %shift_left3A_1002 = arith.shli %shift_right_arithmetic3A_1000, %shift_left3A_1001 : i32
      %multiple_of3A_1003 = tpu.assume_multiple %shift_left3A_1002, 128 : i32
      %dma_start3A_1004 = arith.constant 224 : i32
      %dma_start3A_1005 = arith.constant 0 : i32
      %dma_start3A_1006 = tpu.memref_slice %arg9[%dma_start3A_1004, %dma_start3A_1005] : memref<256x128xf32, #tpu.memory_space<vmem>> -> memref<32x128xf32, #tpu.memory_space<vmem>>
      %dma_start3A_1007 = arith.constant 0 : i32
      %dma_start3A_1008 = tpu.memref_slice %arg2[%dma_start3A_1007, %multiple_of3A_998] : memref<32x1000000xf32, #tpu.memory_space<hbm>> -> memref<32x128xf32, #tpu.memory_space<hbm>>
      %dma_start3A_1009 = arith.constant 224 : i32
      %dma_start3A_1010 = arith.constant 0 : i32
      %dma_start3A_1011 = tpu.memref_slice %arg9[%dma_start3A_1009, %dma_start3A_1010] : memref<256x128xf32, #tpu.memory_space<vmem>> -> memref<32x128xf32, #tpu.memory_space<vmem>>
      %dma_start3A_1012 = arith.constant 0 : i32
      %dma_start3A_1013 = tpu.memref_slice %arg2[%dma_start3A_1012, %multiple_of3A_998] : memref<32x1000000xf32, #tpu.memory_space<hbm>> -> memref<32x128xf32, #tpu.memory_space<hbm>>
      tpu.enqueue_dma source(%dma_start3A_1013 : memref<32x128xf32, #tpu.memory_space<hbm>>) target(%dma_start3A_1011 : memref<32x128xf32, #tpu.memory_space<vmem>>) target_semaphore(%arg20 : memref<!tpu.dma_semaphore, #tpu.memory_space<semaphore_mem>>)
      %dma_start3A_1014 = arith.constant 224 : i32
      %dma_start3A_1015 = arith.constant 0 : i32
      %dma_start3A_1016 = tpu.memref_slice %arg10[%dma_start3A_1014, %dma_start3A_1015] : memref<256x128xf32, #tpu.memory_space<vmem>> -> memref<32x128xf32, #tpu.memory_space<vmem>>
      %dma_start3A_1017 = arith.constant 0 : i32
      %dma_start3A_1018 = tpu.memref_slice %arg3[%dma_start3A_1017, %multiple_of3A_1003] : memref<32x1000000xf32, #tpu.memory_space<hbm>> -> memref<32x128xf32, #tpu.memory_space<hbm>>
      %dma_start3A_1019 = arith.constant 224 : i32
      %dma_start3A_1020 = arith.constant 0 : i32
      %dma_start3A_1021 = tpu.memref_slice %arg10[%dma_start3A_1019, %dma_start3A_1020] : memref<256x128xf32, #tpu.memory_space<vmem>> -> memref<32x128xf32, #tpu.memory_space<vmem>>
      %dma_start3A_1022 = arith.constant 0 : i32
      %dma_start3A_1023 = tpu.memref_slice %arg3[%dma_start3A_1022, %multiple_of3A_1003] : memref<32x1000000xf32, #tpu.memory_space<hbm>> -> memref<32x128xf32, #tpu.memory_space<hbm>>
      tpu.enqueue_dma source(%dma_start3A_1023 : memref<32x128xf32, #tpu.memory_space<hbm>>) target(%dma_start3A_1021 : memref<32x128xf32, #tpu.memory_space<vmem>>) target_semaphore(%arg28 : memref<!tpu.dma_semaphore, #tpu.memory_space<semaphore_mem>>)
      %dma_wait3A_1024 = arith.constant 0 : i32
      %dma_wait3A_1025 = arith.constant 0 : i32
      %dma_wait3A_1026 = tpu.memref_slice %arg9[%dma_wait3A_1024, %dma_wait3A_1025] : memref<256x128xf32, #tpu.memory_space<vmem>> -> memref<32x128xf32, #tpu.memory_space<vmem>>
      %dma_wait3A_1027 = arith.constant 0 : i32
      %dma_wait3A_1028 = arith.constant 0 : i32
      %dma_wait3A_1029 = tpu.memref_slice %arg2[%dma_wait3A_1027, %dma_wait3A_1028] : memref<32x1000000xf32, #tpu.memory_space<hbm>> -> memref<32x128xf32, #tpu.memory_space<hbm>>
      %dma_wait3A_1030 = arith.constant 0 : i32
      %dma_wait3A_1031 = arith.constant 0 : i32
      %dma_wait3A_1032 = tpu.memref_slice %arg9[%dma_wait3A_1030, %dma_wait3A_1031] : memref<256x128xf32, #tpu.memory_space<vmem>> -> memref<32x128xf32, #tpu.memory_space<vmem>>
      %dma_wait3A_1033 = arith.constant 0 : i32
      %dma_wait3A_1034 = arith.constant 0 : i32
      %dma_wait3A_1035 = tpu.memref_slice %arg2[%dma_wait3A_1033, %dma_wait3A_1034] : memref<32x1000000xf32, #tpu.memory_space<hbm>> -> memref<32x128xf32, #tpu.memory_space<hbm>>
      tpu.wait_dma2 semaphore(%arg13 : memref<!tpu.dma_semaphore, #tpu.memory_space<semaphore_mem>>) src(%dma_wait3A_1035 : memref<32x128xf32, #tpu.memory_space<hbm>>) dst(%dma_wait3A_1032 : memref<32x128xf32, #tpu.memory_space<vmem>>)
      %dma_wait3A_1036 = arith.constant 0 : i32
      %dma_wait3A_1037 = arith.constant 0 : i32
      %dma_wait3A_1038 = tpu.memref_slice %arg10[%dma_wait3A_1036, %dma_wait3A_1037] : memref<256x128xf32, #tpu.memory_space<vmem>> -> memref<32x128xf32, #tpu.memory_space<vmem>>
      %dma_wait3A_1039 = arith.constant 0 : i32
      %dma_wait3A_1040 = arith.constant 0 : i32
      %dma_wait3A_1041 = tpu.memref_slice %arg3[%dma_wait3A_1039, %dma_wait3A_1040] : memref<32x1000000xf32, #tpu.memory_space<hbm>> -> memref<32x128xf32, #tpu.memory_space<hbm>>
      %dma_wait3A_1042 = arith.constant 0 : i32
      %dma_wait3A_1043 = arith.constant 0 : i32
      %dma_wait3A_1044 = tpu.memref_slice %arg10[%dma_wait3A_1042, %dma_wait3A_1043] : memref<256x128xf32, #tpu.memory_space<vmem>> -> memref<32x128xf32, #tpu.memory_space<vmem>>
      %dma_wait3A_1045 = arith.constant 0 : i32
      %dma_wait3A_1046 = arith.constant 0 : i32
      %dma_wait3A_1047 = tpu.memref_slice %arg3[%dma_wait3A_1045, %dma_wait3A_1046] : memref<32x1000000xf32, #tpu.memory_space<hbm>> -> memref<32x128xf32, #tpu.memory_space<hbm>>
      tpu.wait_dma2 semaphore(%arg21 : memref<!tpu.dma_semaphore, #tpu.memory_space<semaphore_mem>>) src(%dma_wait3A_1047 : memref<32x128xf32, #tpu.memory_space<hbm>>) dst(%dma_wait3A_1044 : memref<32x128xf32, #tpu.memory_space<vmem>>)
      %slice3A_1048 = vector.extract_strided_slice %get3A_284 {offsets = [8], sizes = [1], strides = [1]} : vector<16xi32> to vector<1xi32>
      %squeeze3A_1049 = vector.extract %slice3A_1048[0] : i32 from vector<1xi32>
      %and3A_1050 = arith.constant 127 : i32
      %and3A_1051 = arith.andi %squeeze3A_1049, %and3A_1050 : i32
      %broadcast_in_dim3A_1052 = vector.broadcast %and3A_1051 : i32 to vector<16xi32>
      %slice3A_1053 = vector.extract_strided_slice %get3A_289 {offsets = [8], sizes = [1], strides = [1]} : vector<16xi32> to vector<1xi32>
      %squeeze3A_1054 = vector.extract %slice3A_1053[0] : i32 from vector<1xi32>
      %and3A_1055 = arith.constant 127 : i32
      %and3A_1056 = arith.andi %squeeze3A_1054, %and3A_1055 : i32
      %broadcast_in_dim3A_1057 = vector.broadcast %and3A_1056 : i32 to vector<16xi32>
      %add3A_1058 = arith.constant 0 : i32
      %add3A_1059 = vector.broadcast %add3A_1058 : i32 to vector<16xi32>
      %add3A_1060 = arith.addi %add3A_1059, %iota3A : vector<16xi32>
      %gather3A_1061 = tpu.vector_load_idx %arg9[%add3A_1060, %broadcast_in_dim3A_1052] : memref<256x128xf32, #tpu.memory_space<vmem>>[vector<16xi32>, vector<16xi32>], vector<16xf32>,
      %add3A_1062 = arith.constant 16 : i32
      %add3A_1063 = vector.broadcast %add3A_1062 : i32 to vector<16xi32>
      %add3A_1064 = arith.addi %add3A_1063, %iota3A : vector<16xi32>
      %gather3A_1065 = tpu.vector_load_idx %arg9[%add3A_1064, %broadcast_in_dim3A_1052] : memref<256x128xf32, #tpu.memory_space<vmem>>[vector<16xi32>, vector<16xi32>], vector<16xf32>,
      %add3A_1066 = arith.constant 0 : i32
      %add3A_1067 = vector.broadcast %add3A_1066 : i32 to vector<16xi32>
      %add3A_1068 = arith.addi %add3A_1067, %iota3A : vector<16xi32>
      %gather3A_1069 = tpu.vector_load_idx %arg10[%add3A_1068, %broadcast_in_dim3A_1057] : memref<256x128xf32, #tpu.memory_space<vmem>>[vector<16xi32>, vector<16xi32>], vector<16xf32>,
      %add3A_1070 = arith.constant 16 : i32
      %add3A_1071 = vector.broadcast %add3A_1070 : i32 to vector<16xi32>
      %add3A_1072 = arith.addi %add3A_1071, %iota3A : vector<16xi32>
      %gather3A_1073 = tpu.vector_load_idx %arg10[%add3A_1072, %broadcast_in_dim3A_1057] : memref<256x128xf32, #tpu.memory_space<vmem>>[vector<16xi32>, vector<16xi32>], vector<16xf32>,
      %mul3A_1074 = arith.mulf %gather3A_1061, %gather3A_1069 : vector<16xf32>
      %mul3A_1075 = arith.mulf %gather3A_1065, %gather3A_1073 : vector<16xf32>
      %add3A_1076 = arith.addf %mul3A_1074, %mul3A_1075 : vector<16xf32>
      %swap3A_1077 = arith.constant 8 : i32
      %swap3A_1078 = arith.index_cast %swap3A_1077 : i32 to index
      %swap3A_1079 = arith.constant 0 : index
      %swap3A_1080 = tpu.vector_load %arg11[%swap3A_1078, %swap3A_1079] {strides = array<i32>} : memref<16x16xf32, #tpu.memory_space<vmem>>, vector<16xf32>,
      tpu.vector_store %arg11[%swap3A_1078, %swap3A_1079], %add3A_1076 {strides = array<i32>} : memref<16x16xf32, #tpu.memory_space<vmem>>, vector<16xf32>,
      %add3A_1081 = arith.constant 1 : i32
      %add3A_1082 = arith.addi %scan3A_278, %add3A_1081 : i32
      %lt3A = arith.constant 32 : i32
      %lt3A_1083 = arith.cmpi slt, %add3A_1082, %lt3A : i32
      %convert_element_type3A = arith.extui %lt3A_1083 : i1 to i32
      %cond3A = arith.constant 0 : i32
      %cond3A_1084 = arith.cmpi ne, %convert_element_type3A, %cond3A : i32
      scf.if %cond3A_1084 {
        %slice3A_1605 = vector.extract_strided_slice %get3A_298 {offsets = [0], sizes = [1], strides = [1]} : vector<16xi32> to vector<1xi32>
        %squeeze3A_1606 = vector.extract %slice3A_1605[0] : i32 from vector<1xi32>
        %slice3A_1607 = vector.extract_strided_slice %get3A_300 {offsets = [0], sizes = [1], strides = [1]} : vector<16xi32> to vector<1xi32>
        %squeeze3A_1608 = vector.extract %slice3A_1607[0] : i32 from vector<1xi32>
        %shift_right_arithmetic3A_1609 = arith.constant 7 : i32
        %shift_right_arithmetic3A_1610 = arith.shrsi %squeeze3A_1606, %shift_right_arithmetic3A_1609 : i32
        %shift_left3A_1611 = arith.constant 7 : i32
        %shift_left3A_1612 = arith.shli %shift_right_arithmetic3A_1610, %shift_left3A_1611 : i32
        %multiple_of3A_1613 = tpu.assume_multiple %shift_left3A_1612, 128 : i32
        %shift_right_arithmetic3A_1614 = arith.constant 7 : i32
        %shift_right_arithmetic3A_1615 = arith.shrsi %squeeze3A_1608, %shift_right_arithmetic3A_1614 : i32
        %shift_left3A_1616 = arith.constant 7 : i32
        %shift_left3A_1617 = arith.shli %shift_right_arithmetic3A_1615, %shift_left3A_1616 : i32
        %multiple_of3A_1618 = tpu.assume_multiple %shift_left3A_1617, 128 : i32
        %dma_start3A_1619 = arith.constant 0 : i32
        %dma_start3A_1620 = arith.constant 0 : i32
        %dma_start3A_1621 = tpu.memref_slice %arg9[%dma_start3A_1619, %dma_start3A_1620] : memref<256x128xf32, #tpu.memory_space<vmem>> -> memref<32x128xf32, #tpu.memory_space<vmem>>
        %dma_start3A_1622 = arith.constant 0 : i32
        %dma_start3A_1623 = tpu.memref_slice %arg2[%dma_start3A_1622, %multiple_of3A_1613] : memref<32x1000000xf32, #tpu.memory_space<hbm>> -> memref<32x128xf32, #tpu.memory_space<hbm>>
        %dma_start3A_1624 = arith.constant 0 : i32
        %dma_start3A_1625 = arith.constant 0 : i32
        %dma_start3A_1626 = tpu.memref_slice %arg9[%dma_start3A_1624, %dma_start3A_1625] : memref<256x128xf32, #tpu.memory_space<vmem>> -> memref<32x128xf32, #tpu.memory_space<vmem>>
        %dma_start3A_1627 = arith.constant 0 : i32
        %dma_start3A_1628 = tpu.memref_slice %arg2[%dma_start3A_1627, %multiple_of3A_1613] : memref<32x1000000xf32, #tpu.memory_space<hbm>> -> memref<32x128xf32, #tpu.memory_space<hbm>>
        tpu.enqueue_dma source(%dma_start3A_1628 : memref<32x128xf32, #tpu.memory_space<hbm>>) target(%dma_start3A_1626 : memref<32x128xf32, #tpu.memory_space<vmem>>) target_semaphore(%arg13 : memref<!tpu.dma_semaphore, #tpu.memory_space<semaphore_mem>>)
        %dma_start3A_1629 = arith.constant 0 : i32
        %dma_start3A_1630 = arith.constant 0 : i32
        %dma_start3A_1631 = tpu.memref_slice %arg10[%dma_start3A_1629, %dma_start3A_1630] : memref<256x128xf32, #tpu.memory_space<vmem>> -> memref<32x128xf32, #tpu.memory_space<vmem>>
        %dma_start3A_1632 = arith.constant 0 : i32
        %dma_start3A_1633 = tpu.memref_slice %arg3[%dma_start3A_1632, %multiple_of3A_1618] : memref<32x1000000xf32, #tpu.memory_space<hbm>> -> memref<32x128xf32, #tpu.memory_space<hbm>>
        %dma_start3A_1634 = arith.constant 0 : i32
        %dma_start3A_1635 = arith.constant 0 : i32
        %dma_start3A_1636 = tpu.memref_slice %arg10[%dma_start3A_1634, %dma_start3A_1635] : memref<256x128xf32, #tpu.memory_space<vmem>> -> memref<32x128xf32, #tpu.memory_space<vmem>>
        %dma_start3A_1637 = arith.constant 0 : i32
        %dma_start3A_1638 = tpu.memref_slice %arg3[%dma_start3A_1637, %multiple_of3A_1618] : memref<32x1000000xf32, #tpu.memory_space<hbm>> -> memref<32x128xf32, #tpu.memory_space<hbm>>
        tpu.enqueue_dma source(%dma_start3A_1638 : memref<32x128xf32, #tpu.memory_space<hbm>>) target(%dma_start3A_1636 : memref<32x128xf32, #tpu.memory_space<vmem>>) target_semaphore(%arg21 : memref<!tpu.dma_semaphore, #tpu.memory_space<semaphore_mem>>)
      } else {
      }
      %dma_wait3A_1085 = arith.constant 32 : i32
      %dma_wait3A_1086 = arith.constant 0 : i32
      %dma_wait3A_1087 = tpu.memref_slice %arg9[%dma_wait3A_1085, %dma_wait3A_1086] : memref<256x128xf32, #tpu.memory_space<vmem>> -> memref<32x128xf32, #tpu.memory_space<vmem>>
      %dma_wait3A_1088 = arith.constant 0 : i32
      %dma_wait3A_1089 = arith.constant 0 : i32
      %dma_wait3A_1090 = tpu.memref_slice %arg2[%dma_wait3A_1088, %dma_wait3A_1089] : memref<32x1000000xf32, #tpu.memory_space<hbm>> -> memref<32x128xf32, #tpu.memory_space<hbm>>
      %dma_wait3A_1091 = arith.constant 32 : i32
      %dma_wait3A_1092 = arith.constant 0 : i32
      %dma_wait3A_1093 = tpu.memref_slice %arg9[%dma_wait3A_1091, %dma_wait3A_1092] : memref<256x128xf32, #tpu.memory_space<vmem>> -> memref<32x128xf32, #tpu.memory_space<vmem>>
      %dma_wait3A_1094 = arith.constant 0 : i32
      %dma_wait3A_1095 = arith.constant 0 : i32
      %dma_wait3A_1096 = tpu.memref_slice %arg2[%dma_wait3A_1094, %dma_wait3A_1095] : memref<32x1000000xf32, #tpu.memory_space<hbm>> -> memref<32x128xf32, #tpu.memory_space<hbm>>
      tpu.wait_dma2 semaphore(%arg14 : memref<!tpu.dma_semaphore, #tpu.memory_space<semaphore_mem>>) src(%dma_wait3A_1096 : memref<32x128xf32, #tpu.memory_space<hbm>>) dst(%dma_wait3A_1093 : memref<32x128xf32, #tpu.memory_space<vmem>>)
      %dma_wait3A_1097 = arith.constant 32 : i32
      %dma_wait3A_1098 = arith.constant 0 : i32
      %dma_wait3A_1099 = tpu.memref_slice %arg10[%dma_wait3A_1097, %dma_wait3A_1098] : memref<256x128xf32, #tpu.memory_space<vmem>> -> memref<32x128xf32, #tpu.memory_space<vmem>>
      %dma_wait3A_1100 = arith.constant 0 : i32
      %dma_wait3A_1101 = arith.constant 0 : i32
      %dma_wait3A_1102 = tpu.memref_slice %arg3[%dma_wait3A_1100, %dma_wait3A_1101] : memref<32x1000000xf32, #tpu.memory_space<hbm>> -> memref<32x128xf32, #tpu.memory_space<hbm>>
      %dma_wait3A_1103 = arith.constant 32 : i32
      %dma_wait3A_1104 = arith.constant 0 : i32
      %dma_wait3A_1105 = tpu.memref_slice %arg10[%dma_wait3A_1103, %dma_wait3A_1104] : memref<256x128xf32, #tpu.memory_space<vmem>> -> memref<32x128xf32, #tpu.memory_space<vmem>>
      %dma_wait3A_1106 = arith.constant 0 : i32
      %dma_wait3A_1107 = arith.constant 0 : i32
      %dma_wait3A_1108 = tpu.memref_slice %arg3[%dma_wait3A_1106, %dma_wait3A_1107] : memref<32x1000000xf32, #tpu.memory_space<hbm>> -> memref<32x128xf32, #tpu.memory_space<hbm>>
      tpu.wait_dma2 semaphore(%arg22 : memref<!tpu.dma_semaphore, #tpu.memory_space<semaphore_mem>>) src(%dma_wait3A_1108 : memref<32x128xf32, #tpu.memory_space<hbm>>) dst(%dma_wait3A_1105 : memref<32x128xf32, #tpu.memory_space<vmem>>)
      %slice3A_1109 = vector.extract_strided_slice %get3A_284 {offsets = [9], sizes = [1], strides = [1]} : vector<16xi32> to vector<1xi32>
      %squeeze3A_1110 = vector.extract %slice3A_1109[0] : i32 from vector<1xi32>
      %and3A_1111 = arith.constant 127 : i32
      %and3A_1112 = arith.andi %squeeze3A_1110, %and3A_1111 : i32
      %broadcast_in_dim3A_1113 = vector.broadcast %and3A_1112 : i32 to vector<16xi32>
      %slice3A_1114 = vector.extract_strided_slice %get3A_289 {offsets = [9], sizes = [1], strides = [1]} : vector<16xi32> to vector<1xi32>
      %squeeze3A_1115 = vector.extract %slice3A_1114[0] : i32 from vector<1xi32>
      %and3A_1116 = arith.constant 127 : i32
      %and3A_1117 = arith.andi %squeeze3A_1115, %and3A_1116 : i32
      %broadcast_in_dim3A_1118 = vector.broadcast %and3A_1117 : i32 to vector<16xi32>
      %add3A_1119 = arith.constant 32 : i32
      %add3A_1120 = vector.broadcast %add3A_1119 : i32 to vector<16xi32>
      %add3A_1121 = arith.addi %add3A_1120, %iota3A : vector<16xi32>
      %gather3A_1122 = tpu.vector_load_idx %arg9[%add3A_1121, %broadcast_in_dim3A_1113] : memref<256x128xf32, #tpu.memory_space<vmem>>[vector<16xi32>, vector<16xi32>], vector<16xf32>,
      %add3A_1123 = arith.constant 48 : i32
      %add3A_1124 = vector.broadcast %add3A_1123 : i32 to vector<16xi32>
      %add3A_1125 = arith.addi %add3A_1124, %iota3A : vector<16xi32>
      %gather3A_1126 = tpu.vector_load_idx %arg9[%add3A_1125, %broadcast_in_dim3A_1113] : memref<256x128xf32, #tpu.memory_space<vmem>>[vector<16xi32>, vector<16xi32>], vector<16xf32>,
      %add3A_1127 = arith.constant 32 : i32
      %add3A_1128 = vector.broadcast %add3A_1127 : i32 to vector<16xi32>
      %add3A_1129 = arith.addi %add3A_1128, %iota3A : vector<16xi32>
      %gather3A_1130 = tpu.vector_load_idx %arg10[%add3A_1129, %broadcast_in_dim3A_1118] : memref<256x128xf32, #tpu.memory_space<vmem>>[vector<16xi32>, vector<16xi32>], vector<16xf32>,
      %add3A_1131 = arith.constant 48 : i32
      %add3A_1132 = vector.broadcast %add3A_1131 : i32 to vector<16xi32>
      %add3A_1133 = arith.addi %add3A_1132, %iota3A : vector<16xi32>
      %gather3A_1134 = tpu.vector_load_idx %arg10[%add3A_1133, %broadcast_in_dim3A_1118] : memref<256x128xf32, #tpu.memory_space<vmem>>[vector<16xi32>, vector<16xi32>], vector<16xf32>,
      %mul3A_1135 = arith.mulf %gather3A_1122, %gather3A_1130 : vector<16xf32>
      %mul3A_1136 = arith.mulf %gather3A_1126, %gather3A_1134 : vector<16xf32>
      %add3A_1137 = arith.addf %mul3A_1135, %mul3A_1136 : vector<16xf32>
      %swap3A_1138 = arith.constant 9 : i32
      %swap3A_1139 = arith.index_cast %swap3A_1138 : i32 to index
      %swap3A_1140 = arith.constant 0 : index
      %swap3A_1141 = tpu.vector_load %arg11[%swap3A_1139, %swap3A_1140] {strides = array<i32>} : memref<16x16xf32, #tpu.memory_space<vmem>>, vector<16xf32>,
      tpu.vector_store %arg11[%swap3A_1139, %swap3A_1140], %add3A_1137 {strides = array<i32>} : memref<16x16xf32, #tpu.memory_space<vmem>>, vector<16xf32>,
      %add3A_1142 = arith.constant 1 : i32
      %add3A_1143 = arith.addi %scan3A_278, %add3A_1142 : i32
      %lt3A_1144 = arith.constant 32 : i32
      %lt3A_1145 = arith.cmpi slt, %add3A_1143, %lt3A_1144 : i32
      %convert_element_type3A_1146 = arith.extui %lt3A_1145 : i1 to i32
      %cond3A_1147 = arith.constant 0 : i32
      %cond3A_1148 = arith.cmpi ne, %convert_element_type3A_1146, %cond3A_1147 : i32
      scf.if %cond3A_1148 {
        %slice3A_1605 = vector.extract_strided_slice %get3A_298 {offsets = [1], sizes = [1], strides = [1]} : vector<16xi32> to vector<1xi32>
        %squeeze3A_1606 = vector.extract %slice3A_1605[0] : i32 from vector<1xi32>
        %slice3A_1607 = vector.extract_strided_slice %get3A_300 {offsets = [1], sizes = [1], strides = [1]} : vector<16xi32> to vector<1xi32>
        %squeeze3A_1608 = vector.extract %slice3A_1607[0] : i32 from vector<1xi32>
        %shift_right_arithmetic3A_1609 = arith.constant 7 : i32
        %shift_right_arithmetic3A_1610 = arith.shrsi %squeeze3A_1606, %shift_right_arithmetic3A_1609 : i32
        %shift_left3A_1611 = arith.constant 7 : i32
        %shift_left3A_1612 = arith.shli %shift_right_arithmetic3A_1610, %shift_left3A_1611 : i32
        %multiple_of3A_1613 = tpu.assume_multiple %shift_left3A_1612, 128 : i32
        %shift_right_arithmetic3A_1614 = arith.constant 7 : i32
        %shift_right_arithmetic3A_1615 = arith.shrsi %squeeze3A_1608, %shift_right_arithmetic3A_1614 : i32
        %shift_left3A_1616 = arith.constant 7 : i32
        %shift_left3A_1617 = arith.shli %shift_right_arithmetic3A_1615, %shift_left3A_1616 : i32
        %multiple_of3A_1618 = tpu.assume_multiple %shift_left3A_1617, 128 : i32
        %dma_start3A_1619 = arith.constant 32 : i32
        %dma_start3A_1620 = arith.constant 0 : i32
        %dma_start3A_1621 = tpu.memref_slice %arg9[%dma_start3A_1619, %dma_start3A_1620] : memref<256x128xf32, #tpu.memory_space<vmem>> -> memref<32x128xf32, #tpu.memory_space<vmem>>
        %dma_start3A_1622 = arith.constant 0 : i32
        %dma_start3A_1623 = tpu.memref_slice %arg2[%dma_start3A_1622, %multiple_of3A_1613] : memref<32x1000000xf32, #tpu.memory_space<hbm>> -> memref<32x128xf32, #tpu.memory_space<hbm>>
        %dma_start3A_1624 = arith.constant 32 : i32
        %dma_start3A_1625 = arith.constant 0 : i32
        %dma_start3A_1626 = tpu.memref_slice %arg9[%dma_start3A_1624, %dma_start3A_1625] : memref<256x128xf32, #tpu.memory_space<vmem>> -> memref<32x128xf32, #tpu.memory_space<vmem>>
        %dma_start3A_1627 = arith.constant 0 : i32
        %dma_start3A_1628 = tpu.memref_slice %arg2[%dma_start3A_1627, %multiple_of3A_1613] : memref<32x1000000xf32, #tpu.memory_space<hbm>> -> memref<32x128xf32, #tpu.memory_space<hbm>>
        tpu.enqueue_dma source(%dma_start3A_1628 : memref<32x128xf32, #tpu.memory_space<hbm>>) target(%dma_start3A_1626 : memref<32x128xf32, #tpu.memory_space<vmem>>) target_semaphore(%arg14 : memref<!tpu.dma_semaphore, #tpu.memory_space<semaphore_mem>>)
        %dma_start3A_1629 = arith.constant 32 : i32
        %dma_start3A_1630 = arith.constant 0 : i32
        %dma_start3A_1631 = tpu.memref_slice %arg10[%dma_start3A_1629, %dma_start3A_1630] : memref<256x128xf32, #tpu.memory_space<vmem>> -> memref<32x128xf32, #tpu.memory_space<vmem>>
        %dma_start3A_1632 = arith.constant 0 : i32
        %dma_start3A_1633 = tpu.memref_slice %arg3[%dma_start3A_1632, %multiple_of3A_1618] : memref<32x1000000xf32, #tpu.memory_space<hbm>> -> memref<32x128xf32, #tpu.memory_space<hbm>>
        %dma_start3A_1634 = arith.constant 32 : i32
        %dma_start3A_1635 = arith.constant 0 : i32
        %dma_start3A_1636 = tpu.memref_slice %arg10[%dma_start3A_1634, %dma_start3A_1635] : memref<256x128xf32, #tpu.memory_space<vmem>> -> memref<32x128xf32, #tpu.memory_space<vmem>>
        %dma_start3A_1637 = arith.constant 0 : i32
        %dma_start3A_1638 = tpu.memref_slice %arg3[%dma_start3A_1637, %multiple_of3A_1618] : memref<32x1000000xf32, #tpu.memory_space<hbm>> -> memref<32x128xf32, #tpu.memory_space<hbm>>
        tpu.enqueue_dma source(%dma_start3A_1638 : memref<32x128xf32, #tpu.memory_space<hbm>>) target(%dma_start3A_1636 : memref<32x128xf32, #tpu.memory_space<vmem>>) target_semaphore(%arg22 : memref<!tpu.dma_semaphore, #tpu.memory_space<semaphore_mem>>)
      } else {
      }
      %dma_wait3A_1149 = arith.constant 64 : i32
      %dma_wait3A_1150 = arith.constant 0 : i32
      %dma_wait3A_1151 = tpu.memref_slice %arg9[%dma_wait3A_1149, %dma_wait3A_1150] : memref<256x128xf32, #tpu.memory_space<vmem>> -> memref<32x128xf32, #tpu.memory_space<vmem>>
      %dma_wait3A_1152 = arith.constant 0 : i32
      %dma_wait3A_1153 = arith.constant 0 : i32
      %dma_wait3A_1154 = tpu.memref_slice %arg2[%dma_wait3A_1152, %dma_wait3A_1153] : memref<32x1000000xf32, #tpu.memory_space<hbm>> -> memref<32x128xf32, #tpu.memory_space<hbm>>
      %dma_wait3A_1155 = arith.constant 64 : i32
      %dma_wait3A_1156 = arith.constant 0 : i32
      %dma_wait3A_1157 = tpu.memref_slice %arg9[%dma_wait3A_1155, %dma_wait3A_1156] : memref<256x128xf32, #tpu.memory_space<vmem>> -> memref<32x128xf32, #tpu.memory_space<vmem>>
      %dma_wait3A_1158 = arith.constant 0 : i32
      %dma_wait3A_1159 = arith.constant 0 : i32
      %dma_wait3A_1160 = tpu.memref_slice %arg2[%dma_wait3A_1158, %dma_wait3A_1159] : memref<32x1000000xf32, #tpu.memory_space<hbm>> -> memref<32x128xf32, #tpu.memory_space<hbm>>
      tpu.wait_dma2 semaphore(%arg15 : memref<!tpu.dma_semaphore, #tpu.memory_space<semaphore_mem>>) src(%dma_wait3A_1160 : memref<32x128xf32, #tpu.memory_space<hbm>>) dst(%dma_wait3A_1157 : memref<32x128xf32, #tpu.memory_space<vmem>>)
      %dma_wait3A_1161 = arith.constant 64 : i32
      %dma_wait3A_1162 = arith.constant 0 : i32
      %dma_wait3A_1163 = tpu.memref_slice %arg10[%dma_wait3A_1161, %dma_wait3A_1162] : memref<256x128xf32, #tpu.memory_space<vmem>> -> memref<32x128xf32, #tpu.memory_space<vmem>>
      %dma_wait3A_1164 = arith.constant 0 : i32
      %dma_wait3A_1165 = arith.constant 0 : i32
      %dma_wait3A_1166 = tpu.memref_slice %arg3[%dma_wait3A_1164, %dma_wait3A_1165] : memref<32x1000000xf32, #tpu.memory_space<hbm>> -> memref<32x128xf32, #tpu.memory_space<hbm>>
      %dma_wait3A_1167 = arith.constant 64 : i32
      %dma_wait3A_1168 = arith.constant 0 : i32
      %dma_wait3A_1169 = tpu.memref_slice %arg10[%dma_wait3A_1167, %dma_wait3A_1168] : memref<256x128xf32, #tpu.memory_space<vmem>> -> memref<32x128xf32, #tpu.memory_space<vmem>>
      %dma_wait3A_1170 = arith.constant 0 : i32
      %dma_wait3A_1171 = arith.constant 0 : i32
      %dma_wait3A_1172 = tpu.memref_slice %arg3[%dma_wait3A_1170, %dma_wait3A_1171] : memref<32x1000000xf32, #tpu.memory_space<hbm>> -> memref<32x128xf32, #tpu.memory_space<hbm>>
      tpu.wait_dma2 semaphore(%arg23 : memref<!tpu.dma_semaphore, #tpu.memory_space<semaphore_mem>>) src(%dma_wait3A_1172 : memref<32x128xf32, #tpu.memory_space<hbm>>) dst(%dma_wait3A_1169 : memref<32x128xf32, #tpu.memory_space<vmem>>)
      %slice3A_1173 = vector.extract_strided_slice %get3A_284 {offsets = [10], sizes = [1], strides = [1]} : vector<16xi32> to vector<1xi32>
      %squeeze3A_1174 = vector.extract %slice3A_1173[0] : i32 from vector<1xi32>
      %and3A_1175 = arith.constant 127 : i32
      %and3A_1176 = arith.andi %squeeze3A_1174, %and3A_1175 : i32
      %broadcast_in_dim3A_1177 = vector.broadcast %and3A_1176 : i32 to vector<16xi32>
      %slice3A_1178 = vector.extract_strided_slice %get3A_289 {offsets = [10], sizes = [1], strides = [1]} : vector<16xi32> to vector<1xi32>
      %squeeze3A_1179 = vector.extract %slice3A_1178[0] : i32 from vector<1xi32>
      %and3A_1180 = arith.constant 127 : i32
      %and3A_1181 = arith.andi %squeeze3A_1179, %and3A_1180 : i32
      %broadcast_in_dim3A_1182 = vector.broadcast %and3A_1181 : i32 to vector<16xi32>
      %add3A_1183 = arith.constant 64 : i32
      %add3A_1184 = vector.broadcast %add3A_1183 : i32 to vector<16xi32>
      %add3A_1185 = arith.addi %add3A_1184, %iota3A : vector<16xi32>
      %gather3A_1186 = tpu.vector_load_idx %arg9[%add3A_1185, %broadcast_in_dim3A_1177] : memref<256x128xf32, #tpu.memory_space<vmem>>[vector<16xi32>, vector<16xi32>], vector<16xf32>,
      %add3A_1187 = arith.constant 80 : i32
      %add3A_1188 = vector.broadcast %add3A_1187 : i32 to vector<16xi32>
      %add3A_1189 = arith.addi %add3A_1188, %iota3A : vector<16xi32>
      %gather3A_1190 = tpu.vector_load_idx %arg9[%add3A_1189, %broadcast_in_dim3A_1177] : memref<256x128xf32, #tpu.memory_space<vmem>>[vector<16xi32>, vector<16xi32>], vector<16xf32>,
      %add3A_1191 = arith.constant 64 : i32
      %add3A_1192 = vector.broadcast %add3A_1191 : i32 to vector<16xi32>
      %add3A_1193 = arith.addi %add3A_1192, %iota3A : vector<16xi32>
      %gather3A_1194 = tpu.vector_load_idx %arg10[%add3A_1193, %broadcast_in_dim3A_1182] : memref<256x128xf32, #tpu.memory_space<vmem>>[vector<16xi32>, vector<16xi32>], vector<16xf32>,
      %add3A_1195 = arith.constant 80 : i32
      %add3A_1196 = vector.broadcast %add3A_1195 : i32 to vector<16xi32>
      %add3A_1197 = arith.addi %add3A_1196, %iota3A : vector<16xi32>
      %gather3A_1198 = tpu.vector_load_idx %arg10[%add3A_1197, %broadcast_in_dim3A_1182] : memref<256x128xf32, #tpu.memory_space<vmem>>[vector<16xi32>, vector<16xi32>], vector<16xf32>,
      %mul3A_1199 = arith.mulf %gather3A_1186, %gather3A_1194 : vector<16xf32>
      %mul3A_1200 = arith.mulf %gather3A_1190, %gather3A_1198 : vector<16xf32>
      %add3A_1201 = arith.addf %mul3A_1199, %mul3A_1200 : vector<16xf32>
      %swap3A_1202 = arith.constant 10 : i32
      %swap3A_1203 = arith.index_cast %swap3A_1202 : i32 to index
      %swap3A_1204 = arith.constant 0 : index
      %swap3A_1205 = tpu.vector_load %arg11[%swap3A_1203, %swap3A_1204] {strides = array<i32>} : memref<16x16xf32, #tpu.memory_space<vmem>>, vector<16xf32>,
      tpu.vector_store %arg11[%swap3A_1203, %swap3A_1204], %add3A_1201 {strides = array<i32>} : memref<16x16xf32, #tpu.memory_space<vmem>>, vector<16xf32>,
      %add3A_1206 = arith.constant 1 : i32
      %add3A_1207 = arith.addi %scan3A_278, %add3A_1206 : i32
      %lt3A_1208 = arith.constant 32 : i32
      %lt3A_1209 = arith.cmpi slt, %add3A_1207, %lt3A_1208 : i32
      %convert_element_type3A_1210 = arith.extui %lt3A_1209 : i1 to i32
      %cond3A_1211 = arith.constant 0 : i32
      %cond3A_1212 = arith.cmpi ne, %convert_element_type3A_1210, %cond3A_1211 : i32
      scf.if %cond3A_1212 {
        %slice3A_1605 = vector.extract_strided_slice %get3A_298 {offsets = [2], sizes = [1], strides = [1]} : vector<16xi32> to vector<1xi32>
        %squeeze3A_1606 = vector.extract %slice3A_1605[0] : i32 from vector<1xi32>
        %slice3A_1607 = vector.extract_strided_slice %get3A_300 {offsets = [2], sizes = [1], strides = [1]} : vector<16xi32> to vector<1xi32>
        %squeeze3A_1608 = vector.extract %slice3A_1607[0] : i32 from vector<1xi32>
        %shift_right_arithmetic3A_1609 = arith.constant 7 : i32
        %shift_right_arithmetic3A_1610 = arith.shrsi %squeeze3A_1606, %shift_right_arithmetic3A_1609 : i32
        %shift_left3A_1611 = arith.constant 7 : i32
        %shift_left3A_1612 = arith.shli %shift_right_arithmetic3A_1610, %shift_left3A_1611 : i32
        %multiple_of3A_1613 = tpu.assume_multiple %shift_left3A_1612, 128 : i32
        %shift_right_arithmetic3A_1614 = arith.constant 7 : i32
        %shift_right_arithmetic3A_1615 = arith.shrsi %squeeze3A_1608, %shift_right_arithmetic3A_1614 : i32
        %shift_left3A_1616 = arith.constant 7 : i32
        %shift_left3A_1617 = arith.shli %shift_right_arithmetic3A_1615, %shift_left3A_1616 : i32
        %multiple_of3A_1618 = tpu.assume_multiple %shift_left3A_1617, 128 : i32
        %dma_start3A_1619 = arith.constant 64 : i32
        %dma_start3A_1620 = arith.constant 0 : i32
        %dma_start3A_1621 = tpu.memref_slice %arg9[%dma_start3A_1619, %dma_start3A_1620] : memref<256x128xf32, #tpu.memory_space<vmem>> -> memref<32x128xf32, #tpu.memory_space<vmem>>
        %dma_start3A_1622 = arith.constant 0 : i32
        %dma_start3A_1623 = tpu.memref_slice %arg2[%dma_start3A_1622, %multiple_of3A_1613] : memref<32x1000000xf32, #tpu.memory_space<hbm>> -> memref<32x128xf32, #tpu.memory_space<hbm>>
        %dma_start3A_1624 = arith.constant 64 : i32
        %dma_start3A_1625 = arith.constant 0 : i32
        %dma_start3A_1626 = tpu.memref_slice %arg9[%dma_start3A_1624, %dma_start3A_1625] : memref<256x128xf32, #tpu.memory_space<vmem>> -> memref<32x128xf32, #tpu.memory_space<vmem>>
        %dma_start3A_1627 = arith.constant 0 : i32
        %dma_start3A_1628 = tpu.memref_slice %arg2[%dma_start3A_1627, %multiple_of3A_1613] : memref<32x1000000xf32, #tpu.memory_space<hbm>> -> memref<32x128xf32, #tpu.memory_space<hbm>>
        tpu.enqueue_dma source(%dma_start3A_1628 : memref<32x128xf32, #tpu.memory_space<hbm>>) target(%dma_start3A_1626 : memref<32x128xf32, #tpu.memory_space<vmem>>) target_semaphore(%arg15 : memref<!tpu.dma_semaphore, #tpu.memory_space<semaphore_mem>>)
        %dma_start3A_1629 = arith.constant 64 : i32
        %dma_start3A_1630 = arith.constant 0 : i32
        %dma_start3A_1631 = tpu.memref_slice %arg10[%dma_start3A_1629, %dma_start3A_1630] : memref<256x128xf32, #tpu.memory_space<vmem>> -> memref<32x128xf32, #tpu.memory_space<vmem>>
        %dma_start3A_1632 = arith.constant 0 : i32
        %dma_start3A_1633 = tpu.memref_slice %arg3[%dma_start3A_1632, %multiple_of3A_1618] : memref<32x1000000xf32, #tpu.memory_space<hbm>> -> memref<32x128xf32, #tpu.memory_space<hbm>>
        %dma_start3A_1634 = arith.constant 64 : i32
        %dma_start3A_1635 = arith.constant 0 : i32
        %dma_start3A_1636 = tpu.memref_slice %arg10[%dma_start3A_1634, %dma_start3A_1635] : memref<256x128xf32, #tpu.memory_space<vmem>> -> memref<32x128xf32, #tpu.memory_space<vmem>>
        %dma_start3A_1637 = arith.constant 0 : i32
        %dma_start3A_1638 = tpu.memref_slice %arg3[%dma_start3A_1637, %multiple_of3A_1618] : memref<32x1000000xf32, #tpu.memory_space<hbm>> -> memref<32x128xf32, #tpu.memory_space<hbm>>
        tpu.enqueue_dma source(%dma_start3A_1638 : memref<32x128xf32, #tpu.memory_space<hbm>>) target(%dma_start3A_1636 : memref<32x128xf32, #tpu.memory_space<vmem>>) target_semaphore(%arg23 : memref<!tpu.dma_semaphore, #tpu.memory_space<semaphore_mem>>)
      } else {
      }
      %dma_wait3A_1213 = arith.constant 96 : i32
      %dma_wait3A_1214 = arith.constant 0 : i32
      %dma_wait3A_1215 = tpu.memref_slice %arg9[%dma_wait3A_1213, %dma_wait3A_1214] : memref<256x128xf32, #tpu.memory_space<vmem>> -> memref<32x128xf32, #tpu.memory_space<vmem>>
      %dma_wait3A_1216 = arith.constant 0 : i32
      %dma_wait3A_1217 = arith.constant 0 : i32
      %dma_wait3A_1218 = tpu.memref_slice %arg2[%dma_wait3A_1216, %dma_wait3A_1217] : memref<32x1000000xf32, #tpu.memory_space<hbm>> -> memref<32x128xf32, #tpu.memory_space<hbm>>
      %dma_wait3A_1219 = arith.constant 96 : i32
      %dma_wait3A_1220 = arith.constant 0 : i32
      %dma_wait3A_1221 = tpu.memref_slice %arg9[%dma_wait3A_1219, %dma_wait3A_1220] : memref<256x128xf32, #tpu.memory_space<vmem>> -> memref<32x128xf32, #tpu.memory_space<vmem>>
      %dma_wait3A_1222 = arith.constant 0 : i32
      %dma_wait3A_1223 = arith.constant 0 : i32
      %dma_wait3A_1224 = tpu.memref_slice %arg2[%dma_wait3A_1222, %dma_wait3A_1223] : memref<32x1000000xf32, #tpu.memory_space<hbm>> -> memref<32x128xf32, #tpu.memory_space<hbm>>
      tpu.wait_dma2 semaphore(%arg16 : memref<!tpu.dma_semaphore, #tpu.memory_space<semaphore_mem>>) src(%dma_wait3A_1224 : memref<32x128xf32, #tpu.memory_space<hbm>>) dst(%dma_wait3A_1221 : memref<32x128xf32, #tpu.memory_space<vmem>>)
      %dma_wait3A_1225 = arith.constant 96 : i32
      %dma_wait3A_1226 = arith.constant 0 : i32
      %dma_wait3A_1227 = tpu.memref_slice %arg10[%dma_wait3A_1225, %dma_wait3A_1226] : memref<256x128xf32, #tpu.memory_space<vmem>> -> memref<32x128xf32, #tpu.memory_space<vmem>>
      %dma_wait3A_1228 = arith.constant 0 : i32
      %dma_wait3A_1229 = arith.constant 0 : i32
      %dma_wait3A_1230 = tpu.memref_slice %arg3[%dma_wait3A_1228, %dma_wait3A_1229] : memref<32x1000000xf32, #tpu.memory_space<hbm>> -> memref<32x128xf32, #tpu.memory_space<hbm>>
      %dma_wait3A_1231 = arith.constant 96 : i32
      %dma_wait3A_1232 = arith.constant 0 : i32
      %dma_wait3A_1233 = tpu.memref_slice %arg10[%dma_wait3A_1231, %dma_wait3A_1232] : memref<256x128xf32, #tpu.memory_space<vmem>> -> memref<32x128xf32, #tpu.memory_space<vmem>>
      %dma_wait3A_1234 = arith.constant 0 : i32
      %dma_wait3A_1235 = arith.constant 0 : i32
      %dma_wait3A_1236 = tpu.memref_slice %arg3[%dma_wait3A_1234, %dma_wait3A_1235] : memref<32x1000000xf32, #tpu.memory_space<hbm>> -> memref<32x128xf32, #tpu.memory_space<hbm>>
      tpu.wait_dma2 semaphore(%arg24 : memref<!tpu.dma_semaphore, #tpu.memory_space<semaphore_mem>>) src(%dma_wait3A_1236 : memref<32x128xf32, #tpu.memory_space<hbm>>) dst(%dma_wait3A_1233 : memref<32x128xf32, #tpu.memory_space<vmem>>)
      %slice3A_1237 = vector.extract_strided_slice %get3A_284 {offsets = [11], sizes = [1], strides = [1]} : vector<16xi32> to vector<1xi32>
      %squeeze3A_1238 = vector.extract %slice3A_1237[0] : i32 from vector<1xi32>
      %and3A_1239 = arith.constant 127 : i32
      %and3A_1240 = arith.andi %squeeze3A_1238, %and3A_1239 : i32
      %broadcast_in_dim3A_1241 = vector.broadcast %and3A_1240 : i32 to vector<16xi32>
      %slice3A_1242 = vector.extract_strided_slice %get3A_289 {offsets = [11], sizes = [1], strides = [1]} : vector<16xi32> to vector<1xi32>
      %squeeze3A_1243 = vector.extract %slice3A_1242[0] : i32 from vector<1xi32>
      %and3A_1244 = arith.constant 127 : i32
      %and3A_1245 = arith.andi %squeeze3A_1243, %and3A_1244 : i32
      %broadcast_in_dim3A_1246 = vector.broadcast %and3A_1245 : i32 to vector<16xi32>
      %add3A_1247 = arith.constant 96 : i32
      %add3A_1248 = vector.broadcast %add3A_1247 : i32 to vector<16xi32>
      %add3A_1249 = arith.addi %add3A_1248, %iota3A : vector<16xi32>
      %gather3A_1250 = tpu.vector_load_idx %arg9[%add3A_1249, %broadcast_in_dim3A_1241] : memref<256x128xf32, #tpu.memory_space<vmem>>[vector<16xi32>, vector<16xi32>], vector<16xf32>,
      %add3A_1251 = arith.constant 112 : i32
      %add3A_1252 = vector.broadcast %add3A_1251 : i32 to vector<16xi32>
      %add3A_1253 = arith.addi %add3A_1252, %iota3A : vector<16xi32>
      %gather3A_1254 = tpu.vector_load_idx %arg9[%add3A_1253, %broadcast_in_dim3A_1241] : memref<256x128xf32, #tpu.memory_space<vmem>>[vector<16xi32>, vector<16xi32>], vector<16xf32>,
      %add3A_1255 = arith.constant 96 : i32
      %add3A_1256 = vector.broadcast %add3A_1255 : i32 to vector<16xi32>
      %add3A_1257 = arith.addi %add3A_1256, %iota3A : vector<16xi32>
      %gather3A_1258 = tpu.vector_load_idx %arg10[%add3A_1257, %broadcast_in_dim3A_1246] : memref<256x128xf32, #tpu.memory_space<vmem>>[vector<16xi32>, vector<16xi32>], vector<16xf32>,
      %add3A_1259 = arith.constant 112 : i32
      %add3A_1260 = vector.broadcast %add3A_1259 : i32 to vector<16xi32>
      %add3A_1261 = arith.addi %add3A_1260, %iota3A : vector<16xi32>
      %gather3A_1262 = tpu.vector_load_idx %arg10[%add3A_1261, %broadcast_in_dim3A_1246] : memref<256x128xf32, #tpu.memory_space<vmem>>[vector<16xi32>, vector<16xi32>], vector<16xf32>,
      %mul3A_1263 = arith.mulf %gather3A_1250, %gather3A_1258 : vector<16xf32>
      %mul3A_1264 = arith.mulf %gather3A_1254, %gather3A_1262 : vector<16xf32>
      %add3A_1265 = arith.addf %mul3A_1263, %mul3A_1264 : vector<16xf32>
      %swap3A_1266 = arith.constant 11 : i32
      %swap3A_1267 = arith.index_cast %swap3A_1266 : i32 to index
      %swap3A_1268 = arith.constant 0 : index
      %swap3A_1269 = tpu.vector_load %arg11[%swap3A_1267, %swap3A_1268] {strides = array<i32>} : memref<16x16xf32, #tpu.memory_space<vmem>>, vector<16xf32>,
      tpu.vector_store %arg11[%swap3A_1267, %swap3A_1268], %add3A_1265 {strides = array<i32>} : memref<16x16xf32, #tpu.memory_space<vmem>>, vector<16xf32>,
      %add3A_1270 = arith.constant 1 : i32
      %add3A_1271 = arith.addi %scan3A_278, %add3A_1270 : i32
      %lt3A_1272 = arith.constant 32 : i32
      %lt3A_1273 = arith.cmpi slt, %add3A_1271, %lt3A_1272 : i32
      %convert_element_type3A_1274 = arith.extui %lt3A_1273 : i1 to i32
      %cond3A_1275 = arith.constant 0 : i32
      %cond3A_1276 = arith.cmpi ne, %convert_element_type3A_1274, %cond3A_1275 : i32
      scf.if %cond3A_1276 {
        %slice3A_1605 = vector.extract_strided_slice %get3A_298 {offsets = [3], sizes = [1], strides = [1]} : vector<16xi32> to vector<1xi32>
        %squeeze3A_1606 = vector.extract %slice3A_1605[0] : i32 from vector<1xi32>
        %slice3A_1607 = vector.extract_strided_slice %get3A_300 {offsets = [3], sizes = [1], strides = [1]} : vector<16xi32> to vector<1xi32>
        %squeeze3A_1608 = vector.extract %slice3A_1607[0] : i32 from vector<1xi32>
        %shift_right_arithmetic3A_1609 = arith.constant 7 : i32
        %shift_right_arithmetic3A_1610 = arith.shrsi %squeeze3A_1606, %shift_right_arithmetic3A_1609 : i32
        %shift_left3A_1611 = arith.constant 7 : i32
        %shift_left3A_1612 = arith.shli %shift_right_arithmetic3A_1610, %shift_left3A_1611 : i32
        %multiple_of3A_1613 = tpu.assume_multiple %shift_left3A_1612, 128 : i32
        %shift_right_arithmetic3A_1614 = arith.constant 7 : i32
        %shift_right_arithmetic3A_1615 = arith.shrsi %squeeze3A_1608, %shift_right_arithmetic3A_1614 : i32
        %shift_left3A_1616 = arith.constant 7 : i32
        %shift_left3A_1617 = arith.shli %shift_right_arithmetic3A_1615, %shift_left3A_1616 : i32
        %multiple_of3A_1618 = tpu.assume_multiple %shift_left3A_1617, 128 : i32
        %dma_start3A_1619 = arith.constant 96 : i32
        %dma_start3A_1620 = arith.constant 0 : i32
        %dma_start3A_1621 = tpu.memref_slice %arg9[%dma_start3A_1619, %dma_start3A_1620] : memref<256x128xf32, #tpu.memory_space<vmem>> -> memref<32x128xf32, #tpu.memory_space<vmem>>
        %dma_start3A_1622 = arith.constant 0 : i32
        %dma_start3A_1623 = tpu.memref_slice %arg2[%dma_start3A_1622, %multiple_of3A_1613] : memref<32x1000000xf32, #tpu.memory_space<hbm>> -> memref<32x128xf32, #tpu.memory_space<hbm>>
        %dma_start3A_1624 = arith.constant 96 : i32
        %dma_start3A_1625 = arith.constant 0 : i32
        %dma_start3A_1626 = tpu.memref_slice %arg9[%dma_start3A_1624, %dma_start3A_1625] : memref<256x128xf32, #tpu.memory_space<vmem>> -> memref<32x128xf32, #tpu.memory_space<vmem>>
        %dma_start3A_1627 = arith.constant 0 : i32
        %dma_start3A_1628 = tpu.memref_slice %arg2[%dma_start3A_1627, %multiple_of3A_1613] : memref<32x1000000xf32, #tpu.memory_space<hbm>> -> memref<32x128xf32, #tpu.memory_space<hbm>>
        tpu.enqueue_dma source(%dma_start3A_1628 : memref<32x128xf32, #tpu.memory_space<hbm>>) target(%dma_start3A_1626 : memref<32x128xf32, #tpu.memory_space<vmem>>) target_semaphore(%arg16 : memref<!tpu.dma_semaphore, #tpu.memory_space<semaphore_mem>>)
        %dma_start3A_1629 = arith.constant 96 : i32
        %dma_start3A_1630 = arith.constant 0 : i32
        %dma_start3A_1631 = tpu.memref_slice %arg10[%dma_start3A_1629, %dma_start3A_1630] : memref<256x128xf32, #tpu.memory_space<vmem>> -> memref<32x128xf32, #tpu.memory_space<vmem>>
        %dma_start3A_1632 = arith.constant 0 : i32
        %dma_start3A_1633 = tpu.memref_slice %arg3[%dma_start3A_1632, %multiple_of3A_1618] : memref<32x1000000xf32, #tpu.memory_space<hbm>> -> memref<32x128xf32, #tpu.memory_space<hbm>>
        %dma_start3A_1634 = arith.constant 96 : i32
        %dma_start3A_1635 = arith.constant 0 : i32
        %dma_start3A_1636 = tpu.memref_slice %arg10[%dma_start3A_1634, %dma_start3A_1635] : memref<256x128xf32, #tpu.memory_space<vmem>> -> memref<32x128xf32, #tpu.memory_space<vmem>>
        %dma_start3A_1637 = arith.constant 0 : i32
        %dma_start3A_1638 = tpu.memref_slice %arg3[%dma_start3A_1637, %multiple_of3A_1618] : memref<32x1000000xf32, #tpu.memory_space<hbm>> -> memref<32x128xf32, #tpu.memory_space<hbm>>
        tpu.enqueue_dma source(%dma_start3A_1638 : memref<32x128xf32, #tpu.memory_space<hbm>>) target(%dma_start3A_1636 : memref<32x128xf32, #tpu.memory_space<vmem>>) target_semaphore(%arg24 : memref<!tpu.dma_semaphore, #tpu.memory_space<semaphore_mem>>)
      } else {
      }
      %dma_wait3A_1277 = arith.constant 128 : i32
      %dma_wait3A_1278 = arith.constant 0 : i32
      %dma_wait3A_1279 = tpu.memref_slice %arg9[%dma_wait3A_1277, %dma_wait3A_1278] : memref<256x128xf32, #tpu.memory_space<vmem>> -> memref<32x128xf32, #tpu.memory_space<vmem>>
      %dma_wait3A_1280 = arith.constant 0 : i32
      %dma_wait3A_1281 = arith.constant 0 : i32
      %dma_wait3A_1282 = tpu.memref_slice %arg2[%dma_wait3A_1280, %dma_wait3A_1281] : memref<32x1000000xf32, #tpu.memory_space<hbm>> -> memref<32x128xf32, #tpu.memory_space<hbm>>
      %dma_wait3A_1283 = arith.constant 128 : i32
      %dma_wait3A_1284 = arith.constant 0 : i32
      %dma_wait3A_1285 = tpu.memref_slice %arg9[%dma_wait3A_1283, %dma_wait3A_1284] : memref<256x128xf32, #tpu.memory_space<vmem>> -> memref<32x128xf32, #tpu.memory_space<vmem>>
      %dma_wait3A_1286 = arith.constant 0 : i32
      %dma_wait3A_1287 = arith.constant 0 : i32
      %dma_wait3A_1288 = tpu.memref_slice %arg2[%dma_wait3A_1286, %dma_wait3A_1287] : memref<32x1000000xf32, #tpu.memory_space<hbm>> -> memref<32x128xf32, #tpu.memory_space<hbm>>
      tpu.wait_dma2 semaphore(%arg17 : memref<!tpu.dma_semaphore, #tpu.memory_space<semaphore_mem>>) src(%dma_wait3A_1288 : memref<32x128xf32, #tpu.memory_space<hbm>>) dst(%dma_wait3A_1285 : memref<32x128xf32, #tpu.memory_space<vmem>>)
      %dma_wait3A_1289 = arith.constant 128 : i32
      %dma_wait3A_1290 = arith.constant 0 : i32
      %dma_wait3A_1291 = tpu.memref_slice %arg10[%dma_wait3A_1289, %dma_wait3A_1290] : memref<256x128xf32, #tpu.memory_space<vmem>> -> memref<32x128xf32, #tpu.memory_space<vmem>>
      %dma_wait3A_1292 = arith.constant 0 : i32
      %dma_wait3A_1293 = arith.constant 0 : i32
      %dma_wait3A_1294 = tpu.memref_slice %arg3[%dma_wait3A_1292, %dma_wait3A_1293] : memref<32x1000000xf32, #tpu.memory_space<hbm>> -> memref<32x128xf32, #tpu.memory_space<hbm>>
      %dma_wait3A_1295 = arith.constant 128 : i32
      %dma_wait3A_1296 = arith.constant 0 : i32
      %dma_wait3A_1297 = tpu.memref_slice %arg10[%dma_wait3A_1295, %dma_wait3A_1296] : memref<256x128xf32, #tpu.memory_space<vmem>> -> memref<32x128xf32, #tpu.memory_space<vmem>>
      %dma_wait3A_1298 = arith.constant 0 : i32
      %dma_wait3A_1299 = arith.constant 0 : i32
      %dma_wait3A_1300 = tpu.memref_slice %arg3[%dma_wait3A_1298, %dma_wait3A_1299] : memref<32x1000000xf32, #tpu.memory_space<hbm>> -> memref<32x128xf32, #tpu.memory_space<hbm>>
      tpu.wait_dma2 semaphore(%arg25 : memref<!tpu.dma_semaphore, #tpu.memory_space<semaphore_mem>>) src(%dma_wait3A_1300 : memref<32x128xf32, #tpu.memory_space<hbm>>) dst(%dma_wait3A_1297 : memref<32x128xf32, #tpu.memory_space<vmem>>)
      %slice3A_1301 = vector.extract_strided_slice %get3A_284 {offsets = [12], sizes = [1], strides = [1]} : vector<16xi32> to vector<1xi32>
      %squeeze3A_1302 = vector.extract %slice3A_1301[0] : i32 from vector<1xi32>
      %and3A_1303 = arith.constant 127 : i32
      %and3A_1304 = arith.andi %squeeze3A_1302, %and3A_1303 : i32
      %broadcast_in_dim3A_1305 = vector.broadcast %and3A_1304 : i32 to vector<16xi32>
      %slice3A_1306 = vector.extract_strided_slice %get3A_289 {offsets = [12], sizes = [1], strides = [1]} : vector<16xi32> to vector<1xi32>
      %squeeze3A_1307 = vector.extract %slice3A_1306[0] : i32 from vector<1xi32>
      %and3A_1308 = arith.constant 127 : i32
      %and3A_1309 = arith.andi %squeeze3A_1307, %and3A_1308 : i32
      %broadcast_in_dim3A_1310 = vector.broadcast %and3A_1309 : i32 to vector<16xi32>
      %add3A_1311 = arith.constant 128 : i32
      %add3A_1312 = vector.broadcast %add3A_1311 : i32 to vector<16xi32>
      %add3A_1313 = arith.addi %add3A_1312, %iota3A : vector<16xi32>
      %gather3A_1314 = tpu.vector_load_idx %arg9[%add3A_1313, %broadcast_in_dim3A_1305] : memref<256x128xf32, #tpu.memory_space<vmem>>[vector<16xi32>, vector<16xi32>], vector<16xf32>,
      %add3A_1315 = arith.constant 144 : i32
      %add3A_1316 = vector.broadcast %add3A_1315 : i32 to vector<16xi32>
      %add3A_1317 = arith.addi %add3A_1316, %iota3A : vector<16xi32>
      %gather3A_1318 = tpu.vector_load_idx %arg9[%add3A_1317, %broadcast_in_dim3A_1305] : memref<256x128xf32, #tpu.memory_space<vmem>>[vector<16xi32>, vector<16xi32>], vector<16xf32>,
      %add3A_1319 = arith.constant 128 : i32
      %add3A_1320 = vector.broadcast %add3A_1319 : i32 to vector<16xi32>
      %add3A_1321 = arith.addi %add3A_1320, %iota3A : vector<16xi32>
      %gather3A_1322 = tpu.vector_load_idx %arg10[%add3A_1321, %broadcast_in_dim3A_1310] : memref<256x128xf32, #tpu.memory_space<vmem>>[vector<16xi32>, vector<16xi32>], vector<16xf32>,
      %add3A_1323 = arith.constant 144 : i32
      %add3A_1324 = vector.broadcast %add3A_1323 : i32 to vector<16xi32>
      %add3A_1325 = arith.addi %add3A_1324, %iota3A : vector<16xi32>
      %gather3A_1326 = tpu.vector_load_idx %arg10[%add3A_1325, %broadcast_in_dim3A_1310] : memref<256x128xf32, #tpu.memory_space<vmem>>[vector<16xi32>, vector<16xi32>], vector<16xf32>,
      %mul3A_1327 = arith.mulf %gather3A_1314, %gather3A_1322 : vector<16xf32>
      %mul3A_1328 = arith.mulf %gather3A_1318, %gather3A_1326 : vector<16xf32>
      %add3A_1329 = arith.addf %mul3A_1327, %mul3A_1328 : vector<16xf32>
      %swap3A_1330 = arith.constant 12 : i32
      %swap3A_1331 = arith.index_cast %swap3A_1330 : i32 to index
      %swap3A_1332 = arith.constant 0 : index
      %swap3A_1333 = tpu.vector_load %arg11[%swap3A_1331, %swap3A_1332] {strides = array<i32>} : memref<16x16xf32, #tpu.memory_space<vmem>>, vector<16xf32>,
      tpu.vector_store %arg11[%swap3A_1331, %swap3A_1332], %add3A_1329 {strides = array<i32>} : memref<16x16xf32, #tpu.memory_space<vmem>>, vector<16xf32>,
      %add3A_1334 = arith.constant 1 : i32
      %add3A_1335 = arith.addi %scan3A_278, %add3A_1334 : i32
      %lt3A_1336 = arith.constant 32 : i32
      %lt3A_1337 = arith.cmpi slt, %add3A_1335, %lt3A_1336 : i32
      %convert_element_type3A_1338 = arith.extui %lt3A_1337 : i1 to i32
      %cond3A_1339 = arith.constant 0 : i32
      %cond3A_1340 = arith.cmpi ne, %convert_element_type3A_1338, %cond3A_1339 : i32
      scf.if %cond3A_1340 {
        %slice3A_1605 = vector.extract_strided_slice %get3A_298 {offsets = [4], sizes = [1], strides = [1]} : vector<16xi32> to vector<1xi32>
        %squeeze3A_1606 = vector.extract %slice3A_1605[0] : i32 from vector<1xi32>
        %slice3A_1607 = vector.extract_strided_slice %get3A_300 {offsets = [4], sizes = [1], strides = [1]} : vector<16xi32> to vector<1xi32>
        %squeeze3A_1608 = vector.extract %slice3A_1607[0] : i32 from vector<1xi32>
        %shift_right_arithmetic3A_1609 = arith.constant 7 : i32
        %shift_right_arithmetic3A_1610 = arith.shrsi %squeeze3A_1606, %shift_right_arithmetic3A_1609 : i32
        %shift_left3A_1611 = arith.constant 7 : i32
        %shift_left3A_1612 = arith.shli %shift_right_arithmetic3A_1610, %shift_left3A_1611 : i32
        %multiple_of3A_1613 = tpu.assume_multiple %shift_left3A_1612, 128 : i32
        %shift_right_arithmetic3A_1614 = arith.constant 7 : i32
        %shift_right_arithmetic3A_1615 = arith.shrsi %squeeze3A_1608, %shift_right_arithmetic3A_1614 : i32
        %shift_left3A_1616 = arith.constant 7 : i32
        %shift_left3A_1617 = arith.shli %shift_right_arithmetic3A_1615, %shift_left3A_1616 : i32
        %multiple_of3A_1618 = tpu.assume_multiple %shift_left3A_1617, 128 : i32
        %dma_start3A_1619 = arith.constant 128 : i32
        %dma_start3A_1620 = arith.constant 0 : i32
        %dma_start3A_1621 = tpu.memref_slice %arg9[%dma_start3A_1619, %dma_start3A_1620] : memref<256x128xf32, #tpu.memory_space<vmem>> -> memref<32x128xf32, #tpu.memory_space<vmem>>
        %dma_start3A_1622 = arith.constant 0 : i32
        %dma_start3A_1623 = tpu.memref_slice %arg2[%dma_start3A_1622, %multiple_of3A_1613] : memref<32x1000000xf32, #tpu.memory_space<hbm>> -> memref<32x128xf32, #tpu.memory_space<hbm>>
        %dma_start3A_1624 = arith.constant 128 : i32
        %dma_start3A_1625 = arith.constant 0 : i32
        %dma_start3A_1626 = tpu.memref_slice %arg9[%dma_start3A_1624, %dma_start3A_1625] : memref<256x128xf32, #tpu.memory_space<vmem>> -> memref<32x128xf32, #tpu.memory_space<vmem>>
        %dma_start3A_1627 = arith.constant 0 : i32
        %dma_start3A_1628 = tpu.memref_slice %arg2[%dma_start3A_1627, %multiple_of3A_1613] : memref<32x1000000xf32, #tpu.memory_space<hbm>> -> memref<32x128xf32, #tpu.memory_space<hbm>>
        tpu.enqueue_dma source(%dma_start3A_1628 : memref<32x128xf32, #tpu.memory_space<hbm>>) target(%dma_start3A_1626 : memref<32x128xf32, #tpu.memory_space<vmem>>) target_semaphore(%arg17 : memref<!tpu.dma_semaphore, #tpu.memory_space<semaphore_mem>>)
        %dma_start3A_1629 = arith.constant 128 : i32
        %dma_start3A_1630 = arith.constant 0 : i32
        %dma_start3A_1631 = tpu.memref_slice %arg10[%dma_start3A_1629, %dma_start3A_1630] : memref<256x128xf32, #tpu.memory_space<vmem>> -> memref<32x128xf32, #tpu.memory_space<vmem>>
        %dma_start3A_1632 = arith.constant 0 : i32
        %dma_start3A_1633 = tpu.memref_slice %arg3[%dma_start3A_1632, %multiple_of3A_1618] : memref<32x1000000xf32, #tpu.memory_space<hbm>> -> memref<32x128xf32, #tpu.memory_space<hbm>>
        %dma_start3A_1634 = arith.constant 128 : i32
        %dma_start3A_1635 = arith.constant 0 : i32
        %dma_start3A_1636 = tpu.memref_slice %arg10[%dma_start3A_1634, %dma_start3A_1635] : memref<256x128xf32, #tpu.memory_space<vmem>> -> memref<32x128xf32, #tpu.memory_space<vmem>>
        %dma_start3A_1637 = arith.constant 0 : i32
        %dma_start3A_1638 = tpu.memref_slice %arg3[%dma_start3A_1637, %multiple_of3A_1618] : memref<32x1000000xf32, #tpu.memory_space<hbm>> -> memref<32x128xf32, #tpu.memory_space<hbm>>
        tpu.enqueue_dma source(%dma_start3A_1638 : memref<32x128xf32, #tpu.memory_space<hbm>>) target(%dma_start3A_1636 : memref<32x128xf32, #tpu.memory_space<vmem>>) target_semaphore(%arg25 : memref<!tpu.dma_semaphore, #tpu.memory_space<semaphore_mem>>)
      } else {
      }
      %dma_wait3A_1341 = arith.constant 160 : i32
      %dma_wait3A_1342 = arith.constant 0 : i32
      %dma_wait3A_1343 = tpu.memref_slice %arg9[%dma_wait3A_1341, %dma_wait3A_1342] : memref<256x128xf32, #tpu.memory_space<vmem>> -> memref<32x128xf32, #tpu.memory_space<vmem>>
      %dma_wait3A_1344 = arith.constant 0 : i32
      %dma_wait3A_1345 = arith.constant 0 : i32
      %dma_wait3A_1346 = tpu.memref_slice %arg2[%dma_wait3A_1344, %dma_wait3A_1345] : memref<32x1000000xf32, #tpu.memory_space<hbm>> -> memref<32x128xf32, #tpu.memory_space<hbm>>
      %dma_wait3A_1347 = arith.constant 160 : i32
      %dma_wait3A_1348 = arith.constant 0 : i32
      %dma_wait3A_1349 = tpu.memref_slice %arg9[%dma_wait3A_1347, %dma_wait3A_1348] : memref<256x128xf32, #tpu.memory_space<vmem>> -> memref<32x128xf32, #tpu.memory_space<vmem>>
      %dma_wait3A_1350 = arith.constant 0 : i32
      %dma_wait3A_1351 = arith.constant 0 : i32
      %dma_wait3A_1352 = tpu.memref_slice %arg2[%dma_wait3A_1350, %dma_wait3A_1351] : memref<32x1000000xf32, #tpu.memory_space<hbm>> -> memref<32x128xf32, #tpu.memory_space<hbm>>
      tpu.wait_dma2 semaphore(%arg18 : memref<!tpu.dma_semaphore, #tpu.memory_space<semaphore_mem>>) src(%dma_wait3A_1352 : memref<32x128xf32, #tpu.memory_space<hbm>>) dst(%dma_wait3A_1349 : memref<32x128xf32, #tpu.memory_space<vmem>>)
      %dma_wait3A_1353 = arith.constant 160 : i32
      %dma_wait3A_1354 = arith.constant 0 : i32
      %dma_wait3A_1355 = tpu.memref_slice %arg10[%dma_wait3A_1353, %dma_wait3A_1354] : memref<256x128xf32, #tpu.memory_space<vmem>> -> memref<32x128xf32, #tpu.memory_space<vmem>>
      %dma_wait3A_1356 = arith.constant 0 : i32
      %dma_wait3A_1357 = arith.constant 0 : i32
      %dma_wait3A_1358 = tpu.memref_slice %arg3[%dma_wait3A_1356, %dma_wait3A_1357] : memref<32x1000000xf32, #tpu.memory_space<hbm>> -> memref<32x128xf32, #tpu.memory_space<hbm>>
      %dma_wait3A_1359 = arith.constant 160 : i32
      %dma_wait3A_1360 = arith.constant 0 : i32
      %dma_wait3A_1361 = tpu.memref_slice %arg10[%dma_wait3A_1359, %dma_wait3A_1360] : memref<256x128xf32, #tpu.memory_space<vmem>> -> memref<32x128xf32, #tpu.memory_space<vmem>>
      %dma_wait3A_1362 = arith.constant 0 : i32
      %dma_wait3A_1363 = arith.constant 0 : i32
      %dma_wait3A_1364 = tpu.memref_slice %arg3[%dma_wait3A_1362, %dma_wait3A_1363] : memref<32x1000000xf32, #tpu.memory_space<hbm>> -> memref<32x128xf32, #tpu.memory_space<hbm>>
      tpu.wait_dma2 semaphore(%arg26 : memref<!tpu.dma_semaphore, #tpu.memory_space<semaphore_mem>>) src(%dma_wait3A_1364 : memref<32x128xf32, #tpu.memory_space<hbm>>) dst(%dma_wait3A_1361 : memref<32x128xf32, #tpu.memory_space<vmem>>)
      %slice3A_1365 = vector.extract_strided_slice %get3A_284 {offsets = [13], sizes = [1], strides = [1]} : vector<16xi32> to vector<1xi32>
      %squeeze3A_1366 = vector.extract %slice3A_1365[0] : i32 from vector<1xi32>
      %and3A_1367 = arith.constant 127 : i32
      %and3A_1368 = arith.andi %squeeze3A_1366, %and3A_1367 : i32
      %broadcast_in_dim3A_1369 = vector.broadcast %and3A_1368 : i32 to vector<16xi32>
      %slice3A_1370 = vector.extract_strided_slice %get3A_289 {offsets = [13], sizes = [1], strides = [1]} : vector<16xi32> to vector<1xi32>
      %squeeze3A_1371 = vector.extract %slice3A_1370[0] : i32 from vector<1xi32>
      %and3A_1372 = arith.constant 127 : i32
      %and3A_1373 = arith.andi %squeeze3A_1371, %and3A_1372 : i32
      %broadcast_in_dim3A_1374 = vector.broadcast %and3A_1373 : i32 to vector<16xi32>
      %add3A_1375 = arith.constant 160 : i32
      %add3A_1376 = vector.broadcast %add3A_1375 : i32 to vector<16xi32>
      %add3A_1377 = arith.addi %add3A_1376, %iota3A : vector<16xi32>
      %gather3A_1378 = tpu.vector_load_idx %arg9[%add3A_1377, %broadcast_in_dim3A_1369] : memref<256x128xf32, #tpu.memory_space<vmem>>[vector<16xi32>, vector<16xi32>], vector<16xf32>,
      %add3A_1379 = arith.constant 176 : i32
      %add3A_1380 = vector.broadcast %add3A_1379 : i32 to vector<16xi32>
      %add3A_1381 = arith.addi %add3A_1380, %iota3A : vector<16xi32>
      %gather3A_1382 = tpu.vector_load_idx %arg9[%add3A_1381, %broadcast_in_dim3A_1369] : memref<256x128xf32, #tpu.memory_space<vmem>>[vector<16xi32>, vector<16xi32>], vector<16xf32>,
      %add3A_1383 = arith.constant 160 : i32
      %add3A_1384 = vector.broadcast %add3A_1383 : i32 to vector<16xi32>
      %add3A_1385 = arith.addi %add3A_1384, %iota3A : vector<16xi32>
      %gather3A_1386 = tpu.vector_load_idx %arg10[%add3A_1385, %broadcast_in_dim3A_1374] : memref<256x128xf32, #tpu.memory_space<vmem>>[vector<16xi32>, vector<16xi32>], vector<16xf32>,
      %add3A_1387 = arith.constant 176 : i32
      %add3A_1388 = vector.broadcast %add3A_1387 : i32 to vector<16xi32>
      %add3A_1389 = arith.addi %add3A_1388, %iota3A : vector<16xi32>
      %gather3A_1390 = tpu.vector_load_idx %arg10[%add3A_1389, %broadcast_in_dim3A_1374] : memref<256x128xf32, #tpu.memory_space<vmem>>[vector<16xi32>, vector<16xi32>], vector<16xf32>,
      %mul3A_1391 = arith.mulf %gather3A_1378, %gather3A_1386 : vector<16xf32>
      %mul3A_1392 = arith.mulf %gather3A_1382, %gather3A_1390 : vector<16xf32>
      %add3A_1393 = arith.addf %mul3A_1391, %mul3A_1392 : vector<16xf32>
      %swap3A_1394 = arith.constant 13 : i32
      %swap3A_1395 = arith.index_cast %swap3A_1394 : i32 to index
      %swap3A_1396 = arith.constant 0 : index
      %swap3A_1397 = tpu.vector_load %arg11[%swap3A_1395, %swap3A_1396] {strides = array<i32>} : memref<16x16xf32, #tpu.memory_space<vmem>>, vector<16xf32>,
      tpu.vector_store %arg11[%swap3A_1395, %swap3A_1396], %add3A_1393 {strides = array<i32>} : memref<16x16xf32, #tpu.memory_space<vmem>>, vector<16xf32>,
      %add3A_1398 = arith.constant 1 : i32
      %add3A_1399 = arith.addi %scan3A_278, %add3A_1398 : i32
      %lt3A_1400 = arith.constant 32 : i32
      %lt3A_1401 = arith.cmpi slt, %add3A_1399, %lt3A_1400 : i32
      %convert_element_type3A_1402 = arith.extui %lt3A_1401 : i1 to i32
      %cond3A_1403 = arith.constant 0 : i32
      %cond3A_1404 = arith.cmpi ne, %convert_element_type3A_1402, %cond3A_1403 : i32
      scf.if %cond3A_1404 {
        %slice3A_1605 = vector.extract_strided_slice %get3A_298 {offsets = [5], sizes = [1], strides = [1]} : vector<16xi32> to vector<1xi32>
        %squeeze3A_1606 = vector.extract %slice3A_1605[0] : i32 from vector<1xi32>
        %slice3A_1607 = vector.extract_strided_slice %get3A_300 {offsets = [5], sizes = [1], strides = [1]} : vector<16xi32> to vector<1xi32>
        %squeeze3A_1608 = vector.extract %slice3A_1607[0] : i32 from vector<1xi32>
        %shift_right_arithmetic3A_1609 = arith.constant 7 : i32
        %shift_right_arithmetic3A_1610 = arith.shrsi %squeeze3A_1606, %shift_right_arithmetic3A_1609 : i32
        %shift_left3A_1611 = arith.constant 7 : i32
        %shift_left3A_1612 = arith.shli %shift_right_arithmetic3A_1610, %shift_left3A_1611 : i32
        %multiple_of3A_1613 = tpu.assume_multiple %shift_left3A_1612, 128 : i32
        %shift_right_arithmetic3A_1614 = arith.constant 7 : i32
        %shift_right_arithmetic3A_1615 = arith.shrsi %squeeze3A_1608, %shift_right_arithmetic3A_1614 : i32
        %shift_left3A_1616 = arith.constant 7 : i32
        %shift_left3A_1617 = arith.shli %shift_right_arithmetic3A_1615, %shift_left3A_1616 : i32
        %multiple_of3A_1618 = tpu.assume_multiple %shift_left3A_1617, 128 : i32
        %dma_start3A_1619 = arith.constant 160 : i32
        %dma_start3A_1620 = arith.constant 0 : i32
        %dma_start3A_1621 = tpu.memref_slice %arg9[%dma_start3A_1619, %dma_start3A_1620] : memref<256x128xf32, #tpu.memory_space<vmem>> -> memref<32x128xf32, #tpu.memory_space<vmem>>
        %dma_start3A_1622 = arith.constant 0 : i32
        %dma_start3A_1623 = tpu.memref_slice %arg2[%dma_start3A_1622, %multiple_of3A_1613] : memref<32x1000000xf32, #tpu.memory_space<hbm>> -> memref<32x128xf32, #tpu.memory_space<hbm>>
        %dma_start3A_1624 = arith.constant 160 : i32
        %dma_start3A_1625 = arith.constant 0 : i32
        %dma_start3A_1626 = tpu.memref_slice %arg9[%dma_start3A_1624, %dma_start3A_1625] : memref<256x128xf32, #tpu.memory_space<vmem>> -> memref<32x128xf32, #tpu.memory_space<vmem>>
        %dma_start3A_1627 = arith.constant 0 : i32
        %dma_start3A_1628 = tpu.memref_slice %arg2[%dma_start3A_1627, %multiple_of3A_1613] : memref<32x1000000xf32, #tpu.memory_space<hbm>> -> memref<32x128xf32, #tpu.memory_space<hbm>>
        tpu.enqueue_dma source(%dma_start3A_1628 : memref<32x128xf32, #tpu.memory_space<hbm>>) target(%dma_start3A_1626 : memref<32x128xf32, #tpu.memory_space<vmem>>) target_semaphore(%arg18 : memref<!tpu.dma_semaphore, #tpu.memory_space<semaphore_mem>>)
        %dma_start3A_1629 = arith.constant 160 : i32
        %dma_start3A_1630 = arith.constant 0 : i32
        %dma_start3A_1631 = tpu.memref_slice %arg10[%dma_start3A_1629, %dma_start3A_1630] : memref<256x128xf32, #tpu.memory_space<vmem>> -> memref<32x128xf32, #tpu.memory_space<vmem>>
        %dma_start3A_1632 = arith.constant 0 : i32
        %dma_start3A_1633 = tpu.memref_slice %arg3[%dma_start3A_1632, %multiple_of3A_1618] : memref<32x1000000xf32, #tpu.memory_space<hbm>> -> memref<32x128xf32, #tpu.memory_space<hbm>>
        %dma_start3A_1634 = arith.constant 160 : i32
        %dma_start3A_1635 = arith.constant 0 : i32
        %dma_start3A_1636 = tpu.memref_slice %arg10[%dma_start3A_1634, %dma_start3A_1635] : memref<256x128xf32, #tpu.memory_space<vmem>> -> memref<32x128xf32, #tpu.memory_space<vmem>>
        %dma_start3A_1637 = arith.constant 0 : i32
        %dma_start3A_1638 = tpu.memref_slice %arg3[%dma_start3A_1637, %multiple_of3A_1618] : memref<32x1000000xf32, #tpu.memory_space<hbm>> -> memref<32x128xf32, #tpu.memory_space<hbm>>
        tpu.enqueue_dma source(%dma_start3A_1638 : memref<32x128xf32, #tpu.memory_space<hbm>>) target(%dma_start3A_1636 : memref<32x128xf32, #tpu.memory_space<vmem>>) target_semaphore(%arg26 : memref<!tpu.dma_semaphore, #tpu.memory_space<semaphore_mem>>)
      } else {
      }
      %dma_wait3A_1405 = arith.constant 192 : i32
      %dma_wait3A_1406 = arith.constant 0 : i32
      %dma_wait3A_1407 = tpu.memref_slice %arg9[%dma_wait3A_1405, %dma_wait3A_1406] : memref<256x128xf32, #tpu.memory_space<vmem>> -> memref<32x128xf32, #tpu.memory_space<vmem>>
      %dma_wait3A_1408 = arith.constant 0 : i32
      %dma_wait3A_1409 = arith.constant 0 : i32
      %dma_wait3A_1410 = tpu.memref_slice %arg2[%dma_wait3A_1408, %dma_wait3A_1409] : memref<32x1000000xf32, #tpu.memory_space<hbm>> -> memref<32x128xf32, #tpu.memory_space<hbm>>
      %dma_wait3A_1411 = arith.constant 192 : i32
      %dma_wait3A_1412 = arith.constant 0 : i32
      %dma_wait3A_1413 = tpu.memref_slice %arg9[%dma_wait3A_1411, %dma_wait3A_1412] : memref<256x128xf32, #tpu.memory_space<vmem>> -> memref<32x128xf32, #tpu.memory_space<vmem>>
      %dma_wait3A_1414 = arith.constant 0 : i32
      %dma_wait3A_1415 = arith.constant 0 : i32
      %dma_wait3A_1416 = tpu.memref_slice %arg2[%dma_wait3A_1414, %dma_wait3A_1415] : memref<32x1000000xf32, #tpu.memory_space<hbm>> -> memref<32x128xf32, #tpu.memory_space<hbm>>
      tpu.wait_dma2 semaphore(%arg19 : memref<!tpu.dma_semaphore, #tpu.memory_space<semaphore_mem>>) src(%dma_wait3A_1416 : memref<32x128xf32, #tpu.memory_space<hbm>>) dst(%dma_wait3A_1413 : memref<32x128xf32, #tpu.memory_space<vmem>>)
      %dma_wait3A_1417 = arith.constant 192 : i32
      %dma_wait3A_1418 = arith.constant 0 : i32
      %dma_wait3A_1419 = tpu.memref_slice %arg10[%dma_wait3A_1417, %dma_wait3A_1418] : memref<256x128xf32, #tpu.memory_space<vmem>> -> memref<32x128xf32, #tpu.memory_space<vmem>>
      %dma_wait3A_1420 = arith.constant 0 : i32
      %dma_wait3A_1421 = arith.constant 0 : i32
      %dma_wait3A_1422 = tpu.memref_slice %arg3[%dma_wait3A_1420, %dma_wait3A_1421] : memref<32x1000000xf32, #tpu.memory_space<hbm>> -> memref<32x128xf32, #tpu.memory_space<hbm>>
      %dma_wait3A_1423 = arith.constant 192 : i32
      %dma_wait3A_1424 = arith.constant 0 : i32
      %dma_wait3A_1425 = tpu.memref_slice %arg10[%dma_wait3A_1423, %dma_wait3A_1424] : memref<256x128xf32, #tpu.memory_space<vmem>> -> memref<32x128xf32, #tpu.memory_space<vmem>>
      %dma_wait3A_1426 = arith.constant 0 : i32
      %dma_wait3A_1427 = arith.constant 0 : i32
      %dma_wait3A_1428 = tpu.memref_slice %arg3[%dma_wait3A_1426, %dma_wait3A_1427] : memref<32x1000000xf32, #tpu.memory_space<hbm>> -> memref<32x128xf32, #tpu.memory_space<hbm>>
      tpu.wait_dma2 semaphore(%arg27 : memref<!tpu.dma_semaphore, #tpu.memory_space<semaphore_mem>>) src(%dma_wait3A_1428 : memref<32x128xf32, #tpu.memory_space<hbm>>) dst(%dma_wait3A_1425 : memref<32x128xf32, #tpu.memory_space<vmem>>)
      %slice3A_1429 = vector.extract_strided_slice %get3A_284 {offsets = [14], sizes = [1], strides = [1]} : vector<16xi32> to vector<1xi32>
      %squeeze3A_1430 = vector.extract %slice3A_1429[0] : i32 from vector<1xi32>
      %and3A_1431 = arith.constant 127 : i32
      %and3A_1432 = arith.andi %squeeze3A_1430, %and3A_1431 : i32
      %broadcast_in_dim3A_1433 = vector.broadcast %and3A_1432 : i32 to vector<16xi32>
      %slice3A_1434 = vector.extract_strided_slice %get3A_289 {offsets = [14], sizes = [1], strides = [1]} : vector<16xi32> to vector<1xi32>
      %squeeze3A_1435 = vector.extract %slice3A_1434[0] : i32 from vector<1xi32>
      %and3A_1436 = arith.constant 127 : i32
      %and3A_1437 = arith.andi %squeeze3A_1435, %and3A_1436 : i32
      %broadcast_in_dim3A_1438 = vector.broadcast %and3A_1437 : i32 to vector<16xi32>
      %add3A_1439 = arith.constant 192 : i32
      %add3A_1440 = vector.broadcast %add3A_1439 : i32 to vector<16xi32>
      %add3A_1441 = arith.addi %add3A_1440, %iota3A : vector<16xi32>
      %gather3A_1442 = tpu.vector_load_idx %arg9[%add3A_1441, %broadcast_in_dim3A_1433] : memref<256x128xf32, #tpu.memory_space<vmem>>[vector<16xi32>, vector<16xi32>], vector<16xf32>,
      %add3A_1443 = arith.constant 208 : i32
      %add3A_1444 = vector.broadcast %add3A_1443 : i32 to vector<16xi32>
      %add3A_1445 = arith.addi %add3A_1444, %iota3A : vector<16xi32>
      %gather3A_1446 = tpu.vector_load_idx %arg9[%add3A_1445, %broadcast_in_dim3A_1433] : memref<256x128xf32, #tpu.memory_space<vmem>>[vector<16xi32>, vector<16xi32>], vector<16xf32>,
      %add3A_1447 = arith.constant 192 : i32
      %add3A_1448 = vector.broadcast %add3A_1447 : i32 to vector<16xi32>
      %add3A_1449 = arith.addi %add3A_1448, %iota3A : vector<16xi32>
      %gather3A_1450 = tpu.vector_load_idx %arg10[%add3A_1449, %broadcast_in_dim3A_1438] : memref<256x128xf32, #tpu.memory_space<vmem>>[vector<16xi32>, vector<16xi32>], vector<16xf32>,
      %add3A_1451 = arith.constant 208 : i32
      %add3A_1452 = vector.broadcast %add3A_1451 : i32 to vector<16xi32>
      %add3A_1453 = arith.addi %add3A_1452, %iota3A : vector<16xi32>
      %gather3A_1454 = tpu.vector_load_idx %arg10[%add3A_1453, %broadcast_in_dim3A_1438] : memref<256x128xf32, #tpu.memory_space<vmem>>[vector<16xi32>, vector<16xi32>], vector<16xf32>,
      %mul3A_1455 = arith.mulf %gather3A_1442, %gather3A_1450 : vector<16xf32>
      %mul3A_1456 = arith.mulf %gather3A_1446, %gather3A_1454 : vector<16xf32>
      %add3A_1457 = arith.addf %mul3A_1455, %mul3A_1456 : vector<16xf32>
      %swap3A_1458 = arith.constant 14 : i32
      %swap3A_1459 = arith.index_cast %swap3A_1458 : i32 to index
      %swap3A_1460 = arith.constant 0 : index
      %swap3A_1461 = tpu.vector_load %arg11[%swap3A_1459, %swap3A_1460] {strides = array<i32>} : memref<16x16xf32, #tpu.memory_space<vmem>>, vector<16xf32>,
      tpu.vector_store %arg11[%swap3A_1459, %swap3A_1460], %add3A_1457 {strides = array<i32>} : memref<16x16xf32, #tpu.memory_space<vmem>>, vector<16xf32>,
      %add3A_1462 = arith.constant 1 : i32
      %add3A_1463 = arith.addi %scan3A_278, %add3A_1462 : i32
      %lt3A_1464 = arith.constant 32 : i32
      %lt3A_1465 = arith.cmpi slt, %add3A_1463, %lt3A_1464 : i32
      %convert_element_type3A_1466 = arith.extui %lt3A_1465 : i1 to i32
      %cond3A_1467 = arith.constant 0 : i32
      %cond3A_1468 = arith.cmpi ne, %convert_element_type3A_1466, %cond3A_1467 : i32
      scf.if %cond3A_1468 {
        %slice3A_1605 = vector.extract_strided_slice %get3A_298 {offsets = [6], sizes = [1], strides = [1]} : vector<16xi32> to vector<1xi32>
        %squeeze3A_1606 = vector.extract %slice3A_1605[0] : i32 from vector<1xi32>
        %slice3A_1607 = vector.extract_strided_slice %get3A_300 {offsets = [6], sizes = [1], strides = [1]} : vector<16xi32> to vector<1xi32>
        %squeeze3A_1608 = vector.extract %slice3A_1607[0] : i32 from vector<1xi32>
        %shift_right_arithmetic3A_1609 = arith.constant 7 : i32
        %shift_right_arithmetic3A_1610 = arith.shrsi %squeeze3A_1606, %shift_right_arithmetic3A_1609 : i32
        %shift_left3A_1611 = arith.constant 7 : i32
        %shift_left3A_1612 = arith.shli %shift_right_arithmetic3A_1610, %shift_left3A_1611 : i32
        %multiple_of3A_1613 = tpu.assume_multiple %shift_left3A_1612, 128 : i32
        %shift_right_arithmetic3A_1614 = arith.constant 7 : i32
        %shift_right_arithmetic3A_1615 = arith.shrsi %squeeze3A_1608, %shift_right_arithmetic3A_1614 : i32
        %shift_left3A_1616 = arith.constant 7 : i32
        %shift_left3A_1617 = arith.shli %shift_right_arithmetic3A_1615, %shift_left3A_1616 : i32
        %multiple_of3A_1618 = tpu.assume_multiple %shift_left3A_1617, 128 : i32
        %dma_start3A_1619 = arith.constant 192 : i32
        %dma_start3A_1620 = arith.constant 0 : i32
        %dma_start3A_1621 = tpu.memref_slice %arg9[%dma_start3A_1619, %dma_start3A_1620] : memref<256x128xf32, #tpu.memory_space<vmem>> -> memref<32x128xf32, #tpu.memory_space<vmem>>
        %dma_start3A_1622 = arith.constant 0 : i32
        %dma_start3A_1623 = tpu.memref_slice %arg2[%dma_start3A_1622, %multiple_of3A_1613] : memref<32x1000000xf32, #tpu.memory_space<hbm>> -> memref<32x128xf32, #tpu.memory_space<hbm>>
        %dma_start3A_1624 = arith.constant 192 : i32
        %dma_start3A_1625 = arith.constant 0 : i32
        %dma_start3A_1626 = tpu.memref_slice %arg9[%dma_start3A_1624, %dma_start3A_1625] : memref<256x128xf32, #tpu.memory_space<vmem>> -> memref<32x128xf32, #tpu.memory_space<vmem>>
        %dma_start3A_1627 = arith.constant 0 : i32
        %dma_start3A_1628 = tpu.memref_slice %arg2[%dma_start3A_1627, %multiple_of3A_1613] : memref<32x1000000xf32, #tpu.memory_space<hbm>> -> memref<32x128xf32, #tpu.memory_space<hbm>>
        tpu.enqueue_dma source(%dma_start3A_1628 : memref<32x128xf32, #tpu.memory_space<hbm>>) target(%dma_start3A_1626 : memref<32x128xf32, #tpu.memory_space<vmem>>) target_semaphore(%arg19 : memref<!tpu.dma_semaphore, #tpu.memory_space<semaphore_mem>>)
        %dma_start3A_1629 = arith.constant 192 : i32
        %dma_start3A_1630 = arith.constant 0 : i32
        %dma_start3A_1631 = tpu.memref_slice %arg10[%dma_start3A_1629, %dma_start3A_1630] : memref<256x128xf32, #tpu.memory_space<vmem>> -> memref<32x128xf32, #tpu.memory_space<vmem>>
        %dma_start3A_1632 = arith.constant 0 : i32
        %dma_start3A_1633 = tpu.memref_slice %arg3[%dma_start3A_1632, %multiple_of3A_1618] : memref<32x1000000xf32, #tpu.memory_space<hbm>> -> memref<32x128xf32, #tpu.memory_space<hbm>>
        %dma_start3A_1634 = arith.constant 192 : i32
        %dma_start3A_1635 = arith.constant 0 : i32
        %dma_start3A_1636 = tpu.memref_slice %arg10[%dma_start3A_1634, %dma_start3A_1635] : memref<256x128xf32, #tpu.memory_space<vmem>> -> memref<32x128xf32, #tpu.memory_space<vmem>>
        %dma_start3A_1637 = arith.constant 0 : i32
        %dma_start3A_1638 = tpu.memref_slice %arg3[%dma_start3A_1637, %multiple_of3A_1618] : memref<32x1000000xf32, #tpu.memory_space<hbm>> -> memref<32x128xf32, #tpu.memory_space<hbm>>
        tpu.enqueue_dma source(%dma_start3A_1638 : memref<32x128xf32, #tpu.memory_space<hbm>>) target(%dma_start3A_1636 : memref<32x128xf32, #tpu.memory_space<vmem>>) target_semaphore(%arg27 : memref<!tpu.dma_semaphore, #tpu.memory_space<semaphore_mem>>)
      } else {
      }
      %dma_wait3A_1469 = arith.constant 224 : i32
      %dma_wait3A_1470 = arith.constant 0 : i32
      %dma_wait3A_1471 = tpu.memref_slice %arg9[%dma_wait3A_1469, %dma_wait3A_1470] : memref<256x128xf32, #tpu.memory_space<vmem>> -> memref<32x128xf32, #tpu.memory_space<vmem>>
      %dma_wait3A_1472 = arith.constant 0 : i32
      %dma_wait3A_1473 = arith.constant 0 : i32
      %dma_wait3A_1474 = tpu.memref_slice %arg2[%dma_wait3A_1472, %dma_wait3A_1473] : memref<32x1000000xf32, #tpu.memory_space<hbm>> -> memref<32x128xf32, #tpu.memory_space<hbm>>
      %dma_wait3A_1475 = arith.constant 224 : i32
      %dma_wait3A_1476 = arith.constant 0 : i32
      %dma_wait3A_1477 = tpu.memref_slice %arg9[%dma_wait3A_1475, %dma_wait3A_1476] : memref<256x128xf32, #tpu.memory_space<vmem>> -> memref<32x128xf32, #tpu.memory_space<vmem>>
      %dma_wait3A_1478 = arith.constant 0 : i32
      %dma_wait3A_1479 = arith.constant 0 : i32
      %dma_wait3A_1480 = tpu.memref_slice %arg2[%dma_wait3A_1478, %dma_wait3A_1479] : memref<32x1000000xf32, #tpu.memory_space<hbm>> -> memref<32x128xf32, #tpu.memory_space<hbm>>
      tpu.wait_dma2 semaphore(%arg20 : memref<!tpu.dma_semaphore, #tpu.memory_space<semaphore_mem>>) src(%dma_wait3A_1480 : memref<32x128xf32, #tpu.memory_space<hbm>>) dst(%dma_wait3A_1477 : memref<32x128xf32, #tpu.memory_space<vmem>>)
      %dma_wait3A_1481 = arith.constant 224 : i32
      %dma_wait3A_1482 = arith.constant 0 : i32
      %dma_wait3A_1483 = tpu.memref_slice %arg10[%dma_wait3A_1481, %dma_wait3A_1482] : memref<256x128xf32, #tpu.memory_space<vmem>> -> memref<32x128xf32, #tpu.memory_space<vmem>>
      %dma_wait3A_1484 = arith.constant 0 : i32
      %dma_wait3A_1485 = arith.constant 0 : i32
      %dma_wait3A_1486 = tpu.memref_slice %arg3[%dma_wait3A_1484, %dma_wait3A_1485] : memref<32x1000000xf32, #tpu.memory_space<hbm>> -> memref<32x128xf32, #tpu.memory_space<hbm>>
      %dma_wait3A_1487 = arith.constant 224 : i32
      %dma_wait3A_1488 = arith.constant 0 : i32
      %dma_wait3A_1489 = tpu.memref_slice %arg10[%dma_wait3A_1487, %dma_wait3A_1488] : memref<256x128xf32, #tpu.memory_space<vmem>> -> memref<32x128xf32, #tpu.memory_space<vmem>>
      %dma_wait3A_1490 = arith.constant 0 : i32
      %dma_wait3A_1491 = arith.constant 0 : i32
      %dma_wait3A_1492 = tpu.memref_slice %arg3[%dma_wait3A_1490, %dma_wait3A_1491] : memref<32x1000000xf32, #tpu.memory_space<hbm>> -> memref<32x128xf32, #tpu.memory_space<hbm>>
      tpu.wait_dma2 semaphore(%arg28 : memref<!tpu.dma_semaphore, #tpu.memory_space<semaphore_mem>>) src(%dma_wait3A_1492 : memref<32x128xf32, #tpu.memory_space<hbm>>) dst(%dma_wait3A_1489 : memref<32x128xf32, #tpu.memory_space<vmem>>)
      %slice3A_1493 = vector.extract_strided_slice %get3A_284 {offsets = [15], sizes = [1], strides = [1]} : vector<16xi32> to vector<1xi32>
      %squeeze3A_1494 = vector.extract %slice3A_1493[0] : i32 from vector<1xi32>
      %and3A_1495 = arith.constant 127 : i32
      %and3A_1496 = arith.andi %squeeze3A_1494, %and3A_1495 : i32
      %broadcast_in_dim3A_1497 = vector.broadcast %and3A_1496 : i32 to vector<16xi32>
      %slice3A_1498 = vector.extract_strided_slice %get3A_289 {offsets = [15], sizes = [1], strides = [1]} : vector<16xi32> to vector<1xi32>
      %squeeze3A_1499 = vector.extract %slice3A_1498[0] : i32 from vector<1xi32>
      %and3A_1500 = arith.constant 127 : i32
      %and3A_1501 = arith.andi %squeeze3A_1499, %and3A_1500 : i32
      %broadcast_in_dim3A_1502 = vector.broadcast %and3A_1501 : i32 to vector<16xi32>
      %add3A_1503 = arith.constant 224 : i32
      %add3A_1504 = vector.broadcast %add3A_1503 : i32 to vector<16xi32>
      %add3A_1505 = arith.addi %add3A_1504, %iota3A : vector<16xi32>
      %gather3A_1506 = tpu.vector_load_idx %arg9[%add3A_1505, %broadcast_in_dim3A_1497] : memref<256x128xf32, #tpu.memory_space<vmem>>[vector<16xi32>, vector<16xi32>], vector<16xf32>,
      %add3A_1507 = arith.constant 240 : i32
      %add3A_1508 = vector.broadcast %add3A_1507 : i32 to vector<16xi32>
      %add3A_1509 = arith.addi %add3A_1508, %iota3A : vector<16xi32>
      %gather3A_1510 = tpu.vector_load_idx %arg9[%add3A_1509, %broadcast_in_dim3A_1497] : memref<256x128xf32, #tpu.memory_space<vmem>>[vector<16xi32>, vector<16xi32>], vector<16xf32>,
      %add3A_1511 = arith.constant 224 : i32
      %add3A_1512 = vector.broadcast %add3A_1511 : i32 to vector<16xi32>
      %add3A_1513 = arith.addi %add3A_1512, %iota3A : vector<16xi32>
      %gather3A_1514 = tpu.vector_load_idx %arg10[%add3A_1513, %broadcast_in_dim3A_1502] : memref<256x128xf32, #tpu.memory_space<vmem>>[vector<16xi32>, vector<16xi32>], vector<16xf32>,
      %add3A_1515 = arith.constant 240 : i32
      %add3A_1516 = vector.broadcast %add3A_1515 : i32 to vector<16xi32>
      %add3A_1517 = arith.addi %add3A_1516, %iota3A : vector<16xi32>
      %gather3A_1518 = tpu.vector_load_idx %arg10[%add3A_1517, %broadcast_in_dim3A_1502] : memref<256x128xf32, #tpu.memory_space<vmem>>[vector<16xi32>, vector<16xi32>], vector<16xf32>,
      %mul3A_1519 = arith.mulf %gather3A_1506, %gather3A_1514 : vector<16xf32>
      %mul3A_1520 = arith.mulf %gather3A_1510, %gather3A_1518 : vector<16xf32>
      %add3A_1521 = arith.addf %mul3A_1519, %mul3A_1520 : vector<16xf32>
      %swap3A_1522 = arith.constant 15 : i32
      %swap3A_1523 = arith.index_cast %swap3A_1522 : i32 to index
      %swap3A_1524 = arith.constant 0 : index
      %swap3A_1525 = tpu.vector_load %arg11[%swap3A_1523, %swap3A_1524] {strides = array<i32>} : memref<16x16xf32, #tpu.memory_space<vmem>>, vector<16xf32>,
      tpu.vector_store %arg11[%swap3A_1523, %swap3A_1524], %add3A_1521 {strides = array<i32>} : memref<16x16xf32, #tpu.memory_space<vmem>>, vector<16xf32>,
      %add3A_1526 = arith.constant 1 : i32
      %add3A_1527 = arith.addi %scan3A_278, %add3A_1526 : i32
      %lt3A_1528 = arith.constant 32 : i32
      %lt3A_1529 = arith.cmpi slt, %add3A_1527, %lt3A_1528 : i32
      %convert_element_type3A_1530 = arith.extui %lt3A_1529 : i1 to i32
      %cond3A_1531 = arith.constant 0 : i32
      %cond3A_1532 = arith.cmpi ne, %convert_element_type3A_1530, %cond3A_1531 : i32
      scf.if %cond3A_1532 {
        %slice3A_1605 = vector.extract_strided_slice %get3A_298 {offsets = [7], sizes = [1], strides = [1]} : vector<16xi32> to vector<1xi32>
        %squeeze3A_1606 = vector.extract %slice3A_1605[0] : i32 from vector<1xi32>
        %slice3A_1607 = vector.extract_strided_slice %get3A_300 {offsets = [7], sizes = [1], strides = [1]} : vector<16xi32> to vector<1xi32>
        %squeeze3A_1608 = vector.extract %slice3A_1607[0] : i32 from vector<1xi32>
        %shift_right_arithmetic3A_1609 = arith.constant 7 : i32
        %shift_right_arithmetic3A_1610 = arith.shrsi %squeeze3A_1606, %shift_right_arithmetic3A_1609 : i32
        %shift_left3A_1611 = arith.constant 7 : i32
        %shift_left3A_1612 = arith.shli %shift_right_arithmetic3A_1610, %shift_left3A_1611 : i32
        %multiple_of3A_1613 = tpu.assume_multiple %shift_left3A_1612, 128 : i32
        %shift_right_arithmetic3A_1614 = arith.constant 7 : i32
        %shift_right_arithmetic3A_1615 = arith.shrsi %squeeze3A_1608, %shift_right_arithmetic3A_1614 : i32
        %shift_left3A_1616 = arith.constant 7 : i32
        %shift_left3A_1617 = arith.shli %shift_right_arithmetic3A_1615, %shift_left3A_1616 : i32
        %multiple_of3A_1618 = tpu.assume_multiple %shift_left3A_1617, 128 : i32
        %dma_start3A_1619 = arith.constant 224 : i32
        %dma_start3A_1620 = arith.constant 0 : i32
        %dma_start3A_1621 = tpu.memref_slice %arg9[%dma_start3A_1619, %dma_start3A_1620] : memref<256x128xf32, #tpu.memory_space<vmem>> -> memref<32x128xf32, #tpu.memory_space<vmem>>
        %dma_start3A_1622 = arith.constant 0 : i32
        %dma_start3A_1623 = tpu.memref_slice %arg2[%dma_start3A_1622, %multiple_of3A_1613] : memref<32x1000000xf32, #tpu.memory_space<hbm>> -> memref<32x128xf32, #tpu.memory_space<hbm>>
        %dma_start3A_1624 = arith.constant 224 : i32
        %dma_start3A_1625 = arith.constant 0 : i32
        %dma_start3A_1626 = tpu.memref_slice %arg9[%dma_start3A_1624, %dma_start3A_1625] : memref<256x128xf32, #tpu.memory_space<vmem>> -> memref<32x128xf32, #tpu.memory_space<vmem>>
        %dma_start3A_1627 = arith.constant 0 : i32
        %dma_start3A_1628 = tpu.memref_slice %arg2[%dma_start3A_1627, %multiple_of3A_1613] : memref<32x1000000xf32, #tpu.memory_space<hbm>> -> memref<32x128xf32, #tpu.memory_space<hbm>>
        tpu.enqueue_dma source(%dma_start3A_1628 : memref<32x128xf32, #tpu.memory_space<hbm>>) target(%dma_start3A_1626 : memref<32x128xf32, #tpu.memory_space<vmem>>) target_semaphore(%arg20 : memref<!tpu.dma_semaphore, #tpu.memory_space<semaphore_mem>>)
        %dma_start3A_1629 = arith.constant 224 : i32
        %dma_start3A_1630 = arith.constant 0 : i32
        %dma_start3A_1631 = tpu.memref_slice %arg10[%dma_start3A_1629, %dma_start3A_1630] : memref<256x128xf32, #tpu.memory_space<vmem>> -> memref<32x128xf32, #tpu.memory_space<vmem>>
        %dma_start3A_1632 = arith.constant 0 : i32
        %dma_start3A_1633 = tpu.memref_slice %arg3[%dma_start3A_1632, %multiple_of3A_1618] : memref<32x1000000xf32, #tpu.memory_space<hbm>> -> memref<32x128xf32, #tpu.memory_space<hbm>>
        %dma_start3A_1634 = arith.constant 224 : i32
        %dma_start3A_1635 = arith.constant 0 : i32
        %dma_start3A_1636 = tpu.memref_slice %arg10[%dma_start3A_1634, %dma_start3A_1635] : memref<256x128xf32, #tpu.memory_space<vmem>> -> memref<32x128xf32, #tpu.memory_space<vmem>>
        %dma_start3A_1637 = arith.constant 0 : i32
        %dma_start3A_1638 = tpu.memref_slice %arg3[%dma_start3A_1637, %multiple_of3A_1618] : memref<32x1000000xf32, #tpu.memory_space<hbm>> -> memref<32x128xf32, #tpu.memory_space<hbm>>
        tpu.enqueue_dma source(%dma_start3A_1638 : memref<32x128xf32, #tpu.memory_space<hbm>>) target(%dma_start3A_1636 : memref<32x128xf32, #tpu.memory_space<vmem>>) target_semaphore(%arg28 : memref<!tpu.dma_semaphore, #tpu.memory_space<semaphore_mem>>)
      } else {
      }
      %broadcast_in_dim3A_1533 = arith.constant 0.000000e+00 : f32
      %broadcast_in_dim3A_1534 = vector.broadcast %broadcast_in_dim3A_1533 : f32 to vector<16xf32>
      %broadcast_in_dim3A_1535 = arith.constant 0 : i32
      %broadcast_in_dim3A_1536 = vector.broadcast %broadcast_in_dim3A_1535 : i32 to vector<16xi32>
      %gather3A_1537 = tpu.vector_load_idx %arg11[%iota3A, %broadcast_in_dim3A_1536] : memref<16x16xf32, #tpu.memory_space<vmem>>[vector<16xi32>, vector<16xi32>], vector<16xf32>,
      %add3A_1538 = arith.addf %broadcast_in_dim3A_1534, %gather3A_1537 : vector<16xf32>
      %broadcast_in_dim3A_1539 = arith.constant 1 : i32
      %broadcast_in_dim3A_1540 = vector.broadcast %broadcast_in_dim3A_1539 : i32 to vector<16xi32>
      %gather3A_1541 = tpu.vector_load_idx %arg11[%iota3A, %broadcast_in_dim3A_1540] : memref<16x16xf32, #tpu.memory_space<vmem>>[vector<16xi32>, vector<16xi32>], vector<16xf32>,
      %add3A_1542 = arith.addf %add3A_1538, %gather3A_1541 : vector<16xf32>
      %broadcast_in_dim3A_1543 = arith.constant 2 : i32
      %broadcast_in_dim3A_1544 = vector.broadcast %broadcast_in_dim3A_1543 : i32 to vector<16xi32>
      %gather3A_1545 = tpu.vector_load_idx %arg11[%iota3A, %broadcast_in_dim3A_1544] : memref<16x16xf32, #tpu.memory_space<vmem>>[vector<16xi32>, vector<16xi32>], vector<16xf32>,
      %add3A_1546 = arith.addf %add3A_1542, %gather3A_1545 : vector<16xf32>
      %broadcast_in_dim3A_1547 = arith.constant 3 : i32
      %broadcast_in_dim3A_1548 = vector.broadcast %broadcast_in_dim3A_1547 : i32 to vector<16xi32>
      %gather3A_1549 = tpu.vector_load_idx %arg11[%iota3A, %broadcast_in_dim3A_1548] : memref<16x16xf32, #tpu.memory_space<vmem>>[vector<16xi32>, vector<16xi32>], vector<16xf32>,
      %add3A_1550 = arith.addf %add3A_1546, %gather3A_1549 : vector<16xf32>
      %broadcast_in_dim3A_1551 = arith.constant 4 : i32
      %broadcast_in_dim3A_1552 = vector.broadcast %broadcast_in_dim3A_1551 : i32 to vector<16xi32>
      %gather3A_1553 = tpu.vector_load_idx %arg11[%iota3A, %broadcast_in_dim3A_1552] : memref<16x16xf32, #tpu.memory_space<vmem>>[vector<16xi32>, vector<16xi32>], vector<16xf32>,
      %add3A_1554 = arith.addf %add3A_1550, %gather3A_1553 : vector<16xf32>
      %broadcast_in_dim3A_1555 = arith.constant 5 : i32
      %broadcast_in_dim3A_1556 = vector.broadcast %broadcast_in_dim3A_1555 : i32 to vector<16xi32>
      %gather3A_1557 = tpu.vector_load_idx %arg11[%iota3A, %broadcast_in_dim3A_1556] : memref<16x16xf32, #tpu.memory_space<vmem>>[vector<16xi32>, vector<16xi32>], vector<16xf32>,
      %add3A_1558 = arith.addf %add3A_1554, %gather3A_1557 : vector<16xf32>
      %broadcast_in_dim3A_1559 = arith.constant 6 : i32
      %broadcast_in_dim3A_1560 = vector.broadcast %broadcast_in_dim3A_1559 : i32 to vector<16xi32>
      %gather3A_1561 = tpu.vector_load_idx %arg11[%iota3A, %broadcast_in_dim3A_1560] : memref<16x16xf32, #tpu.memory_space<vmem>>[vector<16xi32>, vector<16xi32>], vector<16xf32>,
      %add3A_1562 = arith.addf %add3A_1558, %gather3A_1561 : vector<16xf32>
      %broadcast_in_dim3A_1563 = arith.constant 7 : i32
      %broadcast_in_dim3A_1564 = vector.broadcast %broadcast_in_dim3A_1563 : i32 to vector<16xi32>
      %gather3A_1565 = tpu.vector_load_idx %arg11[%iota3A, %broadcast_in_dim3A_1564] : memref<16x16xf32, #tpu.memory_space<vmem>>[vector<16xi32>, vector<16xi32>], vector<16xf32>,
      %add3A_1566 = arith.addf %add3A_1562, %gather3A_1565 : vector<16xf32>
      %broadcast_in_dim3A_1567 = arith.constant 8 : i32
      %broadcast_in_dim3A_1568 = vector.broadcast %broadcast_in_dim3A_1567 : i32 to vector<16xi32>
      %gather3A_1569 = tpu.vector_load_idx %arg11[%iota3A, %broadcast_in_dim3A_1568] : memref<16x16xf32, #tpu.memory_space<vmem>>[vector<16xi32>, vector<16xi32>], vector<16xf32>,
      %add3A_1570 = arith.addf %add3A_1566, %gather3A_1569 : vector<16xf32>
      %broadcast_in_dim3A_1571 = arith.constant 9 : i32
      %broadcast_in_dim3A_1572 = vector.broadcast %broadcast_in_dim3A_1571 : i32 to vector<16xi32>
      %gather3A_1573 = tpu.vector_load_idx %arg11[%iota3A, %broadcast_in_dim3A_1572] : memref<16x16xf32, #tpu.memory_space<vmem>>[vector<16xi32>, vector<16xi32>], vector<16xf32>,
      %add3A_1574 = arith.addf %add3A_1570, %gather3A_1573 : vector<16xf32>
      %broadcast_in_dim3A_1575 = arith.constant 10 : i32
      %broadcast_in_dim3A_1576 = vector.broadcast %broadcast_in_dim3A_1575 : i32 to vector<16xi32>
      %gather3A_1577 = tpu.vector_load_idx %arg11[%iota3A, %broadcast_in_dim3A_1576] : memref<16x16xf32, #tpu.memory_space<vmem>>[vector<16xi32>, vector<16xi32>], vector<16xf32>,
      %add3A_1578 = arith.addf %add3A_1574, %gather3A_1577 : vector<16xf32>
      %broadcast_in_dim3A_1579 = arith.constant 11 : i32
      %broadcast_in_dim3A_1580 = vector.broadcast %broadcast_in_dim3A_1579 : i32 to vector<16xi32>
      %gather3A_1581 = tpu.vector_load_idx %arg11[%iota3A, %broadcast_in_dim3A_1580] : memref<16x16xf32, #tpu.memory_space<vmem>>[vector<16xi32>, vector<16xi32>], vector<16xf32>,
      %add3A_1582 = arith.addf %add3A_1578, %gather3A_1581 : vector<16xf32>
      %broadcast_in_dim3A_1583 = arith.constant 12 : i32
      %broadcast_in_dim3A_1584 = vector.broadcast %broadcast_in_dim3A_1583 : i32 to vector<16xi32>
      %gather3A_1585 = tpu.vector_load_idx %arg11[%iota3A, %broadcast_in_dim3A_1584] : memref<16x16xf32, #tpu.memory_space<vmem>>[vector<16xi32>, vector<16xi32>], vector<16xf32>,
      %add3A_1586 = arith.addf %add3A_1582, %gather3A_1585 : vector<16xf32>
      %broadcast_in_dim3A_1587 = arith.constant 13 : i32
      %broadcast_in_dim3A_1588 = vector.broadcast %broadcast_in_dim3A_1587 : i32 to vector<16xi32>
      %gather3A_1589 = tpu.vector_load_idx %arg11[%iota3A, %broadcast_in_dim3A_1588] : memref<16x16xf32, #tpu.memory_space<vmem>>[vector<16xi32>, vector<16xi32>], vector<16xf32>,
      %add3A_1590 = arith.addf %add3A_1586, %gather3A_1589 : vector<16xf32>
      %broadcast_in_dim3A_1591 = arith.constant 14 : i32
      %broadcast_in_dim3A_1592 = vector.broadcast %broadcast_in_dim3A_1591 : i32 to vector<16xi32>
      %gather3A_1593 = tpu.vector_load_idx %arg11[%iota3A, %broadcast_in_dim3A_1592] : memref<16x16xf32, #tpu.memory_space<vmem>>[vector<16xi32>, vector<16xi32>], vector<16xf32>,
      %add3A_1594 = arith.addf %add3A_1590, %gather3A_1593 : vector<16xf32>
      %broadcast_in_dim3A_1595 = arith.constant 15 : i32
      %broadcast_in_dim3A_1596 = vector.broadcast %broadcast_in_dim3A_1595 : i32 to vector<16xi32>
      %gather3A_1597 = tpu.vector_load_idx %arg11[%iota3A, %broadcast_in_dim3A_1596] : memref<16x16xf32, #tpu.memory_space<vmem>>[vector<16xi32>, vector<16xi32>], vector<16xf32>,
      %add3A_1598 = arith.addf %add3A_1594, %gather3A_1597 : vector<16xf32>
      %mul3A_1599 = arith.constant 16 : i32
      %mul3A_1600 = arith.muli %scan3A_278, %mul3A_1599 : i32
      %multiple_of3A_1601 = tpu.assume_multiple %mul3A_1600, 16 : i32
      %swap3A_1602 = arith.index_cast %multiple_of3A_1601 : i32 to index
      %swap3A_1603 = tpu.vector_load %arg12[%swap3A_1602] {strides = array<i32>} : memref<512xf32, #tpu.memory_space<vmem>>, vector<16xf32>,
      tpu.vector_store %arg12[%swap3A_1602], %add3A_1598 {strides = array<i32>} : memref<512xf32, #tpu.memory_space<vmem>>, vector<16xf32>,
      %scan3A_1604 = arith.constant 0 : i32
      scf.yield %scan3A_1604 : i32
    }
    %scan3A_277 = arith.constant 32 : i32
    "tpu.region"() ({
      %run_scoped3A = tpu.sem_alloc : memref<!tpu.dma_semaphore, #tpu.memory_space<semaphore_mem>>
      %dma_start3A_278 = tpu.memref_slice %arg6[%mul3A_2] : memref<16384xf32, #tpu.memory_space<hbm>> -> memref<512xf32, #tpu.memory_space<hbm>>
      %dma_start3A_279 = tpu.memref_slice %arg6[%mul3A_2] : memref<16384xf32, #tpu.memory_space<hbm>> -> memref<512xf32, #tpu.memory_space<hbm>>
      tpu.enqueue_dma source(%arg12 : memref<512xf32, #tpu.memory_space<vmem>>) target(%dma_start3A_279 : memref<512xf32, #tpu.memory_space<hbm>>) target_semaphore(%run_scoped3A : memref<!tpu.dma_semaphore, #tpu.memory_space<semaphore_mem>>)
      %dma_wait3A = tpu.memref_slice %arg6[%mul3A_2] : memref<16384xf32, #tpu.memory_space<hbm>> -> memref<512xf32, #tpu.memory_space<hbm>>
      %dma_wait3A_280 = tpu.memref_slice %arg6[%mul3A_2] : memref<16384xf32, #tpu.memory_space<hbm>> -> memref<512xf32, #tpu.memory_space<hbm>>
      tpu.wait_dma2 semaphore(%run_scoped3A : memref<!tpu.dma_semaphore, #tpu.memory_space<semaphore_mem>>) src(%arg12 : memref<512xf32, #tpu.memory_space<vmem>>) dst(%dma_wait3A_280 : memref<512xf32, #tpu.memory_space<hbm>>)
      tpu.yield
    }) : () -> ()
    return
  }
}

</mosaic_0001>

<sc_bundles>
// kernel: kernel.3.cloned.1.call-start
scs
__scs_entry_jumppad:
0x0: {  	(pc) =	sbr.rel $0x88, $3  }
0x1: {  	(tag) =	ssettag $0x0;
	lr =	simm.s32 $0x1  }
0x2: {  	[smem:$0x3F9D] =	sst lr;
	_ =	strace $0xD0000000  }
0x3: {  	_ = 	snop  }
0x4: {  	_ = 	snop  }
0x5: {  	_ = 	snop  }
0x6: {  	_ = 	snop  }
0x7: {  	_ = 	snop  }
__scs_overlays_trampoline_lowered:
0x8: {  	[smem:$0x3FAC] =	sst s0  }
0x9: {  	[smem:$0x3FAD] =	sst s1  }
0xa: {  	[smem:$0x3FAE] =	sst s2  }
0xb: {  	[smem:$0x3FAF] =	sst s3  }
0xc: {  	[smem:$0x3FB0] =	sst s4  }
0xd: {  	[smem:$0x3FB1] =	sst s5  }
0xe: {  	[smem:$0x3FB2] =	sst s6  }
0xf: {  	[smem:$0x3FB3] =	sst s7  }
0x10: {  	[smem:$0x3FB4] =	sst s8  }
0x11: {  	[smem:$0x3FB5] =	sst s9;
	s0 =	simm.s32 @!p0 $0x0  }
0x12: {  	s1 =	sld [smem:$0x3F9B];
	s0 =	simm.s32 @p0 $0x1  }
0x13: {  	[smem:$0x3FB6] =	sst s0;
	s0 =	simm.s32 @!p1 $0x0  }
0x14: {  	s2 =	sld [smem:$0x3F9A];
	s0 =	simm.s32 @p1 $0x1  }
0x15: {  	[smem:$0x3FB7] =	sst s0;
	s0 =	simm.s32 @!p2 $0x0  }
0x16: {  	s3 =	sld [smem:$0x3FDB];
	s0 =	simm.s32 @p2 $0x1  }
0x17: {  	s4 =	simm.s32 $0x1BF5;
	[smem:$0x3FB9] =	sst s0  }
0x18: {  	s0 =	sld [smem:$0x3F9C];
	_ =	swait.ge [sflag:s4], $0x0  }
0x19: {  	s7 =	sld [smem:$0x3F9D]  }
0x1a: {  	s8 =	sadd.s32 $0xFFFFE003, lr  }
0x1b: {  	s9 =	sadd.s32 $0xFFFFFEF7, lr;
	s5 =	simm.s32 $0xFFFFFFFF;
	p2 =	slt.u32 s8, $0xFFFFF086  }
0x1c: {  	p1 =	slt.u32 s9, $0xF7A;
	s5 =	simm.s32 @!p2 $0x0  }
0x1d: {  	s5 =	simm.s32 @p1 $0x1;
	p0 =	seq.s32 s7, s2  }
0x1e: {  	s7 =	smul.u32 @!p0 $0xF7A, s2;
	p2 =	seq.s32 @!p0 s5, $0x0  }
0x1f: {  	s9 =	smul.u32 $0xF7A, s1;
	s8 =	simm.s32 @!p0 $0x1BF5;
	p2 =	por !p2, p0  }
0x20: {  	[sflag:s8] =	ssyncset.s32 @!p0 $0xFFFFF086;
	s6 =	sadd.s32 @!p0 s3, s7;
	s7 =	simm.s32 @!p0 $0x108  }
0x21: {  	s3 =	sadd.s32 s3, s9;
	s6 =	sadd.s32 @!p0 $0x88, s6;
	s7 =	simm.s32 @p2 $0x1082  }
0x22: {  	[simem:s7], [sflag:s8] =	dma.local @!p0 [hbm:s6], $0xF7A  }
0x23: {  	s9 =	sor.u32 $0xD0000000, s2;
	s6 =	simm.s32 $0x108;
	_ =	swait.ge @!p0 [sflag:s8], $0x0  }
0x24: {  	s3 =	sadd.s32 $0x88, s3;
	s6 =	simm.s32 @!p1 $0x1082;
	[sflag:s4] =	ssyncset.s32 $0xFFFFF086  }
0x25: {  	[simem:s6], [sflag:s4] =	dma.local [hbm:s3], $0xF7A  }
0x26: {  	[smem:$0x3F9D] =	sst s1;
	(tag) =	ssettag s2;
	_ =	strace s9  }
0x27: {  	s1 =	sld [smem:$0x3FAD]  }
0x28: {  	s2 =	sld [smem:$0x3FAE]  }
0x29: {  	s4 =	sld [smem:$0x3FB0]  }
0x2a: {  	p0 =	seq.s32 s5, $0x0;
	s5 =	sld [smem:$0x3FB1]  }
0x2b: {  	s6 =	sld [smem:$0x3FB2]  }
0x2c: {  	s7 =	sld [smem:$0x3FB3]  }
0x2d: {  	s3 =	simm.s32 $0x108;
	s8 =	sld [smem:$0x3FB4]  }
0x2e: {  	s3 =	simm.s32 @!p0 $0x1082;
	s9 =	sld [smem:$0x3FB5]  }
0x2f: {  	lr =	sadd.s32 s0, s3;
	s0 =	sld [smem:$0x3FAC]  }
0x30: {  	s3 =	sld [smem:$0x3FAF]  }
0x31: {  	[smem:$0x3FB8] =	sst s10  }
0x32: {  	s10 =	sld [smem:$0x3FB6];
	_ =	sdelay $0x3  }
0x33: {  	p0 =	seq.s32 s10, $0x1;
	s10 =	sld [smem:$0x3FB8];
	_ =	sdelay $0x3  }
0x34: {  	[smem:$0x3FB8] =	sst s10  }
0x35: {  	s10 =	sld [smem:$0x3FB7];
	_ =	sdelay $0x3  }
0x36: {  	p1 =	seq.s32 s10, $0x1;
	s10 =	sld [smem:$0x3FB8];
	_ =	sdelay $0x3  }
0x37: {  	[smem:$0x3FB8] =	sst s10  }
0x38: {  	s10 =	sld [smem:$0x3FB9]  }
0x39: {  	_ = 	snop;
	(pc) =	sbr.ind lr, $3  }
0x3a: {  	_ = 	snop  }
0x3b: {  	_ = 	snop  }
0x3c: {  	p2 =	seq.s32 s10, $0x1;
	s10 =	sld [smem:$0x3FB8]  }
0x3d: {  	_ =	shalt  }
0x3e: {  	_ =	shalt  }
0x3f: {  	_ =	shalt  }
0x40: {  	_ =	shalt  }
0x41: {  	_ =	shalt  }
0x42: {  	_ =	shalt  }
0x43: {  	_ =	shalt  }
0x44: {  	_ =	shalt  }
0x45: {  	_ =	shalt  }
0x46: {  	_ =	shalt  }
0x47: {  	_ =	shalt  }
0x48: {  	_ =	shalt  }
0x49: {  	_ =	shalt  }
0x4a: {  	_ =	shalt  }
0x4b: {  	_ =	shalt  }
0x4c: {  	_ =	shalt  }
0x4d: {  	_ =	shalt  }
0x4e: {  	_ =	shalt  }
0x4f: {  	_ =	shalt  }
0x50: {  	_ =	shalt  }
0x51: {  	_ =	shalt  }
0x52: {  	_ =	shalt  }
0x53: {  	_ =	shalt  }
0x54: {  	_ =	shalt  }
0x55: {  	_ =	shalt  }
0x56: {  	_ =	shalt  }
0x57: {  	_ =	shalt  }
0x58: {  	_ =	shalt  }
0x59: {  	_ =	shalt  }
0x5a: {  	_ =	shalt  }
0x5b: {  	_ =	shalt  }
0x5c: {  	_ =	shalt  }
0x5d: {  	_ =	shalt  }
0x5e: {  	_ =	shalt  }
0x5f: {  	_ =	shalt  }
0x60: {  	_ =	shalt  }
0x61: {  	_ =	shalt  }
0x62: {  	_ =	shalt  }
0x63: {  	_ =	shalt  }
0x64: {  	_ =	shalt  }
0x65: {  	_ =	shalt  }
0x66: {  	_ =	shalt  }
0x67: {  	_ =	shalt  }
0x68: {  	_ =	shalt  }
0x69: {  	_ =	shalt  }
0x6a: {  	_ =	shalt  }
0x6b: {  	_ =	shalt  }
0x6c: {  	_ =	shalt  }
0x6d: {  	_ =	shalt  }
0x6e: {  	_ =	shalt  }
0x6f: {  	_ =	shalt  }
0x70: {  	_ =	shalt  }
0x71: {  	_ =	shalt  }
0x72: {  	_ =	shalt  }
0x73: {  	_ =	shalt  }
0x74: {  	_ =	shalt  }
0x75: {  	_ =	shalt  }
0x76: {  	_ =	shalt  }
0x77: {  	_ =	shalt  }
0x78: {  	_ =	shalt  }
0x79: {  	_ =	shalt  }
0x7a: {  	_ =	shalt  }
0x7b: {  	_ =	shalt  }
0x7c: {  	_ =	shalt  }
0x7d: {  	_ =	shalt  }
0x7e: {  	_ =	shalt  }
0x7f: {  	_ =	shalt  }
0x80: {  	_ =	shalt  }
0x81: {  	_ =	shalt  }
0x82: {  	_ =	shalt  }
0x83: {  	_ =	shalt  }
0x84: {  	_ =	shalt  }
0x85: {  	_ =	shalt  }
0x86: {  	_ =	shalt  }
0x87: {  	_ =	shalt  }
.Lfunc_end0:
.L_simem_size_0:
called_computation_lowered:
.L_overlay_start_0:
0x88: {  	s2 =	sld [smem:$0x3FD9]  }
0x89: {  	s3 =	sld [smem:$0x3FFE];
	_ =	sdelay $0x1  }
0x8a: {  	s1 =	srdreg.scid  }
0x8b: {  	s0 =	sand.u32 $0x1, s1  }
0x8c: {  	s18 =	sshll.u32 s0, $0xA;
	s2 =	sadd.s32 s3, s2  }
0x8d: {  	s2 =	sadd.s32 s2, s18  }
0x8e: {  	[smem:$0x3FC4] =	sst s2  }
0x8f: {  	_ = 	snop  }
0x90: {  	s2 =	sld [smem:$0x3FC9]  }
0x91: {  	s19 =	sld [smem:$0x3FC8]  }
0x92: {  	s4 =	sld [smem:$0x3FC7]  }
0x93: {  	s5 =	sld [smem:$0x3FC6]  }
0x94: {  	s6 =	sld [smem:$0x3FD0];
	(tm) =	ssettm $0x1  }
0x95: {  	s7 =	sld [smem:$0x3FFB];
	_ =	sdelay $0x3  }
0x96: {  	_ =	strace s7  }
0x97: {  	s7 =	sld [smem:$0x3FFC];
	_ =	sdelay $0x3  }
0x98: {  	_ =	strace s7  }
0x99: {  	s7 =	sld [smem:$0x3FFD];
	_ =	sdelay $0x3  }
0x9a: {  	_ =	strace s7  }
0x9b: {  	_ =	strace $0x8FFFFFFF  }
0x9c: {  	s20 =	sld [smem:$0x3FDB];
	_ =	sdelay $0x1  }
0x9d: {  	s8 =	simm.s32 $_scs_section_size  }
0x9e: {  	s9 =	simm.s32 $_size__tile_overlayer_lowered;
	s10 =	simm.s32 $_tile_overlayer_lowered  }
0x9f: {  	s23 =	simm.s32 $0x1BFF;
	s22 =	sshll.u32 s10, $0x1;
	s7 =	sadd.s32 s8, s20  }
0xa0: {  	s11 =	simm.s32 $0x0;
	s21 =	sshll.u32 s9, $0x1;
	s9 =	sadd.s32 s22, s7  }
0xa1: {  	[timem:s11], [sflag:s23] =	dma.local [hbm:s9], s21  }
0xa2: {  	_ =	swait.ge [sflag:s23], s21  }
0xa3: {  	s8 =	ssub.s32 $0x0, s21;
	[sflag:s23] =	ssyncset.done $0x0  }
0xa4: {  	[sflag:s23] =	ssyncadd.s32 s8;
	_ =	sdelay $0x1  }
0xa5: {  	s24 =	simm.s32 $0x1B8B  }
0xa6: {  	_ =	swait.ge [sflag:s24], $0x1  }
0xa7: {  	[sflag:s24] =	ssyncset.done $0x0  }
0xa8: {  	s25 =	simm.s32 $0x1B8E;
	[sflag:s24] =	ssyncadd.s32 $0xFFFFFFFF  }
0xa9: {  	s26 =	simm.s32 $execute0_lowered;
	[smem:$0x3FD2] =	sst s25  }
0xaa: {  	s8 =	sshll.u32 s26, $0x1;
	_ =	strace $0x80000046;
	[dreg:$0x1] =	wrdreg $0xFFFFFFFF  }
0xab: {  	s28 =	simm.s32 $_size_execute0_lowered;
	s7 =	sadd.s32 s7, s8;
	[dreg:$0x0] =	wrdreg $0x0  }
0xac: {  	s8 =	sshll.u32 s28, $0x1;
	[dreg:$0x2] =	wrdreg s7  }
0xad: {  	[dreg:$0x3] =	wrdreg s8  }
0xae: {  	[dreg:$0x4] =	wrdreg $0xC0  }
0xaf: {  	_ =	task [dreg:s11], $0x5FFFF  }
0xb0: {  	[dreg:$0x1] =	wrdreg $0xFFFFFFFF  }
0xb1: {  	[dreg:$0x0] =	wrdreg $0x60  }
0xb2: {  	[dreg:$0x2] =	wrdreg s2  }
0xb3: {  	[dreg:$0x3] =	wrdreg s19  }
0xb4: {  	[dreg:$0x4] =	wrdreg s4  }
0xb5: {  	[dreg:$0x5] =	wrdreg s5  }
0xb6: {  	[dreg:$0x6] =	wrdreg s6  }
0xb7: {  	[dreg:$0x7] =	wrdreg $0x9  }
0xb8: {  	_ =	task.clear_ibuf [dreg:s11], $0x8FFFF;
	_ =	strace $0x90000046  }
0xb9: {  	s29 =	simm.s32 $0x9;
	_ =	strace $0x80000048  }
0xba: {  	_ =	swait.ge [sflag:s29], $0x1  }
0xbb: {  	[sflag:s29] =	ssyncadd.s32 $0xFFFFFFFF  }
0xbc: {  	_ =	strace $0x90000048  }
0xbd: {  	_ =	sfence  }
0xbe: {  	s30 =	sld [smem:$0x0];
	_ =	sdelay $0x2  }
0xbf: {  	s31 =	sshll.u32 s1, $0xD;
	s1 =	sshrl.u32 s1, $0x2  }
0xc0: {  	s3 =	sand.u32 $0x4000, s31;
	s1 =	sadd.s32 s1, s30  }
0xc1: {  	s0 =	sor.u32 s3, s0;
	s1 =	sshll.u32 s1, $0x11  }
0xc2: {  	s0 =	sor.u32 s1, s0  }
0xc3: {  	s0 =	sadd.s32 $0x8F2B, s0  }
0xc4: {  	[sflag:s0] =	ssyncadd.remote.s32 $0x1  }
0xc5: {  	_ =	sfence.sel $0xFFFF  }
0xc6: {  	[dreg:$0x0] =	wrdreg $0xFFFFFFFF;
	(pc) =	sbr.abs _section_cstart, $3  }
0xc7: {  	[dreg:$0x1] =	wrdreg $0xFFFFFFFF  }
0xc8: {  	_ =	task.clear_ibuf [dreg:s11], $0x2FFFF;
	_ =	strace $0x9FFFFFFF  }
0xc9: {  	(tm) =	ssettm $0x7FFFFFFF  }
tec
execute0_lowered:
.L_overlay_start_1:
0x0: {  	(tag) =	ssettag $0x1  }
0x1: {  	s1 =	rddreg [dreg:$0x0]  }
0x2: {  	s2 =	rddreg [dreg:$0x1]  }
0x3: {  	s0 =	rddreg [dreg:$0x2]  }
0x4: {  	s3 =	rddreg [dreg:$0x3]  }
0x5: {  	s4 =	rddreg [dreg:$0x4];
	s9 =	simm.s32 $0x0;
	s5 =	srdreg.scid  }
0x6: {  	s7 =	stileid.u32;
	s10 =	simm.s32 $0x7A1400;
	s11 =	simm.s32 $0x400  }
0x7: {  	s12 =	simm.s32 $0x8400;
	s13 =	simm.s32 $0xB400;
	s19 =	simm.s32 $0x4400  }
0x8: {  	v0 =	vlaneseq.u32;
	s20 =	simm.s32 $0xC400;
	s21 =	simm.s32 $0x5400;
	s22 =	simm.s32 $0xD400  }
0x9: {  	s17 =	simm.s32 $0xF400;
	s28 =	simm.s32 $0x1;
	s14 =	simm.s32 $0x9;
	v0 =	vmul.u32 $0x80, v0  }
0xa: {  	s29 =	simm.s32 $0x2;
	s15 =	simm.s32 $0xA;
	s30 =	simm.s32 $0x3  }
0xb: {  	s16 =	simm.s32 $0xB;
	s31 =	simm.s32 $0x4;
	s18 =	simm.s32 $0x0;
	v1 =	vor.u32 $0x800, v0;
	v2 =	vor.u32 $0x1000, v0;
	v3 =	vor.u32 $0x1800, v0  }
0xc: {  	s23 =	simm.s32 $0x10;
	[smem:$0x7FF] =	sst s9;
	s5 =	sand.u32 $0x1, s5;
	v4 =	vor.u32 $0x2000, v0;
	v5 =	vor.u32 $0x2800, v0;
	v6 =	vor.u32 $0x3000, v0  }
0xd: {  	s7 =	sshll.u32 s7, $0x7;
	s6 =	ssub.s32 $0x2, s5;
	s5 =	sshll.u32 s5, $0x6;
	v7 =	vor.u32 $0x3800, v0;
	v8 =	vor.u32 $0x4000, v0;
	v9 =	vor.u32 $0x4800, v0  }
0xe: {  	_ =	strace $0x80000047;
	s8 =	sshrl.u32 s6, $0x1;
	s5 =	sor.u32 s5, s7;
	v10 =	vor.u32 $0x5000, v0;
	v11 =	vor.u32 $0x5800, v0;
	v12 =	vor.u32 $0x6000, v0  }
0xf: {  	s7 =	simm.s32 $0xA400;
	v13 =	vor.u32 $0x6800, v0;
	v14 =	vor.u32 $0x7000, v0;
	v15 =	vor.u32 $0x7800, v0;
	s6 =	ssub.s32 s6, s8;
	s0 =	sadd.s32 s0, s5  }
0x10: {  	v16 =	vor.u32 $0x1, v0;
	v17 =	vor.u32 $0x2, v0;
	v18 =	vor.u32 $0x3, v0;
	s24 =	sadd.s32 s3, s5;
	s25 =	sadd.s32 s4, s5;
	[dreg:$0x6] =	wrdreg s0  }
0x11: {  	v19 =	vor.u32 $0x4, v0;
	v20 =	vor.u32 $0x5, v0;
	v21 =	vor.u32 $0x6, v0;
	s3 =	simm.s32 $0x11;
	s4 =	simm.s32 $0x1400;
	[dreg:$0x7] =	wrdreg s24  }
0x12: {  	v22 =	vor.u32 $0x7, v0;
	v23 =	vor.u32 $0x8, v0;
	v24 =	vor.u32 $0x9, v0;
	s5 =	simm.s32 $0x9400;
	s8 =	simm.s32 $0x3400;
	[dreg:$0x8] =	wrdreg s25  }
0x13: {  	v25 =	vor.u32 $0xA, v0;
	v26 =	vor.u32 $0xB, v0;
	v27 =	vor.u32 $0xC, v0;
	s26 =	smax.u32 s6, $0x1;
	s24 =	simm.s32 $0x6400;
	s6 =	simm.s32 $0xE400  }
0x14: {  	v28 =	vor.u32 $0xD, v0;
	v29 =	vor.u32 $0xE, v0;
	v30 =	vor.u32 $0xF, v0;
	s25 =	simm.s32 $0x7400;
	[dreg:$0x9] =	wrdreg s26;
	s26 =	simm.s32 $0x2400  }
.LBB2_1:
0x15: {  	[dreg:$0xa] =	wrdreg s18  }
0x16: {  	s0 =	rddreg [dreg:$0x6]  }
0x17: {  	[tilespmem:s9], [sflag:$0x11] =	stream.linear.gather [hbm4b:s0+s9], $0x200, $0x38;
	[tilespmem:$0x10E00] =	vst v63  }
0x18: {  	_ =	swait.ge [sflag:s3], $0x200  }
0x19: {  	[sflag:s3] =	ssyncset.done $0x0  }
0x1a: {  	s18 =	simm.s32 $0x200;
	s0 =	rddreg [dreg:$0x7];
	[sflag:s3] =	ssyncadd.s32 $0xFFFFFE00  }
0x1b: {  	[tilespmem:s18], [sflag:$0x11] =	stream.linear.gather [hbm4b:s0+s9], $0x200, $0x38;
	[tilespmem:$0x10E00] =	vst v63  }
0x1c: {  	_ =	swait.ge [sflag:s3], $0x200  }
0x1d: {  	[sflag:s3] =	ssyncset.done $0x0  }
0x1e: {  	[sflag:s3] =	ssyncadd.s32 $0xFFFFFE00  }
0x1f: {  	v31 =	vld [tilespmem:$0x0]  }
0x20: {  	v32 =	vld [tilespmem:$0x200];
	_ =	sdelay $0x3  }
0x21: {  	(v2sf) =	vpush v31, $0x0  }
0x22: {  	(v2sf) =	vpush v32, $0x0;
	_ =	sdelay $0x5  }
0x23: {  	(v2sf) =	vpush v31, $0x1;
	_ =	sdelay $0x1  }
0x24: {  	(v2sf) =	vpush v32, $0x1;
	_ =	sdelay $0x5  }
0x25: {  	s3 =	spop (v2sf);
	(v2sf) =	vpush v31, $0x2  }
0x26: {  	s9 =	spop (v2sf);
	(v2sf) =	vpush v32, $0x2;
	_ =	sdelay $0x4  }
0x27: {  	s0 =	sand.u32 $0xFFFFF80, s3  }
0x28: {  	s0 =	sadd.s32 s1, s0;
	s3 =	spop (v2sf);
	(v2sf) =	vpush v31, $0x3  }
0x29: {  	[tilespmem:s11], [sflag:$0x1] =	stream.strided.gather [hbm4b:s0+s11], $0x1000, s10, s11, $0x38;
	[tilespmem:$0x10E00] =	vst v63  }
0x2a: {  	s0 =	sand.u32 $0xFFFFF80, s9;
	s9 =	spop (v2sf);
	(v2sf) =	vpush v32, $0x3  }
0x2b: {  	s0 =	sadd.s32 s2, s0  }
0x2c: {  	[tilespmem:s12], [sflag:$0x9] =	stream.strided.gather [hbm4b:s0+s11], $0x1000, s10, s11, $0x38;
	[tilespmem:$0x10E00] =	vst v63  }
0x2d: {  	s0 =	sand.u32 $0xFFFFF80, s3  }
0x2e: {  	s0 =	sadd.s32 s1, s0  }
0x2f: {  	[tilespmem:s4], [sflag:$0x2] =	stream.strided.gather [hbm4b:s0+s11], $0x1000, s10, s11, $0x38;
	[tilespmem:$0x10E00] =	vst v63  }
0x30: {  	s0 =	sand.u32 $0xFFFFF80, s9;
	s3 =	spop (v2sf);
	(v2sf) =	vpush v31, $0x4  }
0x31: {  	s0 =	sadd.s32 s2, s0;
	s9 =	spop (v2sf);
	(v2sf) =	vpush v32, $0x4  }
0x32: {  	[tilespmem:s5], [sflag:$0xA] =	stream.strided.gather [hbm4b:s0+s11], $0x1000, s10, s11, $0x38;
	[tilespmem:$0x10E00] =	vst v63  }
0x33: {  	s0 =	sand.u32 $0xFFFFF80, s3  }
0x34: {  	s0 =	sadd.s32 s1, s0  }
0x35: {  	[tilespmem:s26], [sflag:$0x3] =	stream.strided.gather [hbm4b:s0+s11], $0x1000, s10, s11, $0x38;
	[tilespmem:$0x10E00] =	vst v63  }
0x36: {  	(v2sf) =	vpush v31, $0x5;
	s0 =	sand.u32 $0xFFFFF80, s9  }
0x37: {  	s3 =	spop (v2sf);
	s0 =	sadd.s32 s2, s0  }
0x38: {  	(v2sf) =	vpush v32, $0x5;
	[tilespmem:s7], [sflag:$0xB] =	stream.strided.gather [hbm4b:s0+s11], $0x1000, s10, s11, $0x38;
	[tilespmem:$0x10E00] =	vst v63  }
0x39: {  	s9 =	spop (v2sf);
	(v2sf) =	vpush v31, $0x6;
	s0 =	sand.u32 $0xFFFFF80, s3  }
0x3a: {  	s0 =	sadd.s32 s1, s0  }
0x3b: {  	[tilespmem:s8], [sflag:$0x4] =	stream.strided.gather [hbm4b:s0+s11], $0x1000, s10, s11, $0x38;
	[tilespmem:$0x10E00] =	vst v63  }
0x3c: {  	s0 =	sand.u32 $0xFFFFF80, s9  }
0x3d: {  	s0 =	sadd.s32 s2, s0  }
0x3e: {  	[tilespmem:s13], [sflag:$0xC] =	stream.strided.gather [hbm4b:s0+s11], $0x1000, s10, s11, $0x38;
	[tilespmem:$0x10E00] =	vst v63  }
0x3f: {  	s3 =	spop (v2sf);
	(v2sf) =	vpush v32, $0x6  }
0x40: {  	s9 =	spop (v2sf);
	(v2sf) =	vpush v31, $0x7  }
0x41: {  	s0 =	sand.u32 $0xFFFFF80, s3  }
0x42: {  	s0 =	sadd.s32 s1, s0  }
0x43: {  	[tilespmem:s19], [sflag:$0x5] =	stream.strided.gather [hbm4b:s0+s11], $0x1000, s10, s11, $0x38;
	[tilespmem:$0x10E00] =	vst v63  }
0x44: {  	s0 =	sand.u32 $0xFFFFF80, s9  }
0x45: {  	s19 =	spop (v2sf);
	(v2sf) =	vpush v32, $0x7;
	s0 =	sadd.s32 s2, s0  }
0x46: {  	[tilespmem:s20], [sflag:$0xD] =	stream.strided.gather [hbm4b:s0+s11], $0x1000, s10, s11, $0x38;
	[tilespmem:$0x10E00] =	vst v63  }
0x47: {  	s0 =	sand.u32 $0xFFFFF80, s19;
	s20 =	spop (v2sf)  }
0x48: {  	s0 =	sadd.s32 s1, s0;
	s3 =	sand.u32 $0xFFFFF80, s20;
	s9 =	spop (v2sf)  }
0x49: {  	[tilespmem:s21], [sflag:$0x6] =	stream.strided.gather [hbm4b:s0+s11], $0x1000, s10, s11, $0x38;
	[tilespmem:$0x10E00] =	vst v63  }
0x4a: {  	s0 =	sadd.s32 s2, s3;
	s19 =	sand.u32 $0xFFFFF80, s9  }
0x4b: {  	[tilespmem:s22], [sflag:$0xE] =	stream.strided.gather [hbm4b:s0+s11], $0x1000, s10, s11, $0x38;
	[tilespmem:$0x10E00] =	vst v63  }
0x4c: {  	s0 =	sadd.s32 s1, s19  }
0x4d: {  	[tilespmem:s24], [sflag:$0x7] =	stream.strided.gather [hbm4b:s0+s11], $0x1000, s10, s11, $0x38;
	[tilespmem:$0x10E00] =	vst v63  }
0x4e: {  	s20 =	spop (v2sf)  }
0x4f: {  	s21 =	sand.u32 $0xFFFFF80, s20;
	s22 =	spop (v2sf)  }
0x50: {  	s0 =	sadd.s32 s2, s21;
	s24 =	sand.u32 $0xFFFFF80, s22  }
0x51: {  	[tilespmem:s6], [sflag:$0xF] =	stream.strided.gather [hbm4b:s0+s11], $0x1000, s10, s11, $0x38;
	[tilespmem:$0x10E00] =	vst v63  }
0x52: {  	s0 =	sadd.s32 s1, s24  }
0x53: {  	[tilespmem:s25], [sflag:$0x8] =	stream.strided.gather [hbm4b:s0+s11], $0x1000, s10, s11, $0x38;
	[tilespmem:$0x10E00] =	vst v63  }
0x54: {  	s25 =	spop (v2sf)  }
0x55: {  	s9 =	simm.s32 $0x6;
	s19 =	simm.s32 $0x10C00;
	s0 =	sand.u32 $0xFFFFF80, s25  }
0x56: {  	s20 =	simm.s32 $0x0;
	s21 =	simm.s32 $0x10;
	s0 =	sadd.s32 s2, s0  }
0x57: {  	[tilespmem:s17], [sflag:$0x10] =	stream.strided.gather [hbm4b:s0+s11], $0x1000, s10, s11, $0x38;
	[tilespmem:$0x10E00] =	vst v63  }
.LBB2_2:
0x58: {  	v34 =	vld [tilespmem:s20+$0x0]  }
0x59: {  	v33 =	vld [tilespmem:s18+$0x0];
	s0 =	smin.u32 s21, $0x1F0  }
0x5a: {  	[dreg:$0xb] =	wrdreg s18;
	v32 =	vld [tilespmem:s0+$0x0]  }
0x5b: {  	v31 =	vld [tilespmem:s0+$0x200];
	_ =	swait.ge [sflag:s28], $0x1000  }
0x5c: {  	[sflag:s28] =	ssyncset.done $0x0  }
0x5d: {  	[sflag:s28] =	ssyncadd.s32 $0xFFFFF000  }
0x5e: {  	_ =	swait.ge [sflag:s14], $0x1000  }
0x5f: {  	(v2sf) =	vpush v34, $0x0;
	_ =	sdelay $0x1  }
0x60: {  	(v2sf) =	vpush v33, $0x0;
	_ =	sdelay $0xc  }
0x61: {  	s25 =	spop (v2sf)  }
0x62: {  	s0 =	sand.u32 $0x7F, s25  }
0x63: {  	(v2sf) =	vpush v34, $0x8;
	s3 =	spop (v2sf);
	v35 =	vor.u32 s0, v0  }
0x64: {  	(v2sf) =	vpush v33, $0x8;
	s3 =	sand.u32 $0x7F, s3;
	v36 =	vor.u32 s0, v1  }
0x65: {  	v37 =	vor.u32 s3, v0  }
0x66: {  	[sflag:s14] =	ssyncset.done $0x0;
	v38 =	vor.u32 s3, v1  }
0x67: {  	[sflag:s14] =	ssyncadd.s32 $0xFFFFF000  }
0x68: {  	v35 =	vld.idx.msk [tilespmem:v35+s11+$0x0], $0xffff  }
0x69: {  	v36 =	vld.idx.msk [tilespmem:v36+s11+$0x0], $0xffff  }
0x6a: {  	v37 =	vld.idx.msk [tilespmem:v37+s12+$0x0], $0xffff  }
0x6b: {  	v38 =	vld.idx.msk [tilespmem:v38+s12+$0x0], $0xffff;
	_ =	sdelay $0x4  }
0x6c: {  	v35 =	vmul.f32 v37, v35;
	v36 =	vmul.f32 v38, v36;
	_ =	sdelay $0x1  }
0x6d: {  	v35 =	vadd.f32 v36, v35;
	s25 =	spop (v2sf)  }
0x6e: {  	s3 =	sand.u32 $0xFFFFF80, s25;
	s22 =	spop (v2sf)  }
0x6f: {  	[tilespmem:$0x10400] =	vst v35;
	s0 =	sadd.s32 s1, s3;
	s6 =	sand.u32 $0xFFFFF80, s22  }
0x70: {  	[tilespmem:s11], [sflag:$0x1] =	stream.strided.gather [hbm4b:s0+s11], $0x1000, s10, s11, $0x38;
	[tilespmem:$0x10E00] =	vst v63  }
0x71: {  	s0 =	sadd.s32 s2, s6  }
0x72: {  	[tilespmem:s12], [sflag:$0x9] =	stream.strided.gather [hbm4b:s0+s11], $0x1000, s10, s11, $0x38;
	[tilespmem:$0x10E00] =	vst v63  }
0x73: {  	_ =	swait.ge [sflag:s29], $0x1000  }
0x74: {  	[sflag:s29] =	ssyncset.done $0x0  }
0x75: {  	[sflag:s29] =	ssyncadd.s32 $0xFFFFF000  }
0x76: {  	_ =	swait.ge [sflag:s15], $0x1000  }
0x77: {  	(v2sf) =	vpush v34, $0x1;
	_ =	sdelay $0x1  }
0x78: {  	(v2sf) =	vpush v33, $0x1;
	_ =	sdelay $0xc  }
0x79: {  	s14 =	spop (v2sf)  }
0x7a: {  	s0 =	sand.u32 $0x7F, s14  }
0x7b: {  	(v2sf) =	vpush v34, $0x9;
	s17 =	spop (v2sf);
	v59 =	vor.u32 s0, v2  }
0x7c: {  	(v2sf) =	vpush v33, $0x9;
	s3 =	sand.u32 $0x7F, s17;
	v60 =	vor.u32 s0, v3  }
0x7d: {  	v61 =	vor.u32 s3, v2  }
0x7e: {  	[sflag:s15] =	ssyncset.done $0x0;
	v62 =	vor.u32 s3, v3  }
0x7f: {  	[sflag:s15] =	ssyncadd.s32 $0xFFFFF000  }
0x80: {  	v35 =	vld.idx.msk [tilespmem:v59+s11+$0x0], $0xffff  }
0x81: {  	v36 =	vld.idx.msk [tilespmem:v60+s11+$0x0], $0xffff  }
0x82: {  	v37 =	vld.idx.msk [tilespmem:v61+s12+$0x0], $0xffff  }
0x83: {  	v38 =	vld.idx.msk [tilespmem:v62+s12+$0x0], $0xffff;
	_ =	sdelay $0x4  }
0x84: {  	v35 =	vmul.f32 v37, v35;
	v36 =	vmul.f32 v38, v36;
	_ =	sdelay $0x1  }
0x85: {  	v35 =	vadd.f32 v36, v35;
	s18 =	spop (v2sf)  }
0x86: {  	s0 =	sand.u32 $0xFFFFF80, s18;
	s24 =	spop (v2sf)  }
0x87: {  	[dreg:$0xc] =	wrdreg s18;
	[tilespmem:$0x10480] =	vst v35;
	s0 =	sadd.s32 s1, s0;
	s6 =	sand.u32 $0xFFFFF80, s24  }
0x88: {  	[tilespmem:s4], [sflag:$0x2] =	stream.strided.gather [hbm4b:s0+s11], $0x1000, s10, s11, $0x38;
	[tilespmem:$0x10E00] =	vst v63  }
0x89: {  	[dreg:$0xd] =	wrdreg s24;
	s0 =	sadd.s32 s2, s6  }
0x8a: {  	[tilespmem:s5], [sflag:$0xA] =	stream.strided.gather [hbm4b:s0+s11], $0x1000, s10, s11, $0x38;
	[tilespmem:$0x10E00] =	vst v63  }
0x8b: {  	_ =	swait.ge [sflag:s30], $0x1000  }
0x8c: {  	[sflag:s30] =	ssyncset.done $0x0  }
0x8d: {  	[sflag:s30] =	ssyncadd.s32 $0xFFFFF000  }
0x8e: {  	_ =	swait.ge [sflag:s16], $0x1000  }
0x8f: {  	(v2sf) =	vpush v34, $0x2;
	_ =	sdelay $0x1  }
0x90: {  	(v2sf) =	vpush v33, $0x2;
	_ =	sdelay $0xc  }
0x91: {  	s14 =	spop (v2sf)  }
0x92: {  	s0 =	sand.u32 $0x7F, s14  }
0x93: {  	(v2sf) =	vpush v34, $0xA;
	s15 =	spop (v2sf);
	v63 =	vor.u32 s0, v4  }
0x94: {  	(v2sf) =	vpush v33, $0xA;
	s3 =	sand.u32 $0x7F, s15;
	v40 =	vor.u32 s0, v5  }
0x95: {  	v41 =	vor.u32 s3, v4  }
0x96: {  	[sflag:s16] =	ssyncset.done $0x0;
	v42 =	vor.u32 s3, v5  }
0x97: {  	[sflag:s16] =	ssyncadd.s32 $0xFFFFF000  }
0x98: {  	v35 =	vld.idx.msk [tilespmem:v63+s11+$0x0], $0xffff  }
0x99: {  	v36 =	vld.idx.msk [tilespmem:v40+s11+$0x0], $0xffff  }
0x9a: {  	v37 =	vld.idx.msk [tilespmem:v41+s12+$0x0], $0xffff  }
0x9b: {  	v38 =	vld.idx.msk [tilespmem:v42+s12+$0x0], $0xffff;
	_ =	sdelay $0x4  }
0x9c: {  	v35 =	vmul.f32 v37, v35;
	v36 =	vmul.f32 v38, v36;
	_ =	sdelay $0x1  }
0x9d: {  	v35 =	vadd.f32 v36, v35;
	s17 =	spop (v2sf)  }
0x9e: {  	s0 =	sand.u32 $0xFFFFF80, s17;
	s28 =	spop (v2sf)  }
0x9f: {  	[tilespmem:$0x10500] =	vst v35;
	s0 =	sadd.s32 s1, s0;
	s18 =	sand.u32 $0xFFFFF80, s28  }
0xa0: {  	[tilespmem:s26], [sflag:$0x3] =	stream.strided.gather [hbm4b:s0+s11], $0x1000, s10, s11, $0x38;
	[tilespmem:$0x10E00] =	vst v63  }
0xa1: {  	[dreg:$0xe] =	wrdreg s17;
	s0 =	sadd.s32 s2, s18  }
0xa2: {  	[tilespmem:s7], [sflag:$0xB] =	stream.strided.gather [hbm4b:s0+s11], $0x1000, s10, s11, $0x38;
	[tilespmem:$0x10E00] =	vst v63  }
0xa3: {  	_ =	swait.ge [sflag:s31], $0x1000  }
0xa4: {  	[sflag:s31] =	ssyncset.done $0x0  }
0xa5: {  	s18 =	simm.s32 $0xC;
	[sflag:s31] =	ssyncadd.s32 $0xFFFFF000  }
0xa6: {  	_ =	swait.ge [sflag:s18], $0x1000  }
0xa7: {  	(v2sf) =	vpush v34, $0x3;
	_ =	sdelay $0x1  }
0xa8: {  	(v2sf) =	vpush v33, $0x3;
	_ =	sdelay $0xc  }
0xa9: {  	s24 =	spop (v2sf)  }
0xaa: {  	s0 =	sand.u32 $0x7F, s24  }
0xab: {  	(v2sf) =	vpush v34, $0xB;
	s26 =	spop (v2sf);
	v43 =	vor.u32 s0, v6  }
0xac: {  	(v2sf) =	vpush v33, $0xB;
	s3 =	sand.u32 $0x7F, s26;
	v44 =	vor.u32 s0, v7  }
0xad: {  	v45 =	vor.u32 s3, v6  }
0xae: {  	[sflag:s18] =	ssyncset.done $0x0;
	v46 =	vor.u32 s3, v7  }
0xaf: {  	[sflag:s18] =	ssyncadd.s32 $0xFFFFF000  }
0xb0: {  	v35 =	vld.idx.msk [tilespmem:v43+s11+$0x0], $0xffff  }
0xb1: {  	v36 =	vld.idx.msk [tilespmem:v44+s11+$0x0], $0xffff  }
0xb2: {  	v37 =	vld.idx.msk [tilespmem:v45+s12+$0x0], $0xffff  }
0xb3: {  	v38 =	vld.idx.msk [tilespmem:v46+s12+$0x0], $0xffff;
	_ =	sdelay $0x4  }
0xb4: {  	v35 =	vmul.f32 v37, v35;
	v36 =	vmul.f32 v38, v36;
	_ =	sdelay $0x1  }
0xb5: {  	v35 =	vadd.f32 v36, v35;
	s29 =	spop (v2sf)  }
0xb6: {  	s4 =	sand.u32 $0xFFFFF80, s29;
	s30 =	spop (v2sf)  }
0xb7: {  	[tilespmem:$0x10580] =	vst v35;
	s0 =	sadd.s32 s1, s4;
	s5 =	sand.u32 $0xFFFFF80, s30  }
0xb8: {  	[tilespmem:s8], [sflag:$0x4] =	stream.strided.gather [hbm4b:s0+s11], $0x1000, s10, s11, $0x38;
	[tilespmem:$0x10E00] =	vst v63  }
0xb9: {  	s0 =	sadd.s32 s2, s5  }
0xba: {  	[tilespmem:s13], [sflag:$0xC] =	stream.strided.gather [hbm4b:s0+s11], $0x1000, s10, s11, $0x38;
	[tilespmem:$0x10E00] =	vst v63  }
0xbb: {  	s10 =	simm.s32 $0x5  }
0xbc: {  	_ =	swait.ge [sflag:s10], $0x1000  }
0xbd: {  	[sflag:s10] =	ssyncset.done $0x0  }
0xbe: {  	s7 =	simm.s32 $0xD;
	[sflag:s10] =	ssyncadd.s32 $0xFFFFF000  }
0xbf: {  	_ =	swait.ge [sflag:s7], $0x1000  }
0xc0: {  	(v2sf) =	vpush v34, $0x4;
	_ =	sdelay $0x1  }
0xc1: {  	(v2sf) =	vpush v33, $0x4;
	_ =	sdelay $0xc  }
0xc2: {  	s6 =	spop (v2sf)  }
0xc3: {  	s0 =	sand.u32 $0x7F, s6  }
0xc4: {  	(v2sf) =	vpush v34, $0xC;
	s8 =	spop (v2sf);
	v47 =	vor.u32 s0, v8  }
0xc5: {  	(v2sf) =	vpush v33, $0xC;
	s3 =	sand.u32 $0x7F, s8;
	v48 =	vor.u32 s0, v9  }
0xc6: {  	v49 =	vor.u32 s3, v8  }
0xc7: {  	[sflag:s7] =	ssyncset.done $0x0;
	v50 =	vor.u32 s3, v9  }
0xc8: {  	[sflag:s7] =	ssyncadd.s32 $0xFFFFF000  }
0xc9: {  	v35 =	vld.idx.msk [tilespmem:v47+s11+$0x0], $0xffff  }
0xca: {  	v36 =	vld.idx.msk [tilespmem:v48+s11+$0x0], $0xffff  }
0xcb: {  	v37 =	vld.idx.msk [tilespmem:v49+s12+$0x0], $0xffff  }
0xcc: {  	v38 =	vld.idx.msk [tilespmem:v50+s12+$0x0], $0xffff;
	_ =	sdelay $0x4  }
0xcd: {  	v35 =	vmul.f32 v37, v35;
	v36 =	vmul.f32 v38, v36;
	_ =	sdelay $0x1  }
0xce: {  	v35 =	vadd.f32 v36, v35;
	s31 =	spop (v2sf)  }
0xcf: {  	s17 =	simm.s32 $0x4400;
	s13 =	sand.u32 $0xFFFFF80, s31;
	s0 =	spop (v2sf)  }
0xd0: {  	s5 =	simm.s32 $0x7A1400;
	[tilespmem:$0x10600] =	vst v35;
	s3 =	sadd.s32 s1, s13;
	s24 =	sand.u32 $0xFFFFF80, s0  }
0xd1: {  	[tilespmem:s17], [sflag:$0x5] =	stream.strided.gather [hbm4b:s3+s11], $0x1000, s5, s11, $0x38;
	[tilespmem:$0x10E00] =	vst v63  }
0xd2: {  	s26 =	simm.s32 $0xC400;
	s3 =	sadd.s32 s2, s24  }
0xd3: {  	[tilespmem:s26], [sflag:$0xD] =	stream.strided.gather [hbm4b:s3+s11], $0x1000, s5, s11, $0x38;
	[tilespmem:$0x10E00] =	vst v63  }
0xd4: {  	_ =	swait.ge [sflag:s9], $0x1000  }
0xd5: {  	[sflag:s9] =	ssyncset.done $0x0  }
0xd6: {  	s17 =	simm.s32 $0xE;
	[sflag:s9] =	ssyncadd.s32 $0xFFFFF000  }
0xd7: {  	_ =	swait.ge [sflag:s17], $0x1000  }
0xd8: {  	(v2sf) =	vpush v34, $0x5;
	_ =	sdelay $0x1  }
0xd9: {  	(v2sf) =	vpush v33, $0x5;
	_ =	sdelay $0xc  }
0xda: {  	s6 =	spop (v2sf)  }
0xdb: {  	s3 =	sand.u32 $0x7F, s6  }
0xdc: {  	(v2sf) =	vpush v34, $0xD;
	s8 =	spop (v2sf);
	v51 =	vor.u32 s3, v10  }
0xdd: {  	(v2sf) =	vpush v33, $0xD;
	s4 =	sand.u32 $0x7F, s8;
	v52 =	vor.u32 s3, v11  }
0xde: {  	v53 =	vor.u32 s4, v10  }
0xdf: {  	[sflag:s17] =	ssyncset.done $0x0;
	v54 =	vor.u32 s4, v11  }
0xe0: {  	[sflag:s17] =	ssyncadd.s32 $0xFFFFF000  }
0xe1: {  	v35 =	vld.idx.msk [tilespmem:v51+s11+$0x0], $0xffff  }
0xe2: {  	v36 =	vld.idx.msk [tilespmem:v52+s11+$0x0], $0xffff  }
0xe3: {  	v37 =	vld.idx.msk [tilespmem:v53+s12+$0x0], $0xffff  }
0xe4: {  	v38 =	vld.idx.msk [tilespmem:v54+s12+$0x0], $0xffff;
	_ =	sdelay $0x4  }
0xe5: {  	v35 =	vmul.f32 v37, v35;
	v36 =	vmul.f32 v38, v36;
	_ =	sdelay $0x1  }
0xe6: {  	v35 =	vadd.f32 v36, v35;
	s3 =	spop (v2sf)  }
0xe7: {  	s9 =	sand.u32 $0xFFFFF80, s3;
	s13 =	spop (v2sf)  }
0xe8: {  	s6 =	simm.s32 $0x5400;
	[tilespmem:$0x10680] =	vst v35;
	s4 =	sadd.s32 s1, s9;
	s24 =	sand.u32 $0xFFFFF80, s13  }
0xe9: {  	[tilespmem:s6], [sflag:$0x6] =	stream.strided.gather [hbm4b:s4+s11], $0x1000, s5, s11, $0x38;
	[tilespmem:$0x10E00] =	vst v63  }
0xea: {  	s26 =	simm.s32 $0xD400;
	s4 =	sadd.s32 s2, s24  }
0xeb: {  	[tilespmem:s26], [sflag:$0xE] =	stream.strided.gather [hbm4b:s4+s11], $0x1000, s5, s11, $0x38;
	[tilespmem:$0x10E00] =	vst v63  }
0xec: {  	[dreg:$0xf] =	wrdreg s13;
	s26 =	simm.s32 $0x7  }
0xed: {  	_ =	swait.ge [sflag:s26], $0x1000  }
0xee: {  	[sflag:s26] =	ssyncset.done $0x0  }
0xef: {  	s24 =	simm.s32 $0xF;
	[sflag:s26] =	ssyncadd.s32 $0xFFFFF000  }
0xf0: {  	_ =	swait.ge [sflag:s24], $0x1000  }
0xf1: {  	(v2sf) =	vpush v34, $0x6;
	_ =	sdelay $0x1  }
0xf2: {  	(v2sf) =	vpush v33, $0x6;
	_ =	sdelay $0xc  }
0xf3: {  	s6 =	spop (v2sf)  }
0xf4: {  	(v2sf) =	vpush v34, $0xE;
	s4 =	sand.u32 $0x7F, s6  }
0xf5: {  	s8 =	spop (v2sf);
	v55 =	vor.u32 s4, v12  }
0xf6: {  	(v2sf) =	vpush v33, $0xE;
	s6 =	sand.u32 $0x7F, s8;
	v56 =	vor.u32 s4, v13  }
0xf7: {  	v57 =	vor.u32 s6, v12  }
0xf8: {  	[sflag:s24] =	ssyncset.done $0x0;
	v58 =	vor.u32 s6, v13  }
0xf9: {  	[sflag:s24] =	ssyncadd.s32 $0xFFFFF000  }
0xfa: {  	v35 =	vld.idx.msk [tilespmem:v55+s11+$0x0], $0xffff  }
0xfb: {  	v36 =	vld.idx.msk [tilespmem:v56+s11+$0x0], $0xffff  }
0xfc: {  	v37 =	vld.idx.msk [tilespmem:v57+s12+$0x0], $0xffff  }
0xfd: {  	v38 =	vld.idx.msk [tilespmem:v58+s12+$0x0], $0xffff;
	_ =	sdelay $0x4  }
0xfe: {  	v35 =	vmul.f32 v37, v35;
	v36 =	vmul.f32 v38, v36  }
0xff: {  	s9 =	spop (v2sf)  }
0x100: {  	v35 =	vadd.f32 v36, v35;
	[dreg:$0x10] =	wrdreg s9  }
0x101: {  	s4 =	sand.u32 $0xFFFFF80, s9;
	s13 =	spop (v2sf);
	s9 =	simm.s32 $0x6400  }
0x102: {  	[tilespmem:$0x10700] =	vst v35;
	[dreg:$0x11] =	wrdreg s13;
	s4 =	sadd.s32 s1, s4;
	s13 =	sand.u32 $0xFFFFF80, s13  }
0x103: {  	[tilespmem:s9], [sflag:$0x7] =	stream.strided.gather [hbm4b:s4+s11], $0x1000, s5, s11, $0x38;
	[tilespmem:$0x10E00] =	vst v63  }
0x104: {  	s6 =	simm.s32 $0xE400;
	s4 =	sadd.s32 s2, s13  }
0x105: {  	[tilespmem:s6], [sflag:$0xF] =	stream.strided.gather [hbm4b:s4+s11], $0x1000, s5, s11, $0x38;
	[tilespmem:$0x10E00] =	vst v63  }
0x106: {  	s6 =	simm.s32 $0x8  }
0x107: {  	_ =	swait.ge [sflag:s6], $0x1000  }
0x108: {  	[sflag:s6] =	ssyncset.done $0x0  }
0x109: {  	[sflag:s6] =	ssyncadd.s32 $0xFFFFF000  }
0x10a: {  	_ =	swait.ge [sflag:s23], $0x1000  }
0x10b: {  	(v2sf) =	vpush v34, $0x7;
	_ =	sdelay $0x1  }
0x10c: {  	(v2sf) =	vpush v33, $0x7;
	_ =	sdelay $0xc  }
0x10d: {  	s8 =	spop (v2sf)  }
0x10e: {  	s4 =	sand.u32 $0x7F, s8  }
0x10f: {  	(v2sf) =	vpush v34, $0xF;
	s9 =	spop (v2sf);
	v59 =	vor.u32 s4, v14  }
0x110: {  	s8 =	sand.u32 $0x7F, s9;
	v60 =	vor.u32 s4, v15  }
0x111: {  	(v2sf) =	vpush v33, $0xF;
	v61 =	vor.u32 s8, v14  }
0x112: {  	[sflag:s23] =	ssyncset.done $0x0;
	v62 =	vor.u32 s8, v15  }
0x113: {  	[sflag:s23] =	ssyncadd.s32 $0xFFFFF000  }
0x114: {  	v35 =	vld.idx.msk [tilespmem:v59+s11+$0x0], $0xffff  }
0x115: {  	v34 =	vld.idx.msk [tilespmem:v60+s11+$0x0], $0xffff  }
0x116: {  	v36 =	vld.idx.msk [tilespmem:v61+s12+$0x0], $0xffff  }
0x117: {  	v33 =	vld.idx.msk [tilespmem:v62+s12+$0x0], $0xffff;
	_ =	sdelay $0x4  }
0x118: {  	v35 =	vmul.f32 v36, v35;
	v33 =	vmul.f32 v33, v34;
	_ =	sdelay $0x1  }
0x119: {  	v33 =	vadd.f32 v33, v35;
	s8 =	spop (v2sf)  }
0x11a: {  	s13 =	sand.u32 $0xFFFFF80, s8  }
0x11b: {  	s4 =	spop (v2sf);
	[tilespmem:$0x10780] =	vst v33;
	s9 =	sadd.s32 s1, s13;
	s13 =	simm.s32 $0x7400  }
0x11c: {  	[tilespmem:s13], [sflag:$0x8] =	stream.strided.gather [hbm4b:s9+s11], $0x1000, s5, s11, $0x38;
	[tilespmem:$0x10E00] =	vst v63  }
0x11d: {  	s13 =	sand.u32 $0xFFFFF80, s4  }
0x11e: {  	s14 =	simm.s32 $0x1;
	s9 =	sadd.s32 s2, s13;
	s13 =	simm.s32 $0xF400  }
0x11f: {  	[tilespmem:s13], [sflag:$0x10] =	stream.strided.gather [hbm4b:s9+s11], $0x1000, s5, s11, $0x38;
	[tilespmem:$0x10E00] =	vst v63  }
0x120: {  	_ =	swait.ge [sflag:s14], $0x1000  }
0x121: {  	[sflag:s14] =	ssyncset.done $0x0  }
0x122: {  	[sflag:s14] =	ssyncadd.s32 $0xFFFFF000;
	s14 =	simm.s32 $0x9  }
0x123: {  	p0 =	seq.s32 s21, $0x200;
	s5 =	sand.u32 $0x7F, s25;
	_ =	swait.ge [sflag:s14], $0x1000  }
0x124: {  	v63 =	vor.u32 s5, v0;
	(v2sf) =	vpush @!p0 v32, $0x0  }
0x125: {  	s22 =	sand.u32 $0x7F, s22;
	v40 =	vor.u32 s5, v1  }
0x126: {  	v41 =	vor.u32 s22, v0  }
0x127: {  	v42 =	vor.u32 s22, v1;
	[sflag:s14] =	ssyncset.done $0x0  }
0x128: {  	[sflag:s14] =	ssyncadd.s32 $0xFFFFF000;
	(v2sf) =	vpush @!p0 v31, $0x0  }
0x129: {  	v33 =	vld.idx.msk [tilespmem:v63+s11+$0x0], $0xffff  }
0x12a: {  	v34 =	vld.idx.msk [tilespmem:v40+s11+$0x0], $0xffff  }
0x12b: {  	v35 =	vld.idx.msk [tilespmem:v41+s12+$0x0], $0xffff  }
0x12c: {  	v36 =	vld.idx.msk [tilespmem:v42+s12+$0x0], $0xffff;
	_ =	sdelay $0x4  }
0x12d: {  	v33 =	vmul.f32 v35, v33;
	v34 =	vmul.f32 v36, v34;
	_ =	sdelay $0x1  }
0x12e: {  	v33 =	vadd.f32 v34, v33;
	s9 =	spop @!p0 (v2sf)  }
0x12f: {  	s9 =	sand.u32 @!p0 $0xFFFFF80, s9  }
0x130: {  	s22 =	simm.s32 @!p0 $0x7A1400;
	s25 =	simm.s32 @!p0 $0x400;
	[tilespmem:$0x10800] =	vst v33;
	s9 =	sadd.s32 @!p0 s1, s9  }
0x131: {  	[tilespmem:s25], [sflag:$0x1] =	stream.strided.gather @!p0 [hbm4b:s9+s25], $0x1000, s22, s25, $0x38;
	[tilespmem:$0x10E00] =	vst v63  }
0x132: {  	s9 =	spop @!p0 (v2sf)  }
0x133: {  	s9 =	sand.u32 @!p0 $0xFFFFF80, s9  }
0x134: {  	s15 =	simm.s32 $0x2;
	s13 =	simm.s32 @!p0 $0x8400;
	s9 =	sadd.s32 @!p0 s2, s9  }
0x135: {  	[tilespmem:s13], [sflag:$0x9] =	stream.strided.gather @!p0 [hbm4b:s9+s25], $0x1000, s22, s25, $0x38;
	[tilespmem:$0x10E00] =	vst v63  }
0x136: {  	_ =	swait.ge [sflag:s15], $0x1000  }
0x137: {  	[sflag:s15] =	ssyncset.done $0x0  }
0x138: {  	[sflag:s15] =	ssyncadd.s32 $0xFFFFF000;
	s15 =	simm.s32 $0xA  }
0x139: {  	_ =	swait.ge [sflag:s15], $0x1000  }
0x13a: {  	s9 =	rddreg [dreg:$0xc]  }
0x13b: {  	s9 =	sand.u32 $0x7F, s9  }
0x13c: {  	(v2sf) =	vpush @!p0 v32, $0x1;
	s13 =	rddreg [dreg:$0xd];
	v43 =	vor.u32 s9, v2  }
0x13d: {  	s5 =	sand.u32 $0x7F, s13;
	v44 =	vor.u32 s9, v3  }
0x13e: {  	v45 =	vor.u32 s5, v2  }
0x13f: {  	[sflag:s15] =	ssyncset.done $0x0;
	v46 =	vor.u32 s5, v3  }
0x140: {  	[sflag:s15] =	ssyncadd.s32 $0xFFFFF000;
	(v2sf) =	vpush @!p0 v31, $0x1  }
0x141: {  	v33 =	vld.idx.msk [tilespmem:v43+s11+$0x0], $0xffff  }
0x142: {  	v34 =	vld.idx.msk [tilespmem:v44+s11+$0x0], $0xffff  }
0x143: {  	v35 =	vld.idx.msk [tilespmem:v45+s12+$0x0], $0xffff  }
0x144: {  	v36 =	vld.idx.msk [tilespmem:v46+s12+$0x0], $0xffff;
	_ =	sdelay $0x4  }
0x145: {  	v33 =	vmul.f32 v35, v33;
	v34 =	vmul.f32 v36, v34;
	_ =	sdelay $0x1  }
0x146: {  	v33 =	vadd.f32 v34, v33;
	s9 =	spop @!p0 (v2sf)  }
0x147: {  	s9 =	sand.u32 @!p0 $0xFFFFF80, s9  }
0x148: {  	s13 =	simm.s32 @!p0 $0x1400;
	[tilespmem:$0x10880] =	vst v33;
	s9 =	sadd.s32 @!p0 s1, s9  }
0x149: {  	[tilespmem:s13], [sflag:$0x2] =	stream.strided.gather @!p0 [hbm4b:s9+s25], $0x1000, s22, s25, $0x38;
	[tilespmem:$0x10E00] =	vst v63  }
0x14a: {  	s9 =	spop @!p0 (v2sf)  }
0x14b: {  	s9 =	sand.u32 @!p0 $0xFFFFF80, s9  }
0x14c: {  	s16 =	simm.s32 $0x3;
	s13 =	simm.s32 @!p0 $0x9400;
	s9 =	sadd.s32 @!p0 s2, s9  }
0x14d: {  	[tilespmem:s13], [sflag:$0xA] =	stream.strided.gather @!p0 [hbm4b:s9+s25], $0x1000, s22, s25, $0x38;
	[tilespmem:$0x10E00] =	vst v63  }
0x14e: {  	_ =	swait.ge [sflag:s16], $0x1000  }
0x14f: {  	[sflag:s16] =	ssyncset.done $0x0  }
0x150: {  	[sflag:s16] =	ssyncadd.s32 $0xFFFFF000;
	s16 =	simm.s32 $0xB  }
0x151: {  	s5 =	sand.u32 $0x7F, s28;
	_ =	swait.ge [sflag:s16], $0x1000  }
0x152: {  	v49 =	vor.u32 s5, v4;
	s9 =	rddreg [dreg:$0xe];
	(v2sf) =	vpush @!p0 v32, $0x2  }
0x153: {  	v50 =	vor.u32 s5, v5;
	s13 =	sand.u32 $0x7F, s9  }
0x154: {  	v47 =	vor.u32 s13, v4  }
0x155: {  	[sflag:s16] =	ssyncset.done $0x0;
	v48 =	vor.u32 s13, v5  }
0x156: {  	[sflag:s16] =	ssyncadd.s32 $0xFFFFF000;
	(v2sf) =	vpush @!p0 v31, $0x2  }
0x157: {  	v35 =	vld.idx.msk [tilespmem:v49+s12+$0x0], $0xffff  }
0x158: {  	v36 =	vld.idx.msk [tilespmem:v50+s12+$0x0], $0xffff  }
0x159: {  	v33 =	vld.idx.msk [tilespmem:v47+s11+$0x0], $0xffff  }
0x15a: {  	v34 =	vld.idx.msk [tilespmem:v48+s11+$0x0], $0xffff;
	_ =	sdelay $0x4  }
0x15b: {  	v33 =	vmul.f32 v35, v33;
	v34 =	vmul.f32 v36, v34;
	_ =	sdelay $0x1  }
0x15c: {  	v33 =	vadd.f32 v34, v33;
	s9 =	spop @!p0 (v2sf)  }
0x15d: {  	s9 =	sand.u32 @!p0 $0xFFFFF80, s9  }
0x15e: {  	s13 =	simm.s32 @!p0 $0x2400;
	[tilespmem:$0x10900] =	vst v33;
	s9 =	sadd.s32 @!p0 s1, s9  }
0x15f: {  	[tilespmem:s13], [sflag:$0x3] =	stream.strided.gather @!p0 [hbm4b:s9+s25], $0x1000, s22, s25, $0x38;
	[tilespmem:$0x10E00] =	vst v63  }
0x160: {  	s9 =	spop @!p0 (v2sf)  }
0x161: {  	s9 =	sand.u32 @!p0 $0xFFFFF80, s9  }
0x162: {  	s5 =	simm.s32 $0x4;
	s13 =	simm.s32 @!p0 $0xA400;
	s9 =	sadd.s32 @!p0 s2, s9  }
0x163: {  	[tilespmem:s13], [sflag:$0xB] =	stream.strided.gather @!p0 [hbm4b:s9+s25], $0x1000, s22, s25, $0x38;
	[tilespmem:$0x10E00] =	vst v63  }
0x164: {  	s13 =	simm.s32 $0x4;
	_ =	swait.ge [sflag:s5], $0x1000  }
0x165: {  	s5 =	simm.s32 $0x4;
	[sflag:s13] =	ssyncset.done $0x0  }
0x166: {  	[sflag:s5] =	ssyncadd.s32 $0xFFFFF000  }
0x167: {  	s13 =	sand.u32 $0x7F, s29;
	_ =	swait.ge [sflag:s18], $0x1000  }
0x168: {  	v51 =	vor.u32 s13, v6;
	(v2sf) =	vpush @!p0 v32, $0x3  }
0x169: {  	s5 =	sand.u32 $0x7F, s30;
	v52 =	vor.u32 s13, v7  }
0x16a: {  	v53 =	vor.u32 s5, v6  }
0x16b: {  	v54 =	vor.u32 s5, v7;
	[sflag:s18] =	ssyncset.done $0x0  }
0x16c: {  	[sflag:s18] =	ssyncadd.s32 $0xFFFFF000;
	(v2sf) =	vpush @!p0 v31, $0x3  }
0x16d: {  	v33 =	vld.idx.msk [tilespmem:v51+s11+$0x0], $0xffff  }
0x16e: {  	v34 =	vld.idx.msk [tilespmem:v52+s11+$0x0], $0xffff  }
0x16f: {  	v35 =	vld.idx.msk [tilespmem:v53+s12+$0x0], $0xffff  }
0x170: {  	v36 =	vld.idx.msk [tilespmem:v54+s12+$0x0], $0xffff;
	_ =	sdelay $0x4  }
0x171: {  	v33 =	vmul.f32 v35, v33;
	v34 =	vmul.f32 v36, v34;
	_ =	sdelay $0x1  }
0x172: {  	v33 =	vadd.f32 v34, v33;
	s9 =	spop @!p0 (v2sf)  }
0x173: {  	s9 =	sand.u32 @!p0 $0xFFFFF80, s9  }
0x174: {  	s13 =	simm.s32 @!p0 $0x3400;
	[tilespmem:$0x10980] =	vst v33;
	s9 =	sadd.s32 @!p0 s1, s9  }
0x175: {  	[tilespmem:s13], [sflag:$0x4] =	stream.strided.gather @!p0 [hbm4b:s9+s25], $0x1000, s22, s25, $0x38;
	[tilespmem:$0x10E00] =	vst v63  }
0x176: {  	s9 =	spop @!p0 (v2sf)  }
0x177: {  	s9 =	sand.u32 @!p0 $0xFFFFF80, s9  }
0x178: {  	s13 =	simm.s32 @!p0 $0xB400;
	s9 =	sadd.s32 @!p0 s2, s9  }
0x179: {  	[tilespmem:s13], [sflag:$0xC] =	stream.strided.gather @!p0 [hbm4b:s9+s25], $0x1000, s22, s25, $0x38;
	[tilespmem:$0x10E00] =	vst v63  }
0x17a: {  	s18 =	rddreg [dreg:$0xb];
	_ =	swait.ge [sflag:s10], $0x1000  }
0x17b: {  	[sflag:s10] =	ssyncset.done $0x0  }
0x17c: {  	[sflag:s10] =	ssyncadd.s32 $0xFFFFF000  }
0x17d: {  	s5 =	sand.u32 $0x7F, s31;
	_ =	swait.ge [sflag:s7], $0x1000  }
0x17e: {  	v55 =	vor.u32 s5, v8;
	(v2sf) =	vpush @!p0 v32, $0x4  }
0x17f: {  	s0 =	sand.u32 $0x7F, s0;
	v56 =	vor.u32 s5, v9  }
0x180: {  	v57 =	vor.u32 s0, v8  }
0x181: {  	v58 =	vor.u32 s0, v9;
	[sflag:s7] =	ssyncset.done $0x0  }
0x182: {  	[sflag:s7] =	ssyncadd.s32 $0xFFFFF000;
	(v2sf) =	vpush @!p0 v31, $0x4  }
0x183: {  	v33 =	vld.idx.msk [tilespmem:v55+s11+$0x0], $0xffff  }
0x184: {  	v34 =	vld.idx.msk [tilespmem:v56+s11+$0x0], $0xffff  }
0x185: {  	v35 =	vld.idx.msk [tilespmem:v57+s12+$0x0], $0xffff  }
0x186: {  	v36 =	vld.idx.msk [tilespmem:v58+s12+$0x0], $0xffff;
	_ =	sdelay $0x4  }
0x187: {  	v33 =	vmul.f32 v35, v33;
	v34 =	vmul.f32 v36, v34;
	_ =	sdelay $0x1  }
0x188: {  	v33 =	vadd.f32 v34, v33;
	s0 =	spop @!p0 (v2sf)  }
0x189: {  	s0 =	sand.u32 @!p0 $0xFFFFF80, s0  }
0x18a: {  	s9 =	simm.s32 @!p0 $0x4400;
	[tilespmem:$0x10A00] =	vst v33;
	s0 =	sadd.s32 @!p0 s1, s0  }
0x18b: {  	[tilespmem:s9], [sflag:$0x5] =	stream.strided.gather @!p0 [hbm4b:s0+s25], $0x1000, s22, s25, $0x38;
	[tilespmem:$0x10E00] =	vst v63  }
0x18c: {  	s0 =	spop @!p0 (v2sf)  }
0x18d: {  	s0 =	sand.u32 @!p0 $0xFFFFF80, s0  }
0x18e: {  	s9 =	simm.s32 @!p0 $0xC400;
	s0 =	sadd.s32 @!p0 s2, s0  }
0x18f: {  	[tilespmem:s9], [sflag:$0xD] =	stream.strided.gather @!p0 [hbm4b:s0+s25], $0x1000, s22, s25, $0x38;
	[tilespmem:$0x10E00] =	vst v63  }
0x190: {  	s9 =	simm.s32 $0x6  }
0x191: {  	_ =	swait.ge [sflag:s9], $0x1000  }
0x192: {  	[sflag:s9] =	ssyncset.done $0x0  }
0x193: {  	[sflag:s9] =	ssyncadd.s32 $0xFFFFF000  }
0x194: {  	s7 =	sand.u32 $0x7F, s3;
	_ =	swait.ge [sflag:s17], $0x1000  }
0x195: {  	v59 =	vor.u32 s7, v10;
	(v2sf) =	vpush @!p0 v32, $0x5;
	s5 =	rddreg [dreg:$0xf]  }
0x196: {  	v60 =	vor.u32 s7, v11;
	s3 =	sand.u32 $0x7F, s5  }
0x197: {  	v61 =	vor.u32 s3, v10  }
0x198: {  	[sflag:s17] =	ssyncset.done $0x0;
	v62 =	vor.u32 s3, v11  }
0x199: {  	[sflag:s17] =	ssyncadd.s32 $0xFFFFF000;
	(v2sf) =	vpush @!p0 v31, $0x5  }
0x19a: {  	v33 =	vld.idx.msk [tilespmem:v59+s11+$0x0], $0xffff  }
0x19b: {  	v34 =	vld.idx.msk [tilespmem:v60+s11+$0x0], $0xffff  }
0x19c: {  	v35 =	vld.idx.msk [tilespmem:v61+s12+$0x0], $0xffff  }
0x19d: {  	v36 =	vld.idx.msk [tilespmem:v62+s12+$0x0], $0xffff;
	_ =	sdelay $0x4  }
0x19e: {  	v33 =	vmul.f32 v35, v33;
	v34 =	vmul.f32 v36, v34;
	_ =	sdelay $0x1  }
0x19f: {  	v33 =	vadd.f32 v34, v33;
	s0 =	spop @!p0 (v2sf)  }
0x1a0: {  	s0 =	sand.u32 @!p0 $0xFFFFF80, s0  }
0x1a1: {  	s3 =	simm.s32 @!p0 $0x5400;
	[tilespmem:$0x10A80] =	vst v33;
	s0 =	sadd.s32 @!p0 s1, s0  }
0x1a2: {  	[tilespmem:s3], [sflag:$0x6] =	stream.strided.gather @!p0 [hbm4b:s0+s25], $0x1000, s22, s25, $0x38;
	[tilespmem:$0x10E00] =	vst v63  }
0x1a3: {  	s0 =	spop @!p0 (v2sf)  }
0x1a4: {  	s0 =	sand.u32 @!p0 $0xFFFFF80, s0  }
0x1a5: {  	s3 =	simm.s32 @!p0 $0xD400;
	s0 =	sadd.s32 @!p0 s2, s0  }
0x1a6: {  	[tilespmem:s3], [sflag:$0xE] =	stream.strided.gather @!p0 [hbm4b:s0+s25], $0x1000, s22, s25, $0x38;
	[tilespmem:$0x10E00] =	vst v63  }
0x1a7: {  	_ =	swait.ge [sflag:s26], $0x1000  }
0x1a8: {  	[sflag:s26] =	ssyncset.done $0x0  }
0x1a9: {  	[sflag:s26] =	ssyncadd.s32 $0xFFFFF000  }
0x1aa: {  	_ =	swait.ge [sflag:s24], $0x1000  }
0x1ab: {  	s7 =	rddreg [dreg:$0x10]  }
0x1ac: {  	s0 =	sand.u32 $0x7F, s7  }
0x1ad: {  	(v2sf) =	vpush @!p0 v32, $0x6;
	s17 =	rddreg [dreg:$0x11];
	v63 =	vor.u32 s0, v12  }
0x1ae: {  	s3 =	sand.u32 $0x7F, s17;
	v40 =	vor.u32 s0, v13  }
0x1af: {  	v41 =	vor.u32 s3, v12  }
0x1b0: {  	[sflag:s24] =	ssyncset.done $0x0;
	v42 =	vor.u32 s3, v13  }
0x1b1: {  	[sflag:s24] =	ssyncadd.s32 $0xFFFFF000;
	(v2sf) =	vpush @!p0 v31, $0x6  }
0x1b2: {  	v33 =	vld.idx.msk [tilespmem:v63+s11+$0x0], $0xffff  }
0x1b3: {  	v34 =	vld.idx.msk [tilespmem:v40+s11+$0x0], $0xffff  }
0x1b4: {  	v35 =	vld.idx.msk [tilespmem:v41+s12+$0x0], $0xffff  }
0x1b5: {  	v36 =	vld.idx.msk [tilespmem:v42+s12+$0x0], $0xffff;
	_ =	sdelay $0x4  }
0x1b6: {  	v33 =	vmul.f32 v35, v33;
	v34 =	vmul.f32 v36, v34;
	_ =	sdelay $0x1  }
0x1b7: {  	v33 =	vadd.f32 v34, v33;
	s0 =	spop @!p0 (v2sf)  }
0x1b8: {  	s0 =	sand.u32 @!p0 $0xFFFFF80, s0  }
0x1b9: {  	s3 =	simm.s32 @!p0 $0x6400;
	[tilespmem:$0x10B00] =	vst v33;
	s0 =	sadd.s32 @!p0 s1, s0  }
0x1ba: {  	[tilespmem:s3], [sflag:$0x7] =	stream.strided.gather @!p0 [hbm4b:s0+s25], $0x1000, s22, s25, $0x38;
	[tilespmem:$0x10E00] =	vst v63  }
0x1bb: {  	s0 =	spop @!p0 (v2sf)  }
0x1bc: {  	s0 =	sand.u32 @!p0 $0xFFFFF80, s0  }
0x1bd: {  	s3 =	simm.s32 @!p0 $0xE400;
	s0 =	sadd.s32 @!p0 s2, s0  }
0x1be: {  	[tilespmem:s3], [sflag:$0xF] =	stream.strided.gather @!p0 [hbm4b:s0+s25], $0x1000, s22, s25, $0x38;
	[tilespmem:$0x10E00] =	vst v63  }
0x1bf: {  	_ =	swait.ge [sflag:s6], $0x1000  }
0x1c0: {  	[sflag:s6] =	ssyncset.done $0x0  }
0x1c1: {  	[sflag:s6] =	ssyncadd.s32 $0xFFFFF000  }
0x1c2: {  	s17 =	sand.u32 $0x7F, s4;
	_ =	swait.ge [sflag:s23], $0x1000  }
0x1c3: {  	v45 =	vor.u32 s17, v14;
	(v2sf) =	vpush @!p0 v32, $0x7  }
0x1c4: {  	v46 =	vor.u32 s17, v15;
	s6 =	sand.u32 $0x7F, s8  }
0x1c5: {  	v43 =	vor.u32 s6, v14  }
0x1c6: {  	v44 =	vor.u32 s6, v15;
	[sflag:s23] =	ssyncset.done $0x0  }
0x1c7: {  	[sflag:s23] =	ssyncadd.s32 $0xFFFFF000;
	(v2sf) =	vpush @!p0 v31, $0x7  }
0x1c8: {  	v47 =	vld.idx.msk [tilespmem:v45+s12+$0x0], $0xffff  }
0x1c9: {  	v48 =	vld.idx.msk [tilespmem:v46+s12+$0x0], $0xffff  }
0x1ca: {  	v31 =	vld.idx.msk [tilespmem:v43+s11+$0x0], $0xffff  }
0x1cb: {  	v32 =	vld.idx.msk [tilespmem:v44+s11+$0x0], $0xffff;
	_ =	sdelay $0x4  }
0x1cc: {  	v31 =	vmul.f32 v47, v31;
	v32 =	vmul.f32 v48, v32;
	_ =	sdelay $0x1  }
0x1cd: {  	v31 =	vadd.f32 v32, v31;
	s0 =	spop @!p0 (v2sf)  }
0x1ce: {  	s0 =	sand.u32 @!p0 $0xFFFFF80, s0  }
0x1cf: {  	s3 =	simm.s32 @!p0 $0x7400;
	[tilespmem:$0x10B80] =	vst v31;
	s0 =	sadd.s32 @!p0 s1, s0  }
0x1d0: {  	[tilespmem:s3], [sflag:$0x8] =	stream.strided.gather @!p0 [hbm4b:s0+s25], $0x1000, s22, s25, $0x38;
	[tilespmem:$0x10E00] =	vst v63  }
0x1d1: {  	s0 =	spop @!p0 (v2sf)  }
0x1d2: {  	s0 =	sand.u32 @!p0 $0xFFFFF80, s0  }
0x1d3: {  	s24 =	simm.s32 $0x10400;
	s3 =	simm.s32 @!p0 $0xF400;
	s0 =	sadd.s32 @!p0 s2, s0  }
0x1d4: {  	[tilespmem:s3], [sflag:$0x10] =	stream.strided.gather @!p0 [hbm4b:s0+s25], $0x1000, s22, s25, $0x38;
	[tilespmem:$0x10E00] =	vst v63  }
0x1d5: {  	v31 =	vld.idx.msk [tilespmem:v0+s24+$0x0], $0xffff;
	_ =	sdelay $0x1  }
0x1d6: {  	v49 =	vld.idx.msk [tilespmem:v16+s24+$0x0], $0xffff;
	_ =	sdelay $0x1  }
0x1d7: {  	v50 =	vld.idx.msk [tilespmem:v17+s24+$0x0], $0xffff  }
0x1d8: {  	v31 =	vadd.f32 $0.0e+00, v31  }
0x1d9: {  	v51 =	vld.idx.msk [tilespmem:v18+s24+$0x0], $0xffff  }
0x1da: {  	v31 =	vadd.f32 v49, v31  }
0x1db: {  	v52 =	vld.idx.msk [tilespmem:v19+s24+$0x0], $0xffff  }
0x1dc: {  	v31 =	vadd.f32 v50, v31  }
0x1dd: {  	v53 =	vld.idx.msk [tilespmem:v20+s24+$0x0], $0xffff  }
0x1de: {  	v31 =	vadd.f32 v51, v31  }
0x1df: {  	v54 =	vld.idx.msk [tilespmem:v21+s24+$0x0], $0xffff  }
0x1e0: {  	v31 =	vadd.f32 v52, v31  }
0x1e1: {  	v55 =	vld.idx.msk [tilespmem:v22+s24+$0x0], $0xffff  }
0x1e2: {  	v31 =	vadd.f32 v53, v31  }
0x1e3: {  	v56 =	vld.idx.msk [tilespmem:v23+s24+$0x0], $0xffff  }
0x1e4: {  	v31 =	vadd.f32 v54, v31  }
0x1e5: {  	v57 =	vld.idx.msk [tilespmem:v24+s24+$0x0], $0xffff  }
0x1e6: {  	v31 =	vadd.f32 v55, v31  }
0x1e7: {  	v58 =	vld.idx.msk [tilespmem:v25+s24+$0x0], $0xffff  }
0x1e8: {  	v31 =	vadd.f32 v56, v31  }
0x1e9: {  	v59 =	vld.idx.msk [tilespmem:v26+s24+$0x0], $0xffff  }
0x1ea: {  	v31 =	vadd.f32 v57, v31  }
0x1eb: {  	v60 =	vld.idx.msk [tilespmem:v27+s24+$0x0], $0xffff  }
0x1ec: {  	v31 =	vadd.f32 v58, v31  }
0x1ed: {  	v61 =	vld.idx.msk [tilespmem:v28+s24+$0x0], $0xffff  }
0x1ee: {  	v31 =	vadd.f32 v59, v31  }
0x1ef: {  	v62 =	vld.idx.msk [tilespmem:v29+s24+$0x0], $0xffff  }
0x1f0: {  	v31 =	vadd.f32 v60, v31  }
0x1f1: {  	v63 =	vld.idx.msk [tilespmem:v30+s24+$0x0], $0xffff  }
0x1f2: {  	s21 =	sadd.s32 $0x10, s21;
	v31 =	vadd.f32 v61, v31  }
0x1f3: {  	p0 =	sne.s32 s21, $0x210  }
.Ltmp0:
0x1f4: {  	s20 =	sadd.s32 $0x10, s20;
	s28 =	simm.s32 $0x1;
	v31 =	vadd.f32 v62, v31;
	(pc) =	sbr.rel @p0 .LBB2_2-.Ltmp0, $4  }
0x1f5: {  	s29 =	simm.s32 $0x2;
	s30 =	simm.s32 $0x3;
	s31 =	simm.s32 $0x4  }
0x1f6: {  	s18 =	sadd.s32 $0x10, s18;
	s13 =	simm.s32 $0xB400;
	s10 =	simm.s32 $0x7A1400;
	v31 =	vadd.f32 v63, v31  }
0x1f7: {  	s5 =	simm.s32 $0x9400;
	s26 =	simm.s32 $0x2400;
	s7 =	simm.s32 $0xA400  }
0x1f8: {  	s4 =	simm.s32 $0x1400;
	s8 =	simm.s32 $0x3400;
	[tilespmem:s19+$0x0] =	vst v31;
	s19 =	sadd.s32 $0x10, s19  }
0x1f9: {  	s9 =	simm.s32 $0x0;
	s0 =	rddreg [dreg:$0x8];
	s3 =	simm.s32 $0x10C00  }
0x1fa: {  	[hbm4b:s0+s9] =	stream.linear.scatter [tilespmem:s3], [sflag:$0x11], $0x200, $0x38;
	[tilespmem:$0x10E00] =	vst v63  }
0x1fb: {  	s3 =	simm.s32 $0x11  }
0x1fc: {  	_ =	swait.ge [sflag:s3], $0x200  }
0x1fd: {  	s18 =	rddreg [dreg:$0xa]  }
0x1fe: {  	s25 =	rddreg [dreg:$0x9];
	s18 =	sadd.s32 $0x1, s18  }
0x1ff: {  	p0 =	sne.s32 s18, s25  }
.Ltmp1:
0x200: {  	_ = 	snop;
	(pc) =	sbr.rel @p0 .LBB2_1-.Ltmp1, $4  }
0x201: {  	s19 =	simm.s32 $0x4400  }
0x202: {  	s20 =	simm.s32 $0xC400;
	s21 =	simm.s32 $0x5400;
	s22 =	simm.s32 $0xD400  }
0x203: {  	s24 =	simm.s32 $0x6400;
	s6 =	simm.s32 $0xE400;
	[sflag:s3] =	ssyncset.done $0x0  }
0x204: {  	s17 =	simm.s32 $0xF400;
	[sflag:s3] =	ssyncadd.s32 $0xFFFFFE00;
	s25 =	simm.s32 $0x7400  }
0x205: {  	_ =	sfence.sel $0x180000  }
0x206: {  	[bflag:$0x0] =	sbarrier.arrive $0xFFFF  }
0x207: {  	_ =	strace $0x90000047  }
0x208: {  	s0 =	stileid.u32;
	[bflag:$0x2] =	sbarrier.arrive $0xFFFF  }
0x209: {  	p0 =	sne.s32 s0, $0x0;
	s0 =	rddreg [dreg:$0x5]  }
0x20a: {  	s0 =	sadd.s32 @!p0 $0x100000, s0  }
0x20b: {  	[sflag:s0] =	ssyncadd.tile.s32 @!p0 $0x1;
	_ =	shalt  }
.Lfunc_end2:
_tile_overlayer_lowered:
.L_overlay_start_2:
0x20c: {  	(tag) =	ssettag $0x2  }
0x20d: {  	s0 =	rddreg [dreg:$0x0];
	s2 =	stileid.u32  }
0x20e: {  	s1 =	rddreg [dreg:$0x1];
	p0 =	sne.s32 s2, $0x0  }
0x20f: {  	s3 =	rddreg [dreg:$0x2];
	[bflag:$0x3] =	sbarrier.arrive $0xFFFF;
	s2 =	simm.s32 @!p0 $0x1C11  }
0x210: {  	[timem:s3], [sflag:s2] =	dma.local @!p0 [hbm:s0], s1  }
0x211: {  	s0 =	simm.s32 @!p0 $0x11  }
0x212: {  	_ =	swait.ge @!p0 [sflag:s0], s1  }
0x213: {  	s1 =	ssub.s32 @!p0 $0x0, s1;
	[sflag:s0] =	ssyncset.done @!p0 $0x0  }
0x214: {  	[sflag:s0] =	ssyncadd.s32 @!p0 s1  }
0x215: {  	[bflag:$0x3] =	sbarrier.arrive $0xFFFF  }
0x216: {  	_ =	shalt  }

</sc_bundles>
